<compile_context>
chip_gen: v7x
topology: tpu7x:2x2x1
jax: 0.10.2.dev20260603
libtpu: 0.0.44.dev20260713+nightly
codegen_flags: <defaults>
</compile_context>

<pallas_src>
import functools

import jax
import jax.numpy as jnp
from jax import lax
from jax.experimental import pallas as pl
from jax.experimental.pallas import tpu as pltpu
from jax.experimental.pallas import tpu_sc as plsc

N = 512
E_TOTAL = 16384
HEADS = 4
HID = 32
HH = HEADS * HID

NW = 32
EPW = E_TOTAL // NW
CW = N * N
SLICE = CW // 16
ZCH = 2048

_DN_T = (((1,), (1,)), ((), ()))



def _sc_count_body(src_hbm, dst_hbm, out_hbm, src_v, dst_v, idx_v, ones_v,
                   z_v, cacc, sem):
    cid = lax.axis_index("c")
    sid = lax.axis_index("s")
    base = (cid * 16 + sid) * EPW

    e_cp = [pltpu.async_copy(src_hbm.at[pl.ds(base, EPW)], src_v, sem),
            pltpu.async_copy(dst_hbm.at[pl.ds(base, EPW)], dst_v, sem)]

    for i in range(8):
        ones_v[pl.ds(i * 16, 16)] = jnp.full((16,), 1.0, jnp.float32)

    def zfill(i, carry):
        z_v[pl.ds(i * 16, 16)] = jnp.zeros((16,), jnp.float32)
        return carry
    lax.fori_loop(0, ZCH // 16, zfill, 0)

    z_cp = [pltpu.async_copy(z_v, cacc.at[pl.ds(sid * SLICE + j * ZCH, ZCH)],
                             sem)
            for j in range(SLICE // ZCH)]
    for cp in e_cp:
        cp.wait()

    for j in range(4):
        for i in range(8):
            o = j * 128 + i * 16
            idx_v[j, pl.ds(i * 16, 16)] = (
                dst_v[pl.ds(o, 16)] * N + src_v[pl.ds(o, 16)])

    for cp in z_cp:
        cp.wait()
    plsc.subcore_barrier()

    s_cp = [pltpu.async_copy(ones_v, cacc.at[idx_v.at[j]], sem, add=True)
            for j in range(4)]
    for cp in s_cp:
        cp.wait()

    plsc.subcore_barrier()

    rows0 = sid * (SLICE // N)
    cps = [pltpu.async_copy(cacc.at[pl.ds((rows0 + r) * N, N)],
                            out_hbm.at[cid * N + rows0 + r], sem)
           for r in range(SLICE // N)]
    for cp in cps:
        cp.wait()


@functools.cache
def _sc_count():
    mesh = plsc.VectorSubcoreMesh(core_axis_name="c", subcore_axis_name="s")
    return functools.partial(
        pl.kernel,
        mesh=mesh,
        out_type=jax.ShapeDtypeStruct((2 * N, N), jnp.float32),
        scratch_types=[
            pltpu.VMEM((EPW,), jnp.int32),
            pltpu.VMEM((EPW,), jnp.int32),
            pltpu.VMEM((4, 128), jnp.int32),
            pltpu.VMEM((128,), jnp.float32),
            pltpu.VMEM((ZCH,), jnp.float32),
            pltpu.VMEM_SHARED((CW,), jnp.float32),
            pltpu.SemaphoreType.DMA,
        ],
    )(_sc_count_body)



def _leaky(x, slope):
    return jnp.maximum(x, slope * x)


def _gat_dense(xv, C, ones_col, W, AselD, AselST, b):
    h = jnp.dot(xv, W, preferred_element_type=jnp.float32)
    ad = jnp.dot(h, AselD, preferred_element_type=jnp.float32)
    asT = jax.lax.dot_general(AselST, h, _DN_T,
                              preferred_element_type=jnp.float32)
    outs = []
    for hd in range(HEADS):
        ad_col = ad[:, hd:hd + 1]
        as_row = asT[hd:hd + 1, :]
        E = _leaky(ad_col + as_row, 0.2)
        P = C * jnp.exp2(E)
        hsel = jnp.concatenate([h[:, hd * HID:(hd + 1) * HID], ones_col],
                               axis=1)
        nd = jnp.dot(P, hsel, preferred_element_type=jnp.float32)
        outs.append(nd[:, :HID] / nd[:, HID:HID + 1])
    return jnp.concatenate(outs, axis=1) + b


def _tc_body(C2_ref, x_ref,
             W1_ref, S1_ref, D1_ref, b1_ref,
             W2_ref, S2_ref, D2_ref, b2_ref,
             W3_ref, S3_ref, D3_ref, b3_ref,
             Wf1a_ref, Wf1bT_ref, bf1_ref, Wf2_ref, bf2_ref,
             out_ref):
    iota_col = jax.lax.broadcasted_iota(jnp.int32, (N, 1), 0)
    iota_row = jax.lax.broadcasted_iota(jnp.int32, (1, N), 1)
    C = C2_ref[0:N, :] + C2_ref[N:2 * N, :] \
        + (iota_col == iota_row).astype(jnp.float32)
    ones_col = jnp.ones((N, 1), dtype=jnp.float32)

    x = x_ref[...]
    x1 = _leaky(_gat_dense(x, C, ones_col, W1_ref[...], S1_ref[...],
                           D1_ref[...], b1_ref[...]), 0.01)
    x2 = _leaky(_gat_dense(x1, C, ones_col, W2_ref[...], S2_ref[...],
                           D2_ref[...], b2_ref[...]), 0.01)
    x3 = _leaky(_gat_dense(x2, C, ones_col, W3_ref[...], S3_ref[...],
                           D3_ref[...], b3_ref[...]), 0.01)

    A = jnp.dot(x3, Wf1a_ref[...],
                preferred_element_type=jnp.float32) + bf1_ref[...]
    BT = jax.lax.dot_general(Wf1bT_ref[...], x3, _DN_T,
                             preferred_element_type=jnp.float32)
    Wf2 = Wf2_ref[...]
    acc = jnp.zeros((N, N), dtype=jnp.float32) + bf2_ref[0, 0]
    for k in range(HID):
        t = jnp.maximum(A[:, k:k + 1] + BT[k:k + 1, :], 0.0)
        acc = acc + Wf2[0:1, k:k + 1] * t
    out_ref[...] = acc


@jax.jit
def kernel(x, edge_index, W1, a1_src, a1_dst, b1, W2, a2_src, a2_dst, b2,
           W3, a3_src, a3_dst, b3, Wf1, bf1, Wf2, bf2):
    ei = edge_index.astype(jnp.int32)

    C2 = _sc_count()(ei[0], ei[1])

    blk = (jnp.arange(HH, dtype=jnp.int32)[:, None] // HID
           == jnp.arange(HEADS, dtype=jnp.int32)[None, :]).astype(jnp.float32)
    log2e = 1.4426950408889634

    def sel(a):
        return (log2e * a).reshape(HH, 1) * blk

    args = (C2, x,
            W1, sel(a1_dst), sel(a1_src).T, b1.reshape(1, HH),
            W2, sel(a2_dst), sel(a2_src).T, b2.reshape(1, HH),
            W3, sel(a3_dst), sel(a3_src).T, b3.reshape(1, HH),
            Wf1[:HH], Wf1[HH:].T, bf1.reshape(1, HID),
            Wf2.reshape(1, HID), bf2.reshape(1, 1))

    return pl.pallas_call(
        _tc_body,
        out_shape=jax.ShapeDtypeStruct((N, N), jnp.float32),
    )(*args)

# --- scband reference (transcript-rebuilt; emitter-appended) ---
"""Pipeline reference for scband-gnnrouting-model-463856468120 (READ-ONLY COPY).

The authoritative reference and input builder live on the scoring server;
editing this copy changes nothing except your own understanding.
"""

import jax, jax.numpy as jnp
import numpy as np

HEADS = 4
HID = 32
IN_DIM = 128
N_NODES = 512
N_EDGES = 16384


def _gat(x, edge_index, W, a_src, a_dst, b):
    N = x.shape[0]
    loops = jnp.arange(N, dtype=edge_index.dtype)
    src = jnp.concatenate([edge_index[0], loops])
    dst = jnp.concatenate([edge_index[1], loops])
    h = (x @ W).reshape(N, HEADS, HID)
    a_s = jnp.sum(h * a_src[None], axis=-1)
    a_d = jnp.sum(h * a_dst[None], axis=-1)
    e = jax.nn.leaky_relu(a_s[src] + a_d[dst], negative_slope=0.2)
    m = jax.ops.segment_max(e, dst, num_segments=N)
    m = jnp.where(jnp.isfinite(m), m, 0.0)
    ex = jnp.exp(e - m[dst])
    s = jax.ops.segment_sum(ex, dst, num_segments=N)
    alpha = ex / (s[dst] + 1e-16)
    out = jax.ops.segment_sum(alpha[:, :, None] * h[src], dst, num_segments=N)
    return out.reshape(N, HEADS * HID) + b


def setup_inputs(seed: int = 0) -> dict:
    key = jax.random.key(seed)
    ks = jax.random.split(key, 20)
    d = {}
    d['x'] = jax.random.normal(ks[0], (N_NODES, IN_DIM), dtype=jnp.float32)
    d['edge_index'] = jax.random.randint(ks[1], (2, N_EDGES), 0, N_NODES, dtype=jnp.int64)
    hh = HEADS * HID
    d['W1'] = jax.random.normal(ks[2], (IN_DIM, hh), dtype=jnp.float32) * 0.05
    d['a1_src'] = jax.random.normal(ks[3], (HEADS, HID), dtype=jnp.float32) * 0.05
    d['a1_dst'] = jax.random.normal(ks[4], (HEADS, HID), dtype=jnp.float32) * 0.05
    d['b1'] = jnp.zeros((hh,), dtype=jnp.float32)
    d['W2'] = jax.random.normal(ks[5], (hh, hh), dtype=jnp.float32) * 0.05
    d['a2_src'] = jax.random.normal(ks[6], (HEADS, HID), dtype=jnp.float32) * 0.05
    d['a2_dst'] = jax.random.normal(ks[7], (HEADS, HID), dtype=jnp.float32) * 0.05
    d['b2'] = jnp.zeros((hh,), dtype=jnp.float32)
    d['W3'] = jax.random.normal(ks[8], (hh, hh), dtype=jnp.float32) * 0.05
    d['a3_src'] = jax.random.normal(ks[9], (HEADS, HID), dtype=jnp.float32) * 0.05
    d['a3_dst'] = jax.random.normal(ks[10], (HEADS, HID), dtype=jnp.float32) * 0.05
    d['b3'] = jnp.zeros((hh,), dtype=jnp.float32)
    d['Wf1'] = jax.random.normal(ks[11], (hh * 2, HID), dtype=jnp.float32) * 0.05
    d['bf1'] = jnp.zeros((HID,), dtype=jnp.float32)
    d['Wf2'] = jax.random.normal(ks[12], (HID, 1), dtype=jnp.float32) * 0.05
    d['bf2'] = jnp.zeros((1,), dtype=jnp.float32)
    return d


def reference(x, edge_index, W1, a1_src, a1_dst, b1, W2, a2_src, a2_dst, b2, W3, a3_src, a3_dst, b3, Wf1, bf1, Wf2, bf2):
    x1 = jax.nn.leaky_relu(_gat(x, edge_index, W1, a1_src, a1_dst, b1), negative_slope=0.01)
    x2 = jax.nn.leaky_relu(_gat(x1, edge_index, W2, a2_src, a2_dst, b2), negative_slope=0.01)
    x3 = jax.nn.leaky_relu(_gat(x2, edge_index, W3, a3_src, a3_dst, b3), negative_slope=0.01)
    N = x.shape[0]
    row_idx = jnp.repeat(jnp.arange(N), N)
    col_idx = jnp.tile(jnp.arange(N), N)
    x_pair = jnp.concatenate([x3[row_idx], x3[col_idx]], axis=1)
    h = jax.nn.relu(x_pair @ Wf1 + bf1)
    out = (h @ Wf2 + bf2).reshape(N, N)
    return out

if __name__ == "__main__":
    import jax
    _d = setup_inputs()
    print(jax.jit(kernel)(*tuple(_d.values())))

</pallas_src>

<mosaic_0001>
#map = affine_map<(d0, d1) -> (0)>
#map1 = affine_map<(d0, d1) -> (0, 0)>
module attributes {stable_mosaic.version = 14 : i64} {
  func.func @_sc_count_body(%arg0: i32, %arg1: i32, %arg2: memref<16384xi32, #tpu.memory_space<hbm>>, %arg3: memref<16384xi32, #tpu.memory_space<hbm>>, %arg4: memref<1024x512xf32, #tpu.memory_space<hbm>>, %arg5: memref<512xi32, #tpu.memory_space<vmem>>, %arg6: memref<512xi32, #tpu.memory_space<vmem>>, %arg7: memref<4x128xi32, #tpu.memory_space<vmem>>, %arg8: memref<128xf32, #tpu.memory_space<vmem>>, %arg9: memref<2048xf32, #tpu.memory_space<vmem>>, %arg10: memref<262144xf32, #tpu.memory_space<vmem_shared>>, %arg11: memref<!tpu.dma_semaphore, #tpu.memory_space<semaphore_mem>>) attributes {dimension_semantics = [#tpu.dimension_semantics<core_parallel>, #tpu.dimension_semantics<subcore_parallel>], iteration_bounds = array<i64: 2, 16>, scalar_prefetch = 0 : i64, scratch_operands = 7 : i64, tpu.core_type = #tpu.core_type<sc_vector_subcore>, window_params = [{transform_indices = #map}, {transform_indices = #map}, {transform_indices = #map1}]} {
    %mul3A = arith.constant 16 : i32
    %mul3A_0 = arith.muli %arg0, %mul3A : i32
    %add3A = arith.addi %mul3A_0, %arg1 : i32
    %mul3A_1 = arith.constant 512 : i32
    %mul3A_2 = arith.muli %add3A, %mul3A_1 : i32
    %dma_start3A = tpu.memref_slice %arg2[%mul3A_2] : memref<16384xi32, #tpu.memory_space<hbm>> -> memref<512xi32, #tpu.memory_space<hbm>>
    %dma_start3A_3 = tpu.memref_slice %arg2[%mul3A_2] : memref<16384xi32, #tpu.memory_space<hbm>> -> memref<512xi32, #tpu.memory_space<hbm>>
    tpu.enqueue_dma source(%dma_start3A_3 : memref<512xi32, #tpu.memory_space<hbm>>) target(%arg5 : memref<512xi32, #tpu.memory_space<vmem>>) target_semaphore(%arg11 : memref<!tpu.dma_semaphore, #tpu.memory_space<semaphore_mem>>)
    %dma_start3A_4 = tpu.memref_slice %arg3[%mul3A_2] : memref<16384xi32, #tpu.memory_space<hbm>> -> memref<512xi32, #tpu.memory_space<hbm>>
    %dma_start3A_5 = tpu.memref_slice %arg3[%mul3A_2] : memref<16384xi32, #tpu.memory_space<hbm>> -> memref<512xi32, #tpu.memory_space<hbm>>
    tpu.enqueue_dma source(%dma_start3A_5 : memref<512xi32, #tpu.memory_space<hbm>>) target(%arg6 : memref<512xi32, #tpu.memory_space<vmem>>) target_semaphore(%arg11 : memref<!tpu.dma_semaphore, #tpu.memory_space<semaphore_mem>>)
    %broadcast_in_dim3A = arith.constant 1.000000e+00 : f32
    %broadcast_in_dim3A_6 = vector.broadcast %broadcast_in_dim3A : f32 to vector<16xf32>
    %swap3A = arith.constant 0 : index
    %swap3A_7 = tpu.vector_load %arg8[%swap3A] {strides = array<i32>} : memref<128xf32, #tpu.memory_space<vmem>>, vector<16xf32>,
    %swap3A_8 = vector.shape_cast %swap3A_7 : vector<16xf32> to vector<16xf32>
    %swap3A_9 = vector.shape_cast %broadcast_in_dim3A_6 : vector<16xf32> to vector<16xf32>
    tpu.vector_store %arg8[%swap3A], %swap3A_9 {strides = array<i32>} : memref<128xf32, #tpu.memory_space<vmem>>, vector<16xf32>,
    %broadcast_in_dim3A_10 = arith.constant 1.000000e+00 : f32
    %broadcast_in_dim3A_11 = vector.broadcast %broadcast_in_dim3A_10 : f32 to vector<16xf32>
    %swap3A_12 = arith.constant 16 : index
    %swap3A_13 = tpu.vector_load %arg8[%swap3A_12] {strides = array<i32>} : memref<128xf32, #tpu.memory_space<vmem>>, vector<16xf32>,
    %swap3A_14 = vector.shape_cast %swap3A_13 : vector<16xf32> to vector<16xf32>
    %swap3A_15 = vector.shape_cast %broadcast_in_dim3A_11 : vector<16xf32> to vector<16xf32>
    tpu.vector_store %arg8[%swap3A_12], %swap3A_15 {strides = array<i32>} : memref<128xf32, #tpu.memory_space<vmem>>, vector<16xf32>,
    %broadcast_in_dim3A_16 = arith.constant 1.000000e+00 : f32
    %broadcast_in_dim3A_17 = vector.broadcast %broadcast_in_dim3A_16 : f32 to vector<16xf32>
    %swap3A_18 = arith.constant 32 : index
    %swap3A_19 = tpu.vector_load %arg8[%swap3A_18] {strides = array<i32>} : memref<128xf32, #tpu.memory_space<vmem>>, vector<16xf32>,
    %swap3A_20 = vector.shape_cast %swap3A_19 : vector<16xf32> to vector<16xf32>
    %swap3A_21 = vector.shape_cast %broadcast_in_dim3A_17 : vector<16xf32> to vector<16xf32>
    tpu.vector_store %arg8[%swap3A_18], %swap3A_21 {strides = array<i32>} : memref<128xf32, #tpu.memory_space<vmem>>, vector<16xf32>,
    %broadcast_in_dim3A_22 = arith.constant 1.000000e+00 : f32
    %broadcast_in_dim3A_23 = vector.broadcast %broadcast_in_dim3A_22 : f32 to vector<16xf32>
    %swap3A_24 = arith.constant 48 : index
    %swap3A_25 = tpu.vector_load %arg8[%swap3A_24] {strides = array<i32>} : memref<128xf32, #tpu.memory_space<vmem>>, vector<16xf32>,
    %swap3A_26 = vector.shape_cast %swap3A_25 : vector<16xf32> to vector<16xf32>
    %swap3A_27 = vector.shape_cast %broadcast_in_dim3A_23 : vector<16xf32> to vector<16xf32>
    tpu.vector_store %arg8[%swap3A_24], %swap3A_27 {strides = array<i32>} : memref<128xf32, #tpu.memory_space<vmem>>, vector<16xf32>,
    %broadcast_in_dim3A_28 = arith.constant 1.000000e+00 : f32
    %broadcast_in_dim3A_29 = vector.broadcast %broadcast_in_dim3A_28 : f32 to vector<16xf32>
    %swap3A_30 = arith.constant 64 : index
    %swap3A_31 = tpu.vector_load %arg8[%swap3A_30] {strides = array<i32>} : memref<128xf32, #tpu.memory_space<vmem>>, vector<16xf32>,
    %swap3A_32 = vector.shape_cast %swap3A_31 : vector<16xf32> to vector<16xf32>
    %swap3A_33 = vector.shape_cast %broadcast_in_dim3A_29 : vector<16xf32> to vector<16xf32>
    tpu.vector_store %arg8[%swap3A_30], %swap3A_33 {strides = array<i32>} : memref<128xf32, #tpu.memory_space<vmem>>, vector<16xf32>,
    %broadcast_in_dim3A_34 = arith.constant 1.000000e+00 : f32
    %broadcast_in_dim3A_35 = vector.broadcast %broadcast_in_dim3A_34 : f32 to vector<16xf32>
    %swap3A_36 = arith.constant 80 : index
    %swap3A_37 = tpu.vector_load %arg8[%swap3A_36] {strides = array<i32>} : memref<128xf32, #tpu.memory_space<vmem>>, vector<16xf32>,
    %swap3A_38 = vector.shape_cast %swap3A_37 : vector<16xf32> to vector<16xf32>
    %swap3A_39 = vector.shape_cast %broadcast_in_dim3A_35 : vector<16xf32> to vector<16xf32>
    tpu.vector_store %arg8[%swap3A_36], %swap3A_39 {strides = array<i32>} : memref<128xf32, #tpu.memory_space<vmem>>, vector<16xf32>,
    %broadcast_in_dim3A_40 = arith.constant 1.000000e+00 : f32
    %broadcast_in_dim3A_41 = vector.broadcast %broadcast_in_dim3A_40 : f32 to vector<16xf32>
    %swap3A_42 = arith.constant 96 : index
    %swap3A_43 = tpu.vector_load %arg8[%swap3A_42] {strides = array<i32>} : memref<128xf32, #tpu.memory_space<vmem>>, vector<16xf32>,
    %swap3A_44 = vector.shape_cast %swap3A_43 : vector<16xf32> to vector<16xf32>
    %swap3A_45 = vector.shape_cast %broadcast_in_dim3A_41 : vector<16xf32> to vector<16xf32>
    tpu.vector_store %arg8[%swap3A_42], %swap3A_45 {strides = array<i32>} : memref<128xf32, #tpu.memory_space<vmem>>, vector<16xf32>,
    %broadcast_in_dim3A_46 = arith.constant 1.000000e+00 : f32
    %broadcast_in_dim3A_47 = vector.broadcast %broadcast_in_dim3A_46 : f32 to vector<16xf32>
    %swap3A_48 = arith.constant 112 : index
    %swap3A_49 = tpu.vector_load %arg8[%swap3A_48] {strides = array<i32>} : memref<128xf32, #tpu.memory_space<vmem>>, vector<16xf32>,
    %swap3A_50 = vector.shape_cast %swap3A_49 : vector<16xf32> to vector<16xf32>
    %swap3A_51 = vector.shape_cast %broadcast_in_dim3A_47 : vector<16xf32> to vector<16xf32>
    tpu.vector_store %arg8[%swap3A_48], %swap3A_51 {strides = array<i32>} : memref<128xf32, #tpu.memory_space<vmem>>, vector<16xf32>,
    %scan3A = arith.constant 0 : i32
    %scan3A_52 = arith.constant 0 : i32
    %scan3A_53 = arith.constant 128 : i32
    %scan3A_54 = arith.addi %scan3A_52, %scan3A_53 : i32
    %scan3A_55 = arith.constant 1 : i32
    scf.for %scan3A_1230 = %scan3A_52 to %scan3A_54 step %scan3A_55  : i32 {
      %broadcast_in_dim3A_1231 = arith.constant 0.000000e+00 : f32
      %broadcast_in_dim3A_1232 = vector.broadcast %broadcast_in_dim3A_1231 : f32 to vector<16xf32>
      %mul3A_1233 = arith.constant 16 : i32
      %mul3A_1234 = arith.muli %scan3A_1230, %mul3A_1233 : i32
      %swap3A_1235 = arith.index_cast %mul3A_1234 : i32 to index
      %swap3A_1236 = tpu.vector_load %arg9[%swap3A_1235] {strides = array<i32>} : memref<2048xf32, #tpu.memory_space<vmem>>, vector<16xf32>,
      %swap3A_1237 = vector.shape_cast %swap3A_1236 : vector<16xf32> to vector<16xf32>
      %swap3A_1238 = vector.shape_cast %broadcast_in_dim3A_1232 : vector<16xf32> to vector<16xf32>
      tpu.vector_store %arg9[%swap3A_1235], %swap3A_1238 {strides = array<i32>} : memref<2048xf32, #tpu.memory_space<vmem>>, vector<16xf32>,
    }
    %scan3A_56 = arith.constant 128 : i32
    %mul3A_57 = arith.constant 16384 : i32
    %mul3A_58 = arith.muli %arg1, %mul3A_57 : i32
    %add3A_59 = arith.constant 0 : i32
    %add3A_60 = arith.addi %mul3A_58, %add3A_59 : i32
    %dma_start3A_61 = tpu.memref_slice %arg10[%add3A_60] : memref<262144xf32, #tpu.memory_space<vmem_shared>> -> memref<2048xf32, #tpu.memory_space<vmem_shared>>
    %dma_start3A_62 = tpu.memref_slice %arg10[%add3A_60] : memref<262144xf32, #tpu.memory_space<vmem_shared>> -> memref<2048xf32, #tpu.memory_space<vmem_shared>>
    tpu.enqueue_dma source(%arg9 : memref<2048xf32, #tpu.memory_space<vmem>>) target(%dma_start3A_62 : memref<2048xf32, #tpu.memory_space<vmem_shared>>) target_semaphore(%arg11 : memref<!tpu.dma_semaphore, #tpu.memory_space<semaphore_mem>>)
    %mul3A_63 = arith.constant 16384 : i32
    %mul3A_64 = arith.muli %arg1, %mul3A_63 : i32
    %add3A_65 = arith.constant 2048 : i32
    %add3A_66 = arith.addi %mul3A_64, %add3A_65 : i32
    %dma_start3A_67 = tpu.memref_slice %arg10[%add3A_66] : memref<262144xf32, #tpu.memory_space<vmem_shared>> -> memref<2048xf32, #tpu.memory_space<vmem_shared>>
    %dma_start3A_68 = tpu.memref_slice %arg10[%add3A_66] : memref<262144xf32, #tpu.memory_space<vmem_shared>> -> memref<2048xf32, #tpu.memory_space<vmem_shared>>
    tpu.enqueue_dma source(%arg9 : memref<2048xf32, #tpu.memory_space<vmem>>) target(%dma_start3A_68 : memref<2048xf32, #tpu.memory_space<vmem_shared>>) target_semaphore(%arg11 : memref<!tpu.dma_semaphore, #tpu.memory_space<semaphore_mem>>)
    %mul3A_69 = arith.constant 16384 : i32
    %mul3A_70 = arith.muli %arg1, %mul3A_69 : i32
    %add3A_71 = arith.constant 4096 : i32
    %add3A_72 = arith.addi %mul3A_70, %add3A_71 : i32
    %dma_start3A_73 = tpu.memref_slice %arg10[%add3A_72] : memref<262144xf32, #tpu.memory_space<vmem_shared>> -> memref<2048xf32, #tpu.memory_space<vmem_shared>>
    %dma_start3A_74 = tpu.memref_slice %arg10[%add3A_72] : memref<262144xf32, #tpu.memory_space<vmem_shared>> -> memref<2048xf32, #tpu.memory_space<vmem_shared>>
    tpu.enqueue_dma source(%arg9 : memref<2048xf32, #tpu.memory_space<vmem>>) target(%dma_start3A_74 : memref<2048xf32, #tpu.memory_space<vmem_shared>>) target_semaphore(%arg11 : memref<!tpu.dma_semaphore, #tpu.memory_space<semaphore_mem>>)
    %mul3A_75 = arith.constant 16384 : i32
    %mul3A_76 = arith.muli %arg1, %mul3A_75 : i32
    %add3A_77 = arith.constant 6144 : i32
    %add3A_78 = arith.addi %mul3A_76, %add3A_77 : i32
    %dma_start3A_79 = tpu.memref_slice %arg10[%add3A_78] : memref<262144xf32, #tpu.memory_space<vmem_shared>> -> memref<2048xf32, #tpu.memory_space<vmem_shared>>
    %dma_start3A_80 = tpu.memref_slice %arg10[%add3A_78] : memref<262144xf32, #tpu.memory_space<vmem_shared>> -> memref<2048xf32, #tpu.memory_space<vmem_shared>>
    tpu.enqueue_dma source(%arg9 : memref<2048xf32, #tpu.memory_space<vmem>>) target(%dma_start3A_80 : memref<2048xf32, #tpu.memory_space<vmem_shared>>) target_semaphore(%arg11 : memref<!tpu.dma_semaphore, #tpu.memory_space<semaphore_mem>>)
    %mul3A_81 = arith.constant 16384 : i32
    %mul3A_82 = arith.muli %arg1, %mul3A_81 : i32
    %add3A_83 = arith.constant 8192 : i32
    %add3A_84 = arith.addi %mul3A_82, %add3A_83 : i32
    %dma_start3A_85 = tpu.memref_slice %arg10[%add3A_84] : memref<262144xf32, #tpu.memory_space<vmem_shared>> -> memref<2048xf32, #tpu.memory_space<vmem_shared>>
    %dma_start3A_86 = tpu.memref_slice %arg10[%add3A_84] : memref<262144xf32, #tpu.memory_space<vmem_shared>> -> memref<2048xf32, #tpu.memory_space<vmem_shared>>
    tpu.enqueue_dma source(%arg9 : memref<2048xf32, #tpu.memory_space<vmem>>) target(%dma_start3A_86 : memref<2048xf32, #tpu.memory_space<vmem_shared>>) target_semaphore(%arg11 : memref<!tpu.dma_semaphore, #tpu.memory_space<semaphore_mem>>)
    %mul3A_87 = arith.constant 16384 : i32
    %mul3A_88 = arith.muli %arg1, %mul3A_87 : i32
    %add3A_89 = arith.constant 10240 : i32
    %add3A_90 = arith.addi %mul3A_88, %add3A_89 : i32
    %dma_start3A_91 = tpu.memref_slice %arg10[%add3A_90] : memref<262144xf32, #tpu.memory_space<vmem_shared>> -> memref<2048xf32, #tpu.memory_space<vmem_shared>>
    %dma_start3A_92 = tpu.memref_slice %arg10[%add3A_90] : memref<262144xf32, #tpu.memory_space<vmem_shared>> -> memref<2048xf32, #tpu.memory_space<vmem_shared>>
    tpu.enqueue_dma source(%arg9 : memref<2048xf32, #tpu.memory_space<vmem>>) target(%dma_start3A_92 : memref<2048xf32, #tpu.memory_space<vmem_shared>>) target_semaphore(%arg11 : memref<!tpu.dma_semaphore, #tpu.memory_space<semaphore_mem>>)
    %mul3A_93 = arith.constant 16384 : i32
    %mul3A_94 = arith.muli %arg1, %mul3A_93 : i32
    %add3A_95 = arith.constant 12288 : i32
    %add3A_96 = arith.addi %mul3A_94, %add3A_95 : i32
    %dma_start3A_97 = tpu.memref_slice %arg10[%add3A_96] : memref<262144xf32, #tpu.memory_space<vmem_shared>> -> memref<2048xf32, #tpu.memory_space<vmem_shared>>
    %dma_start3A_98 = tpu.memref_slice %arg10[%add3A_96] : memref<262144xf32, #tpu.memory_space<vmem_shared>> -> memref<2048xf32, #tpu.memory_space<vmem_shared>>
    tpu.enqueue_dma source(%arg9 : memref<2048xf32, #tpu.memory_space<vmem>>) target(%dma_start3A_98 : memref<2048xf32, #tpu.memory_space<vmem_shared>>) target_semaphore(%arg11 : memref<!tpu.dma_semaphore, #tpu.memory_space<semaphore_mem>>)
    %mul3A_99 = arith.constant 16384 : i32
    %mul3A_100 = arith.muli %arg1, %mul3A_99 : i32
    %add3A_101 = arith.constant 14336 : i32
    %add3A_102 = arith.addi %mul3A_100, %add3A_101 : i32
    %dma_start3A_103 = tpu.memref_slice %arg10[%add3A_102] : memref<262144xf32, #tpu.memory_space<vmem_shared>> -> memref<2048xf32, #tpu.memory_space<vmem_shared>>
    %dma_start3A_104 = tpu.memref_slice %arg10[%add3A_102] : memref<262144xf32, #tpu.memory_space<vmem_shared>> -> memref<2048xf32, #tpu.memory_space<vmem_shared>>
    tpu.enqueue_dma source(%arg9 : memref<2048xf32, #tpu.memory_space<vmem>>) target(%dma_start3A_104 : memref<2048xf32, #tpu.memory_space<vmem_shared>>) target_semaphore(%arg11 : memref<!tpu.dma_semaphore, #tpu.memory_space<semaphore_mem>>)
    %dma_wait3A = tpu.memref_slice %arg2[%mul3A_2] : memref<16384xi32, #tpu.memory_space<hbm>> -> memref<512xi32, #tpu.memory_space<hbm>>
    %dma_wait3A_105 = tpu.memref_slice %arg2[%mul3A_2] : memref<16384xi32, #tpu.memory_space<hbm>> -> memref<512xi32, #tpu.memory_space<hbm>>
    tpu.wait_dma2 semaphore(%arg11 : memref<!tpu.dma_semaphore, #tpu.memory_space<semaphore_mem>>) src(%dma_wait3A_105 : memref<512xi32, #tpu.memory_space<hbm>>) dst(%arg5 : memref<512xi32, #tpu.memory_space<vmem>>)
    %dma_wait3A_106 = tpu.memref_slice %arg3[%mul3A_2] : memref<16384xi32, #tpu.memory_space<hbm>> -> memref<512xi32, #tpu.memory_space<hbm>>
    %dma_wait3A_107 = tpu.memref_slice %arg3[%mul3A_2] : memref<16384xi32, #tpu.memory_space<hbm>> -> memref<512xi32, #tpu.memory_space<hbm>>
    tpu.wait_dma2 semaphore(%arg11 : memref<!tpu.dma_semaphore, #tpu.memory_space<semaphore_mem>>) src(%dma_wait3A_107 : memref<512xi32, #tpu.memory_space<hbm>>) dst(%arg6 : memref<512xi32, #tpu.memory_space<vmem>>)
    %get3A = arith.constant 0 : index
    %get3A_108 = tpu.vector_load %arg6[%get3A] {strides = array<i32>} : memref<512xi32, #tpu.memory_space<vmem>>, vector<16xi32>,
    %get3A_109 = vector.shape_cast %get3A_108 : vector<16xi32> to vector<16xi32>
    %mul3A_110 = arith.constant 512 : i32
    %mul3A_111 = vector.broadcast %mul3A_110 : i32 to vector<16xi32>
    %mul3A_112 = arith.muli %get3A_109, %mul3A_111 : vector<16xi32>
    %get3A_113 = arith.constant 0 : index
    %get3A_114 = tpu.vector_load %arg5[%get3A_113] {strides = array<i32>} : memref<512xi32, #tpu.memory_space<vmem>>, vector<16xi32>,
    %get3A_115 = vector.shape_cast %get3A_114 : vector<16xi32> to vector<16xi32>
    %add3A_116 = arith.addi %mul3A_112, %get3A_115 : vector<16xi32>
    %swap3A_117 = arith.constant 0 : i32
    %swap3A_118 = arith.index_cast %swap3A_117 : i32 to index
    %swap3A_119 = arith.constant 0 : index
    %swap3A_120 = tpu.vector_load %arg7[%swap3A_118, %swap3A_119] {strides = array<i32>} : memref<4x128xi32, #tpu.memory_space<vmem>>, vector<1x16xi32>,
    %swap3A_121 = vector.shape_cast %swap3A_120 : vector<1x16xi32> to vector<16xi32>
    %swap3A_122 = vector.shape_cast %add3A_116 : vector<16xi32> to vector<1x16xi32>
    tpu.vector_store %arg7[%swap3A_118, %swap3A_119], %swap3A_122 {strides = array<i32>} : memref<4x128xi32, #tpu.memory_space<vmem>>, vector<1x16xi32>,
    %get3A_123 = arith.constant 16 : index
    %get3A_124 = tpu.vector_load %arg6[%get3A_123] {strides = array<i32>} : memref<512xi32, #tpu.memory_space<vmem>>, vector<16xi32>,
    %get3A_125 = vector.shape_cast %get3A_124 : vector<16xi32> to vector<16xi32>
    %mul3A_126 = arith.constant 512 : i32
    %mul3A_127 = vector.broadcast %mul3A_126 : i32 to vector<16xi32>
    %mul3A_128 = arith.muli %get3A_125, %mul3A_127 : vector<16xi32>
    %get3A_129 = arith.constant 16 : index
    %get3A_130 = tpu.vector_load %arg5[%get3A_129] {strides = array<i32>} : memref<512xi32, #tpu.memory_space<vmem>>, vector<16xi32>,
    %get3A_131 = vector.shape_cast %get3A_130 : vector<16xi32> to vector<16xi32>
    %add3A_132 = arith.addi %mul3A_128, %get3A_131 : vector<16xi32>
    %swap3A_133 = arith.constant 0 : i32
    %swap3A_134 = arith.index_cast %swap3A_133 : i32 to index
    %swap3A_135 = arith.constant 16 : index
    %swap3A_136 = tpu.vector_load %arg7[%swap3A_134, %swap3A_135] {strides = array<i32>} : memref<4x128xi32, #tpu.memory_space<vmem>>, vector<1x16xi32>,
    %swap3A_137 = vector.shape_cast %swap3A_136 : vector<1x16xi32> to vector<16xi32>
    %swap3A_138 = vector.shape_cast %add3A_132 : vector<16xi32> to vector<1x16xi32>
    tpu.vector_store %arg7[%swap3A_134, %swap3A_135], %swap3A_138 {strides = array<i32>} : memref<4x128xi32, #tpu.memory_space<vmem>>, vector<1x16xi32>,
    %get3A_139 = arith.constant 32 : index
    %get3A_140 = tpu.vector_load %arg6[%get3A_139] {strides = array<i32>} : memref<512xi32, #tpu.memory_space<vmem>>, vector<16xi32>,
    %get3A_141 = vector.shape_cast %get3A_140 : vector<16xi32> to vector<16xi32>
    %mul3A_142 = arith.constant 512 : i32
    %mul3A_143 = vector.broadcast %mul3A_142 : i32 to vector<16xi32>
    %mul3A_144 = arith.muli %get3A_141, %mul3A_143 : vector<16xi32>
    %get3A_145 = arith.constant 32 : index
    %get3A_146 = tpu.vector_load %arg5[%get3A_145] {strides = array<i32>} : memref<512xi32, #tpu.memory_space<vmem>>, vector<16xi32>,
    %get3A_147 = vector.shape_cast %get3A_146 : vector<16xi32> to vector<16xi32>
    %add3A_148 = arith.addi %mul3A_144, %get3A_147 : vector<16xi32>
    %swap3A_149 = arith.constant 0 : i32
    %swap3A_150 = arith.index_cast %swap3A_149 : i32 to index
    %swap3A_151 = arith.constant 32 : index
    %swap3A_152 = tpu.vector_load %arg7[%swap3A_150, %swap3A_151] {strides = array<i32>} : memref<4x128xi32, #tpu.memory_space<vmem>>, vector<1x16xi32>,
    %swap3A_153 = vector.shape_cast %swap3A_152 : vector<1x16xi32> to vector<16xi32>
    %swap3A_154 = vector.shape_cast %add3A_148 : vector<16xi32> to vector<1x16xi32>
    tpu.vector_store %arg7[%swap3A_150, %swap3A_151], %swap3A_154 {strides = array<i32>} : memref<4x128xi32, #tpu.memory_space<vmem>>, vector<1x16xi32>,
    %get3A_155 = arith.constant 48 : index
    %get3A_156 = tpu.vector_load %arg6[%get3A_155] {strides = array<i32>} : memref<512xi32, #tpu.memory_space<vmem>>, vector<16xi32>,
    %get3A_157 = vector.shape_cast %get3A_156 : vector<16xi32> to vector<16xi32>
    %mul3A_158 = arith.constant 512 : i32
    %mul3A_159 = vector.broadcast %mul3A_158 : i32 to vector<16xi32>
    %mul3A_160 = arith.muli %get3A_157, %mul3A_159 : vector<16xi32>
    %get3A_161 = arith.constant 48 : index
    %get3A_162 = tpu.vector_load %arg5[%get3A_161] {strides = array<i32>} : memref<512xi32, #tpu.memory_space<vmem>>, vector<16xi32>,
    %get3A_163 = vector.shape_cast %get3A_162 : vector<16xi32> to vector<16xi32>
    %add3A_164 = arith.addi %mul3A_160, %get3A_163 : vector<16xi32>
    %swap3A_165 = arith.constant 0 : i32
    %swap3A_166 = arith.index_cast %swap3A_165 : i32 to index
    %swap3A_167 = arith.constant 48 : index
    %swap3A_168 = tpu.vector_load %arg7[%swap3A_166, %swap3A_167] {strides = array<i32>} : memref<4x128xi32, #tpu.memory_space<vmem>>, vector<1x16xi32>,
    %swap3A_169 = vector.shape_cast %swap3A_168 : vector<1x16xi32> to vector<16xi32>
    %swap3A_170 = vector.shape_cast %add3A_164 : vector<16xi32> to vector<1x16xi32>
    tpu.vector_store %arg7[%swap3A_166, %swap3A_167], %swap3A_170 {strides = array<i32>} : memref<4x128xi32, #tpu.memory_space<vmem>>, vector<1x16xi32>,
    %get3A_171 = arith.constant 64 : index
    %get3A_172 = tpu.vector_load %arg6[%get3A_171] {strides = array<i32>} : memref<512xi32, #tpu.memory_space<vmem>>, vector<16xi32>,
    %get3A_173 = vector.shape_cast %get3A_172 : vector<16xi32> to vector<16xi32>
    %mul3A_174 = arith.constant 512 : i32
    %mul3A_175 = vector.broadcast %mul3A_174 : i32 to vector<16xi32>
    %mul3A_176 = arith.muli %get3A_173, %mul3A_175 : vector<16xi32>
    %get3A_177 = arith.constant 64 : index
    %get3A_178 = tpu.vector_load %arg5[%get3A_177] {strides = array<i32>} : memref<512xi32, #tpu.memory_space<vmem>>, vector<16xi32>,
    %get3A_179 = vector.shape_cast %get3A_178 : vector<16xi32> to vector<16xi32>
    %add3A_180 = arith.addi %mul3A_176, %get3A_179 : vector<16xi32>
    %swap3A_181 = arith.constant 0 : i32
    %swap3A_182 = arith.index_cast %swap3A_181 : i32 to index
    %swap3A_183 = arith.constant 64 : index
    %swap3A_184 = tpu.vector_load %arg7[%swap3A_182, %swap3A_183] {strides = array<i32>} : memref<4x128xi32, #tpu.memory_space<vmem>>, vector<1x16xi32>,
    %swap3A_185 = vector.shape_cast %swap3A_184 : vector<1x16xi32> to vector<16xi32>
    %swap3A_186 = vector.shape_cast %add3A_180 : vector<16xi32> to vector<1x16xi32>
    tpu.vector_store %arg7[%swap3A_182, %swap3A_183], %swap3A_186 {strides = array<i32>} : memref<4x128xi32, #tpu.memory_space<vmem>>, vector<1x16xi32>,
    %get3A_187 = arith.constant 80 : index
    %get3A_188 = tpu.vector_load %arg6[%get3A_187] {strides = array<i32>} : memref<512xi32, #tpu.memory_space<vmem>>, vector<16xi32>,
    %get3A_189 = vector.shape_cast %get3A_188 : vector<16xi32> to vector<16xi32>
    %mul3A_190 = arith.constant 512 : i32
    %mul3A_191 = vector.broadcast %mul3A_190 : i32 to vector<16xi32>
    %mul3A_192 = arith.muli %get3A_189, %mul3A_191 : vector<16xi32>
    %get3A_193 = arith.constant 80 : index
    %get3A_194 = tpu.vector_load %arg5[%get3A_193] {strides = array<i32>} : memref<512xi32, #tpu.memory_space<vmem>>, vector<16xi32>,
    %get3A_195 = vector.shape_cast %get3A_194 : vector<16xi32> to vector<16xi32>
    %add3A_196 = arith.addi %mul3A_192, %get3A_195 : vector<16xi32>
    %swap3A_197 = arith.constant 0 : i32
    %swap3A_198 = arith.index_cast %swap3A_197 : i32 to index
    %swap3A_199 = arith.constant 80 : index
    %swap3A_200 = tpu.vector_load %arg7[%swap3A_198, %swap3A_199] {strides = array<i32>} : memref<4x128xi32, #tpu.memory_space<vmem>>, vector<1x16xi32>,
    %swap3A_201 = vector.shape_cast %swap3A_200 : vector<1x16xi32> to vector<16xi32>
    %swap3A_202 = vector.shape_cast %add3A_196 : vector<16xi32> to vector<1x16xi32>
    tpu.vector_store %arg7[%swap3A_198, %swap3A_199], %swap3A_202 {strides = array<i32>} : memref<4x128xi32, #tpu.memory_space<vmem>>, vector<1x16xi32>,
    %get3A_203 = arith.constant 96 : index
    %get3A_204 = tpu.vector_load %arg6[%get3A_203] {strides = array<i32>} : memref<512xi32, #tpu.memory_space<vmem>>, vector<16xi32>,
    %get3A_205 = vector.shape_cast %get3A_204 : vector<16xi32> to vector<16xi32>
    %mul3A_206 = arith.constant 512 : i32
    %mul3A_207 = vector.broadcast %mul3A_206 : i32 to vector<16xi32>
    %mul3A_208 = arith.muli %get3A_205, %mul3A_207 : vector<16xi32>
    %get3A_209 = arith.constant 96 : index
    %get3A_210 = tpu.vector_load %arg5[%get3A_209] {strides = array<i32>} : memref<512xi32, #tpu.memory_space<vmem>>, vector<16xi32>,
    %get3A_211 = vector.shape_cast %get3A_210 : vector<16xi32> to vector<16xi32>
    %add3A_212 = arith.addi %mul3A_208, %get3A_211 : vector<16xi32>
    %swap3A_213 = arith.constant 0 : i32
    %swap3A_214 = arith.index_cast %swap3A_213 : i32 to index
    %swap3A_215 = arith.constant 96 : index
    %swap3A_216 = tpu.vector_load %arg7[%swap3A_214, %swap3A_215] {strides = array<i32>} : memref<4x128xi32, #tpu.memory_space<vmem>>, vector<1x16xi32>,
    %swap3A_217 = vector.shape_cast %swap3A_216 : vector<1x16xi32> to vector<16xi32>
    %swap3A_218 = vector.shape_cast %add3A_212 : vector<16xi32> to vector<1x16xi32>
    tpu.vector_store %arg7[%swap3A_214, %swap3A_215], %swap3A_218 {strides = array<i32>} : memref<4x128xi32, #tpu.memory_space<vmem>>, vector<1x16xi32>,
    %get3A_219 = arith.constant 112 : index
    %get3A_220 = tpu.vector_load %arg6[%get3A_219] {strides = array<i32>} : memref<512xi32, #tpu.memory_space<vmem>>, vector<16xi32>,
    %get3A_221 = vector.shape_cast %get3A_220 : vector<16xi32> to vector<16xi32>
    %mul3A_222 = arith.constant 512 : i32
    %mul3A_223 = vector.broadcast %mul3A_222 : i32 to vector<16xi32>
    %mul3A_224 = arith.muli %get3A_221, %mul3A_223 : vector<16xi32>
    %get3A_225 = arith.constant 112 : index
    %get3A_226 = tpu.vector_load %arg5[%get3A_225] {strides = array<i32>} : memref<512xi32, #tpu.memory_space<vmem>>, vector<16xi32>,
    %get3A_227 = vector.shape_cast %get3A_226 : vector<16xi32> to vector<16xi32>
    %add3A_228 = arith.addi %mul3A_224, %get3A_227 : vector<16xi32>
    %swap3A_229 = arith.constant 0 : i32
    %swap3A_230 = arith.index_cast %swap3A_229 : i32 to index
    %swap3A_231 = arith.constant 112 : index
    %swap3A_232 = tpu.vector_load %arg7[%swap3A_230, %swap3A_231] {strides = array<i32>} : memref<4x128xi32, #tpu.memory_space<vmem>>, vector<1x16xi32>,
    %swap3A_233 = vector.shape_cast %swap3A_232 : vector<1x16xi32> to vector<16xi32>
    %swap3A_234 = vector.shape_cast %add3A_228 : vector<16xi32> to vector<1x16xi32>
    tpu.vector_store %arg7[%swap3A_230, %swap3A_231], %swap3A_234 {strides = array<i32>} : memref<4x128xi32, #tpu.memory_space<vmem>>, vector<1x16xi32>,
    %get3A_235 = arith.constant 128 : index
    %get3A_236 = tpu.vector_load %arg6[%get3A_235] {strides = array<i32>} : memref<512xi32, #tpu.memory_space<vmem>>, vector<16xi32>,
    %get3A_237 = vector.shape_cast %get3A_236 : vector<16xi32> to vector<16xi32>
    %mul3A_238 = arith.constant 512 : i32
    %mul3A_239 = vector.broadcast %mul3A_238 : i32 to vector<16xi32>
    %mul3A_240 = arith.muli %get3A_237, %mul3A_239 : vector<16xi32>
    %get3A_241 = arith.constant 128 : index
    %get3A_242 = tpu.vector_load %arg5[%get3A_241] {strides = array<i32>} : memref<512xi32, #tpu.memory_space<vmem>>, vector<16xi32>,
    %get3A_243 = vector.shape_cast %get3A_242 : vector<16xi32> to vector<16xi32>
    %add3A_244 = arith.addi %mul3A_240, %get3A_243 : vector<16xi32>
    %swap3A_245 = arith.constant 1 : i32
    %swap3A_246 = arith.index_cast %swap3A_245 : i32 to index
    %swap3A_247 = arith.constant 0 : index
    %swap3A_248 = tpu.vector_load %arg7[%swap3A_246, %swap3A_247] {strides = array<i32>} : memref<4x128xi32, #tpu.memory_space<vmem>>, vector<1x16xi32>,
    %swap3A_249 = vector.shape_cast %swap3A_248 : vector<1x16xi32> to vector<16xi32>
    %swap3A_250 = vector.shape_cast %add3A_244 : vector<16xi32> to vector<1x16xi32>
    tpu.vector_store %arg7[%swap3A_246, %swap3A_247], %swap3A_250 {strides = array<i32>} : memref<4x128xi32, #tpu.memory_space<vmem>>, vector<1x16xi32>,
    %get3A_251 = arith.constant 144 : index
    %get3A_252 = tpu.vector_load %arg6[%get3A_251] {strides = array<i32>} : memref<512xi32, #tpu.memory_space<vmem>>, vector<16xi32>,
    %get3A_253 = vector.shape_cast %get3A_252 : vector<16xi32> to vector<16xi32>
    %mul3A_254 = arith.constant 512 : i32
    %mul3A_255 = vector.broadcast %mul3A_254 : i32 to vector<16xi32>
    %mul3A_256 = arith.muli %get3A_253, %mul3A_255 : vector<16xi32>
    %get3A_257 = arith.constant 144 : index
    %get3A_258 = tpu.vector_load %arg5[%get3A_257] {strides = array<i32>} : memref<512xi32, #tpu.memory_space<vmem>>, vector<16xi32>,
    %get3A_259 = vector.shape_cast %get3A_258 : vector<16xi32> to vector<16xi32>
    %add3A_260 = arith.addi %mul3A_256, %get3A_259 : vector<16xi32>
    %swap3A_261 = arith.constant 1 : i32
    %swap3A_262 = arith.index_cast %swap3A_261 : i32 to index
    %swap3A_263 = arith.constant 16 : index
    %swap3A_264 = tpu.vector_load %arg7[%swap3A_262, %swap3A_263] {strides = array<i32>} : memref<4x128xi32, #tpu.memory_space<vmem>>, vector<1x16xi32>,
    %swap3A_265 = vector.shape_cast %swap3A_264 : vector<1x16xi32> to vector<16xi32>
    %swap3A_266 = vector.shape_cast %add3A_260 : vector<16xi32> to vector<1x16xi32>
    tpu.vector_store %arg7[%swap3A_262, %swap3A_263], %swap3A_266 {strides = array<i32>} : memref<4x128xi32, #tpu.memory_space<vmem>>, vector<1x16xi32>,
    %get3A_267 = arith.constant 160 : index
    %get3A_268 = tpu.vector_load %arg6[%get3A_267] {strides = array<i32>} : memref<512xi32, #tpu.memory_space<vmem>>, vector<16xi32>,
    %get3A_269 = vector.shape_cast %get3A_268 : vector<16xi32> to vector<16xi32>
    %mul3A_270 = arith.constant 512 : i32
    %mul3A_271 = vector.broadcast %mul3A_270 : i32 to vector<16xi32>
    %mul3A_272 = arith.muli %get3A_269, %mul3A_271 : vector<16xi32>
    %get3A_273 = arith.constant 160 : index
    %get3A_274 = tpu.vector_load %arg5[%get3A_273] {strides = array<i32>} : memref<512xi32, #tpu.memory_space<vmem>>, vector<16xi32>,
    %get3A_275 = vector.shape_cast %get3A_274 : vector<16xi32> to vector<16xi32>
    %add3A_276 = arith.addi %mul3A_272, %get3A_275 : vector<16xi32>
    %swap3A_277 = arith.constant 1 : i32
    %swap3A_278 = arith.index_cast %swap3A_277 : i32 to index
    %swap3A_279 = arith.constant 32 : index
    %swap3A_280 = tpu.vector_load %arg7[%swap3A_278, %swap3A_279] {strides = array<i32>} : memref<4x128xi32, #tpu.memory_space<vmem>>, vector<1x16xi32>,
    %swap3A_281 = vector.shape_cast %swap3A_280 : vector<1x16xi32> to vector<16xi32>
    %swap3A_282 = vector.shape_cast %add3A_276 : vector<16xi32> to vector<1x16xi32>
    tpu.vector_store %arg7[%swap3A_278, %swap3A_279], %swap3A_282 {strides = array<i32>} : memref<4x128xi32, #tpu.memory_space<vmem>>, vector<1x16xi32>,
    %get3A_283 = arith.constant 176 : index
    %get3A_284 = tpu.vector_load %arg6[%get3A_283] {strides = array<i32>} : memref<512xi32, #tpu.memory_space<vmem>>, vector<16xi32>,
    %get3A_285 = vector.shape_cast %get3A_284 : vector<16xi32> to vector<16xi32>
    %mul3A_286 = arith.constant 512 : i32
    %mul3A_287 = vector.broadcast %mul3A_286 : i32 to vector<16xi32>
    %mul3A_288 = arith.muli %get3A_285, %mul3A_287 : vector<16xi32>
    %get3A_289 = arith.constant 176 : index
    %get3A_290 = tpu.vector_load %arg5[%get3A_289] {strides = array<i32>} : memref<512xi32, #tpu.memory_space<vmem>>, vector<16xi32>,
    %get3A_291 = vector.shape_cast %get3A_290 : vector<16xi32> to vector<16xi32>
    %add3A_292 = arith.addi %mul3A_288, %get3A_291 : vector<16xi32>
    %swap3A_293 = arith.constant 1 : i32
    %swap3A_294 = arith.index_cast %swap3A_293 : i32 to index
    %swap3A_295 = arith.constant 48 : index
    %swap3A_296 = tpu.vector_load %arg7[%swap3A_294, %swap3A_295] {strides = array<i32>} : memref<4x128xi32, #tpu.memory_space<vmem>>, vector<1x16xi32>,
    %swap3A_297 = vector.shape_cast %swap3A_296 : vector<1x16xi32> to vector<16xi32>
    %swap3A_298 = vector.shape_cast %add3A_292 : vector<16xi32> to vector<1x16xi32>
    tpu.vector_store %arg7[%swap3A_294, %swap3A_295], %swap3A_298 {strides = array<i32>} : memref<4x128xi32, #tpu.memory_space<vmem>>, vector<1x16xi32>,
    %get3A_299 = arith.constant 192 : index
    %get3A_300 = tpu.vector_load %arg6[%get3A_299] {strides = array<i32>} : memref<512xi32, #tpu.memory_space<vmem>>, vector<16xi32>,
    %get3A_301 = vector.shape_cast %get3A_300 : vector<16xi32> to vector<16xi32>
    %mul3A_302 = arith.constant 512 : i32
    %mul3A_303 = vector.broadcast %mul3A_302 : i32 to vector<16xi32>
    %mul3A_304 = arith.muli %get3A_301, %mul3A_303 : vector<16xi32>
    %get3A_305 = arith.constant 192 : index
    %get3A_306 = tpu.vector_load %arg5[%get3A_305] {strides = array<i32>} : memref<512xi32, #tpu.memory_space<vmem>>, vector<16xi32>,
    %get3A_307 = vector.shape_cast %get3A_306 : vector<16xi32> to vector<16xi32>
    %add3A_308 = arith.addi %mul3A_304, %get3A_307 : vector<16xi32>
    %swap3A_309 = arith.constant 1 : i32
    %swap3A_310 = arith.index_cast %swap3A_309 : i32 to index
    %swap3A_311 = arith.constant 64 : index
    %swap3A_312 = tpu.vector_load %arg7[%swap3A_310, %swap3A_311] {strides = array<i32>} : memref<4x128xi32, #tpu.memory_space<vmem>>, vector<1x16xi32>,
    %swap3A_313 = vector.shape_cast %swap3A_312 : vector<1x16xi32> to vector<16xi32>
    %swap3A_314 = vector.shape_cast %add3A_308 : vector<16xi32> to vector<1x16xi32>
    tpu.vector_store %arg7[%swap3A_310, %swap3A_311], %swap3A_314 {strides = array<i32>} : memref<4x128xi32, #tpu.memory_space<vmem>>, vector<1x16xi32>,
    %get3A_315 = arith.constant 208 : index
    %get3A_316 = tpu.vector_load %arg6[%get3A_315] {strides = array<i32>} : memref<512xi32, #tpu.memory_space<vmem>>, vector<16xi32>,
    %get3A_317 = vector.shape_cast %get3A_316 : vector<16xi32> to vector<16xi32>
    %mul3A_318 = arith.constant 512 : i32
    %mul3A_319 = vector.broadcast %mul3A_318 : i32 to vector<16xi32>
    %mul3A_320 = arith.muli %get3A_317, %mul3A_319 : vector<16xi32>
    %get3A_321 = arith.constant 208 : index
    %get3A_322 = tpu.vector_load %arg5[%get3A_321] {strides = array<i32>} : memref<512xi32, #tpu.memory_space<vmem>>, vector<16xi32>,
    %get3A_323 = vector.shape_cast %get3A_322 : vector<16xi32> to vector<16xi32>
    %add3A_324 = arith.addi %mul3A_320, %get3A_323 : vector<16xi32>
    %swap3A_325 = arith.constant 1 : i32
    %swap3A_326 = arith.index_cast %swap3A_325 : i32 to index
    %swap3A_327 = arith.constant 80 : index
    %swap3A_328 = tpu.vector_load %arg7[%swap3A_326, %swap3A_327] {strides = array<i32>} : memref<4x128xi32, #tpu.memory_space<vmem>>, vector<1x16xi32>,
    %swap3A_329 = vector.shape_cast %swap3A_328 : vector<1x16xi32> to vector<16xi32>
    %swap3A_330 = vector.shape_cast %add3A_324 : vector<16xi32> to vector<1x16xi32>
    tpu.vector_store %arg7[%swap3A_326, %swap3A_327], %swap3A_330 {strides = array<i32>} : memref<4x128xi32, #tpu.memory_space<vmem>>, vector<1x16xi32>,
    %get3A_331 = arith.constant 224 : index
    %get3A_332 = tpu.vector_load %arg6[%get3A_331] {strides = array<i32>} : memref<512xi32, #tpu.memory_space<vmem>>, vector<16xi32>,
    %get3A_333 = vector.shape_cast %get3A_332 : vector<16xi32> to vector<16xi32>
    %mul3A_334 = arith.constant 512 : i32
    %mul3A_335 = vector.broadcast %mul3A_334 : i32 to vector<16xi32>
    %mul3A_336 = arith.muli %get3A_333, %mul3A_335 : vector<16xi32>
    %get3A_337 = arith.constant 224 : index
    %get3A_338 = tpu.vector_load %arg5[%get3A_337] {strides = array<i32>} : memref<512xi32, #tpu.memory_space<vmem>>, vector<16xi32>,
    %get3A_339 = vector.shape_cast %get3A_338 : vector<16xi32> to vector<16xi32>
    %add3A_340 = arith.addi %mul3A_336, %get3A_339 : vector<16xi32>
    %swap3A_341 = arith.constant 1 : i32
    %swap3A_342 = arith.index_cast %swap3A_341 : i32 to index
    %swap3A_343 = arith.constant 96 : index
    %swap3A_344 = tpu.vector_load %arg7[%swap3A_342, %swap3A_343] {strides = array<i32>} : memref<4x128xi32, #tpu.memory_space<vmem>>, vector<1x16xi32>,
    %swap3A_345 = vector.shape_cast %swap3A_344 : vector<1x16xi32> to vector<16xi32>
    %swap3A_346 = vector.shape_cast %add3A_340 : vector<16xi32> to vector<1x16xi32>
    tpu.vector_store %arg7[%swap3A_342, %swap3A_343], %swap3A_346 {strides = array<i32>} : memref<4x128xi32, #tpu.memory_space<vmem>>, vector<1x16xi32>,
    %get3A_347 = arith.constant 240 : index
    %get3A_348 = tpu.vector_load %arg6[%get3A_347] {strides = array<i32>} : memref<512xi32, #tpu.memory_space<vmem>>, vector<16xi32>,
    %get3A_349 = vector.shape_cast %get3A_348 : vector<16xi32> to vector<16xi32>
    %mul3A_350 = arith.constant 512 : i32
    %mul3A_351 = vector.broadcast %mul3A_350 : i32 to vector<16xi32>
    %mul3A_352 = arith.muli %get3A_349, %mul3A_351 : vector<16xi32>
    %get3A_353 = arith.constant 240 : index
    %get3A_354 = tpu.vector_load %arg5[%get3A_353] {strides = array<i32>} : memref<512xi32, #tpu.memory_space<vmem>>, vector<16xi32>,
    %get3A_355 = vector.shape_cast %get3A_354 : vector<16xi32> to vector<16xi32>
    %add3A_356 = arith.addi %mul3A_352, %get3A_355 : vector<16xi32>
    %swap3A_357 = arith.constant 1 : i32
    %swap3A_358 = arith.index_cast %swap3A_357 : i32 to index
    %swap3A_359 = arith.constant 112 : index
    %swap3A_360 = tpu.vector_load %arg7[%swap3A_358, %swap3A_359] {strides = array<i32>} : memref<4x128xi32, #tpu.memory_space<vmem>>, vector<1x16xi32>,
    %swap3A_361 = vector.shape_cast %swap3A_360 : vector<1x16xi32> to vector<16xi32>
    %swap3A_362 = vector.shape_cast %add3A_356 : vector<16xi32> to vector<1x16xi32>
    tpu.vector_store %arg7[%swap3A_358, %swap3A_359], %swap3A_362 {strides = array<i32>} : memref<4x128xi32, #tpu.memory_space<vmem>>, vector<1x16xi32>,
    %get3A_363 = arith.constant 256 : index
    %get3A_364 = tpu.vector_load %arg6[%get3A_363] {strides = array<i32>} : memref<512xi32, #tpu.memory_space<vmem>>, vector<16xi32>,
    %get3A_365 = vector.shape_cast %get3A_364 : vector<16xi32> to vector<16xi32>
    %mul3A_366 = arith.constant 512 : i32
    %mul3A_367 = vector.broadcast %mul3A_366 : i32 to vector<16xi32>
    %mul3A_368 = arith.muli %get3A_365, %mul3A_367 : vector<16xi32>
    %get3A_369 = arith.constant 256 : index
    %get3A_370 = tpu.vector_load %arg5[%get3A_369] {strides = array<i32>} : memref<512xi32, #tpu.memory_space<vmem>>, vector<16xi32>,
    %get3A_371 = vector.shape_cast %get3A_370 : vector<16xi32> to vector<16xi32>
    %add3A_372 = arith.addi %mul3A_368, %get3A_371 : vector<16xi32>
    %swap3A_373 = arith.constant 2 : i32
    %swap3A_374 = arith.index_cast %swap3A_373 : i32 to index
    %swap3A_375 = arith.constant 0 : index
    %swap3A_376 = tpu.vector_load %arg7[%swap3A_374, %swap3A_375] {strides = array<i32>} : memref<4x128xi32, #tpu.memory_space<vmem>>, vector<1x16xi32>,
    %swap3A_377 = vector.shape_cast %swap3A_376 : vector<1x16xi32> to vector<16xi32>
    %swap3A_378 = vector.shape_cast %add3A_372 : vector<16xi32> to vector<1x16xi32>
    tpu.vector_store %arg7[%swap3A_374, %swap3A_375], %swap3A_378 {strides = array<i32>} : memref<4x128xi32, #tpu.memory_space<vmem>>, vector<1x16xi32>,
    %get3A_379 = arith.constant 272 : index
    %get3A_380 = tpu.vector_load %arg6[%get3A_379] {strides = array<i32>} : memref<512xi32, #tpu.memory_space<vmem>>, vector<16xi32>,
    %get3A_381 = vector.shape_cast %get3A_380 : vector<16xi32> to vector<16xi32>
    %mul3A_382 = arith.constant 512 : i32
    %mul3A_383 = vector.broadcast %mul3A_382 : i32 to vector<16xi32>
    %mul3A_384 = arith.muli %get3A_381, %mul3A_383 : vector<16xi32>
    %get3A_385 = arith.constant 272 : index
    %get3A_386 = tpu.vector_load %arg5[%get3A_385] {strides = array<i32>} : memref<512xi32, #tpu.memory_space<vmem>>, vector<16xi32>,
    %get3A_387 = vector.shape_cast %get3A_386 : vector<16xi32> to vector<16xi32>
    %add3A_388 = arith.addi %mul3A_384, %get3A_387 : vector<16xi32>
    %swap3A_389 = arith.constant 2 : i32
    %swap3A_390 = arith.index_cast %swap3A_389 : i32 to index
    %swap3A_391 = arith.constant 16 : index
    %swap3A_392 = tpu.vector_load %arg7[%swap3A_390, %swap3A_391] {strides = array<i32>} : memref<4x128xi32, #tpu.memory_space<vmem>>, vector<1x16xi32>,
    %swap3A_393 = vector.shape_cast %swap3A_392 : vector<1x16xi32> to vector<16xi32>
    %swap3A_394 = vector.shape_cast %add3A_388 : vector<16xi32> to vector<1x16xi32>
    tpu.vector_store %arg7[%swap3A_390, %swap3A_391], %swap3A_394 {strides = array<i32>} : memref<4x128xi32, #tpu.memory_space<vmem>>, vector<1x16xi32>,
    %get3A_395 = arith.constant 288 : index
    %get3A_396 = tpu.vector_load %arg6[%get3A_395] {strides = array<i32>} : memref<512xi32, #tpu.memory_space<vmem>>, vector<16xi32>,
    %get3A_397 = vector.shape_cast %get3A_396 : vector<16xi32> to vector<16xi32>
    %mul3A_398 = arith.constant 512 : i32
    %mul3A_399 = vector.broadcast %mul3A_398 : i32 to vector<16xi32>
    %mul3A_400 = arith.muli %get3A_397, %mul3A_399 : vector<16xi32>
    %get3A_401 = arith.constant 288 : index
    %get3A_402 = tpu.vector_load %arg5[%get3A_401] {strides = array<i32>} : memref<512xi32, #tpu.memory_space<vmem>>, vector<16xi32>,
    %get3A_403 = vector.shape_cast %get3A_402 : vector<16xi32> to vector<16xi32>
    %add3A_404 = arith.addi %mul3A_400, %get3A_403 : vector<16xi32>
    %swap3A_405 = arith.constant 2 : i32
    %swap3A_406 = arith.index_cast %swap3A_405 : i32 to index
    %swap3A_407 = arith.constant 32 : index
    %swap3A_408 = tpu.vector_load %arg7[%swap3A_406, %swap3A_407] {strides = array<i32>} : memref<4x128xi32, #tpu.memory_space<vmem>>, vector<1x16xi32>,
    %swap3A_409 = vector.shape_cast %swap3A_408 : vector<1x16xi32> to vector<16xi32>
    %swap3A_410 = vector.shape_cast %add3A_404 : vector<16xi32> to vector<1x16xi32>
    tpu.vector_store %arg7[%swap3A_406, %swap3A_407], %swap3A_410 {strides = array<i32>} : memref<4x128xi32, #tpu.memory_space<vmem>>, vector<1x16xi32>,
    %get3A_411 = arith.constant 304 : index
    %get3A_412 = tpu.vector_load %arg6[%get3A_411] {strides = array<i32>} : memref<512xi32, #tpu.memory_space<vmem>>, vector<16xi32>,
    %get3A_413 = vector.shape_cast %get3A_412 : vector<16xi32> to vector<16xi32>
    %mul3A_414 = arith.constant 512 : i32
    %mul3A_415 = vector.broadcast %mul3A_414 : i32 to vector<16xi32>
    %mul3A_416 = arith.muli %get3A_413, %mul3A_415 : vector<16xi32>
    %get3A_417 = arith.constant 304 : index
    %get3A_418 = tpu.vector_load %arg5[%get3A_417] {strides = array<i32>} : memref<512xi32, #tpu.memory_space<vmem>>, vector<16xi32>,
    %get3A_419 = vector.shape_cast %get3A_418 : vector<16xi32> to vector<16xi32>
    %add3A_420 = arith.addi %mul3A_416, %get3A_419 : vector<16xi32>
    %swap3A_421 = arith.constant 2 : i32
    %swap3A_422 = arith.index_cast %swap3A_421 : i32 to index
    %swap3A_423 = arith.constant 48 : index
    %swap3A_424 = tpu.vector_load %arg7[%swap3A_422, %swap3A_423] {strides = array<i32>} : memref<4x128xi32, #tpu.memory_space<vmem>>, vector<1x16xi32>,
    %swap3A_425 = vector.shape_cast %swap3A_424 : vector<1x16xi32> to vector<16xi32>
    %swap3A_426 = vector.shape_cast %add3A_420 : vector<16xi32> to vector<1x16xi32>
    tpu.vector_store %arg7[%swap3A_422, %swap3A_423], %swap3A_426 {strides = array<i32>} : memref<4x128xi32, #tpu.memory_space<vmem>>, vector<1x16xi32>,
    %get3A_427 = arith.constant 320 : index
    %get3A_428 = tpu.vector_load %arg6[%get3A_427] {strides = array<i32>} : memref<512xi32, #tpu.memory_space<vmem>>, vector<16xi32>,
    %get3A_429 = vector.shape_cast %get3A_428 : vector<16xi32> to vector<16xi32>
    %mul3A_430 = arith.constant 512 : i32
    %mul3A_431 = vector.broadcast %mul3A_430 : i32 to vector<16xi32>
    %mul3A_432 = arith.muli %get3A_429, %mul3A_431 : vector<16xi32>
    %get3A_433 = arith.constant 320 : index
    %get3A_434 = tpu.vector_load %arg5[%get3A_433] {strides = array<i32>} : memref<512xi32, #tpu.memory_space<vmem>>, vector<16xi32>,
    %get3A_435 = vector.shape_cast %get3A_434 : vector<16xi32> to vector<16xi32>
    %add3A_436 = arith.addi %mul3A_432, %get3A_435 : vector<16xi32>
    %swap3A_437 = arith.constant 2 : i32
    %swap3A_438 = arith.index_cast %swap3A_437 : i32 to index
    %swap3A_439 = arith.constant 64 : index
    %swap3A_440 = tpu.vector_load %arg7[%swap3A_438, %swap3A_439] {strides = array<i32>} : memref<4x128xi32, #tpu.memory_space<vmem>>, vector<1x16xi32>,
    %swap3A_441 = vector.shape_cast %swap3A_440 : vector<1x16xi32> to vector<16xi32>
    %swap3A_442 = vector.shape_cast %add3A_436 : vector<16xi32> to vector<1x16xi32>
    tpu.vector_store %arg7[%swap3A_438, %swap3A_439], %swap3A_442 {strides = array<i32>} : memref<4x128xi32, #tpu.memory_space<vmem>>, vector<1x16xi32>,
    %get3A_443 = arith.constant 336 : index
    %get3A_444 = tpu.vector_load %arg6[%get3A_443] {strides = array<i32>} : memref<512xi32, #tpu.memory_space<vmem>>, vector<16xi32>,
    %get3A_445 = vector.shape_cast %get3A_444 : vector<16xi32> to vector<16xi32>
    %mul3A_446 = arith.constant 512 : i32
    %mul3A_447 = vector.broadcast %mul3A_446 : i32 to vector<16xi32>
    %mul3A_448 = arith.muli %get3A_445, %mul3A_447 : vector<16xi32>
    %get3A_449 = arith.constant 336 : index
    %get3A_450 = tpu.vector_load %arg5[%get3A_449] {strides = array<i32>} : memref<512xi32, #tpu.memory_space<vmem>>, vector<16xi32>,
    %get3A_451 = vector.shape_cast %get3A_450 : vector<16xi32> to vector<16xi32>
    %add3A_452 = arith.addi %mul3A_448, %get3A_451 : vector<16xi32>
    %swap3A_453 = arith.constant 2 : i32
    %swap3A_454 = arith.index_cast %swap3A_453 : i32 to index
    %swap3A_455 = arith.constant 80 : index
    %swap3A_456 = tpu.vector_load %arg7[%swap3A_454, %swap3A_455] {strides = array<i32>} : memref<4x128xi32, #tpu.memory_space<vmem>>, vector<1x16xi32>,
    %swap3A_457 = vector.shape_cast %swap3A_456 : vector<1x16xi32> to vector<16xi32>
    %swap3A_458 = vector.shape_cast %add3A_452 : vector<16xi32> to vector<1x16xi32>
    tpu.vector_store %arg7[%swap3A_454, %swap3A_455], %swap3A_458 {strides = array<i32>} : memref<4x128xi32, #tpu.memory_space<vmem>>, vector<1x16xi32>,
    %get3A_459 = arith.constant 352 : index
    %get3A_460 = tpu.vector_load %arg6[%get3A_459] {strides = array<i32>} : memref<512xi32, #tpu.memory_space<vmem>>, vector<16xi32>,
    %get3A_461 = vector.shape_cast %get3A_460 : vector<16xi32> to vector<16xi32>
    %mul3A_462 = arith.constant 512 : i32
    %mul3A_463 = vector.broadcast %mul3A_462 : i32 to vector<16xi32>
    %mul3A_464 = arith.muli %get3A_461, %mul3A_463 : vector<16xi32>
    %get3A_465 = arith.constant 352 : index
    %get3A_466 = tpu.vector_load %arg5[%get3A_465] {strides = array<i32>} : memref<512xi32, #tpu.memory_space<vmem>>, vector<16xi32>,
    %get3A_467 = vector.shape_cast %get3A_466 : vector<16xi32> to vector<16xi32>
    %add3A_468 = arith.addi %mul3A_464, %get3A_467 : vector<16xi32>
    %swap3A_469 = arith.constant 2 : i32
    %swap3A_470 = arith.index_cast %swap3A_469 : i32 to index
    %swap3A_471 = arith.constant 96 : index
    %swap3A_472 = tpu.vector_load %arg7[%swap3A_470, %swap3A_471] {strides = array<i32>} : memref<4x128xi32, #tpu.memory_space<vmem>>, vector<1x16xi32>,
    %swap3A_473 = vector.shape_cast %swap3A_472 : vector<1x16xi32> to vector<16xi32>
    %swap3A_474 = vector.shape_cast %add3A_468 : vector<16xi32> to vector<1x16xi32>
    tpu.vector_store %arg7[%swap3A_470, %swap3A_471], %swap3A_474 {strides = array<i32>} : memref<4x128xi32, #tpu.memory_space<vmem>>, vector<1x16xi32>,
    %get3A_475 = arith.constant 368 : index
    %get3A_476 = tpu.vector_load %arg6[%get3A_475] {strides = array<i32>} : memref<512xi32, #tpu.memory_space<vmem>>, vector<16xi32>,
    %get3A_477 = vector.shape_cast %get3A_476 : vector<16xi32> to vector<16xi32>
    %mul3A_478 = arith.constant 512 : i32
    %mul3A_479 = vector.broadcast %mul3A_478 : i32 to vector<16xi32>
    %mul3A_480 = arith.muli %get3A_477, %mul3A_479 : vector<16xi32>
    %get3A_481 = arith.constant 368 : index
    %get3A_482 = tpu.vector_load %arg5[%get3A_481] {strides = array<i32>} : memref<512xi32, #tpu.memory_space<vmem>>, vector<16xi32>,
    %get3A_483 = vector.shape_cast %get3A_482 : vector<16xi32> to vector<16xi32>
    %add3A_484 = arith.addi %mul3A_480, %get3A_483 : vector<16xi32>
    %swap3A_485 = arith.constant 2 : i32
    %swap3A_486 = arith.index_cast %swap3A_485 : i32 to index
    %swap3A_487 = arith.constant 112 : index
    %swap3A_488 = tpu.vector_load %arg7[%swap3A_486, %swap3A_487] {strides = array<i32>} : memref<4x128xi32, #tpu.memory_space<vmem>>, vector<1x16xi32>,
    %swap3A_489 = vector.shape_cast %swap3A_488 : vector<1x16xi32> to vector<16xi32>
    %swap3A_490 = vector.shape_cast %add3A_484 : vector<16xi32> to vector<1x16xi32>
    tpu.vector_store %arg7[%swap3A_486, %swap3A_487], %swap3A_490 {strides = array<i32>} : memref<4x128xi32, #tpu.memory_space<vmem>>, vector<1x16xi32>,
    %get3A_491 = arith.constant 384 : index
    %get3A_492 = tpu.vector_load %arg6[%get3A_491] {strides = array<i32>} : memref<512xi32, #tpu.memory_space<vmem>>, vector<16xi32>,
    %get3A_493 = vector.shape_cast %get3A_492 : vector<16xi32> to vector<16xi32>
    %mul3A_494 = arith.constant 512 : i32
    %mul3A_495 = vector.broadcast %mul3A_494 : i32 to vector<16xi32>
    %mul3A_496 = arith.muli %get3A_493, %mul3A_495 : vector<16xi32>
    %get3A_497 = arith.constant 384 : index
    %get3A_498 = tpu.vector_load %arg5[%get3A_497] {strides = array<i32>} : memref<512xi32, #tpu.memory_space<vmem>>, vector<16xi32>,
    %get3A_499 = vector.shape_cast %get3A_498 : vector<16xi32> to vector<16xi32>
    %add3A_500 = arith.addi %mul3A_496, %get3A_499 : vector<16xi32>
    %swap3A_501 = arith.constant 3 : i32
    %swap3A_502 = arith.index_cast %swap3A_501 : i32 to index
    %swap3A_503 = arith.constant 0 : index
    %swap3A_504 = tpu.vector_load %arg7[%swap3A_502, %swap3A_503] {strides = array<i32>} : memref<4x128xi32, #tpu.memory_space<vmem>>, vector<1x16xi32>,
    %swap3A_505 = vector.shape_cast %swap3A_504 : vector<1x16xi32> to vector<16xi32>
    %swap3A_506 = vector.shape_cast %add3A_500 : vector<16xi32> to vector<1x16xi32>
    tpu.vector_store %arg7[%swap3A_502, %swap3A_503], %swap3A_506 {strides = array<i32>} : memref<4x128xi32, #tpu.memory_space<vmem>>, vector<1x16xi32>,
    %get3A_507 = arith.constant 400 : index
    %get3A_508 = tpu.vector_load %arg6[%get3A_507] {strides = array<i32>} : memref<512xi32, #tpu.memory_space<vmem>>, vector<16xi32>,
    %get3A_509 = vector.shape_cast %get3A_508 : vector<16xi32> to vector<16xi32>
    %mul3A_510 = arith.constant 512 : i32
    %mul3A_511 = vector.broadcast %mul3A_510 : i32 to vector<16xi32>
    %mul3A_512 = arith.muli %get3A_509, %mul3A_511 : vector<16xi32>
    %get3A_513 = arith.constant 400 : index
    %get3A_514 = tpu.vector_load %arg5[%get3A_513] {strides = array<i32>} : memref<512xi32, #tpu.memory_space<vmem>>, vector<16xi32>,
    %get3A_515 = vector.shape_cast %get3A_514 : vector<16xi32> to vector<16xi32>
    %add3A_516 = arith.addi %mul3A_512, %get3A_515 : vector<16xi32>
    %swap3A_517 = arith.constant 3 : i32
    %swap3A_518 = arith.index_cast %swap3A_517 : i32 to index
    %swap3A_519 = arith.constant 16 : index
    %swap3A_520 = tpu.vector_load %arg7[%swap3A_518, %swap3A_519] {strides = array<i32>} : memref<4x128xi32, #tpu.memory_space<vmem>>, vector<1x16xi32>,
    %swap3A_521 = vector.shape_cast %swap3A_520 : vector<1x16xi32> to vector<16xi32>
    %swap3A_522 = vector.shape_cast %add3A_516 : vector<16xi32> to vector<1x16xi32>
    tpu.vector_store %arg7[%swap3A_518, %swap3A_519], %swap3A_522 {strides = array<i32>} : memref<4x128xi32, #tpu.memory_space<vmem>>, vector<1x16xi32>,
    %get3A_523 = arith.constant 416 : index
    %get3A_524 = tpu.vector_load %arg6[%get3A_523] {strides = array<i32>} : memref<512xi32, #tpu.memory_space<vmem>>, vector<16xi32>,
    %get3A_525 = vector.shape_cast %get3A_524 : vector<16xi32> to vector<16xi32>
    %mul3A_526 = arith.constant 512 : i32
    %mul3A_527 = vector.broadcast %mul3A_526 : i32 to vector<16xi32>
    %mul3A_528 = arith.muli %get3A_525, %mul3A_527 : vector<16xi32>
    %get3A_529 = arith.constant 416 : index
    %get3A_530 = tpu.vector_load %arg5[%get3A_529] {strides = array<i32>} : memref<512xi32, #tpu.memory_space<vmem>>, vector<16xi32>,
    %get3A_531 = vector.shape_cast %get3A_530 : vector<16xi32> to vector<16xi32>
    %add3A_532 = arith.addi %mul3A_528, %get3A_531 : vector<16xi32>
    %swap3A_533 = arith.constant 3 : i32
    %swap3A_534 = arith.index_cast %swap3A_533 : i32 to index
    %swap3A_535 = arith.constant 32 : index
    %swap3A_536 = tpu.vector_load %arg7[%swap3A_534, %swap3A_535] {strides = array<i32>} : memref<4x128xi32, #tpu.memory_space<vmem>>, vector<1x16xi32>,
    %swap3A_537 = vector.shape_cast %swap3A_536 : vector<1x16xi32> to vector<16xi32>
    %swap3A_538 = vector.shape_cast %add3A_532 : vector<16xi32> to vector<1x16xi32>
    tpu.vector_store %arg7[%swap3A_534, %swap3A_535], %swap3A_538 {strides = array<i32>} : memref<4x128xi32, #tpu.memory_space<vmem>>, vector<1x16xi32>,
    %get3A_539 = arith.constant 432 : index
    %get3A_540 = tpu.vector_load %arg6[%get3A_539] {strides = array<i32>} : memref<512xi32, #tpu.memory_space<vmem>>, vector<16xi32>,
    %get3A_541 = vector.shape_cast %get3A_540 : vector<16xi32> to vector<16xi32>
    %mul3A_542 = arith.constant 512 : i32
    %mul3A_543 = vector.broadcast %mul3A_542 : i32 to vector<16xi32>
    %mul3A_544 = arith.muli %get3A_541, %mul3A_543 : vector<16xi32>
    %get3A_545 = arith.constant 432 : index
    %get3A_546 = tpu.vector_load %arg5[%get3A_545] {strides = array<i32>} : memref<512xi32, #tpu.memory_space<vmem>>, vector<16xi32>,
    %get3A_547 = vector.shape_cast %get3A_546 : vector<16xi32> to vector<16xi32>
    %add3A_548 = arith.addi %mul3A_544, %get3A_547 : vector<16xi32>
    %swap3A_549 = arith.constant 3 : i32
    %swap3A_550 = arith.index_cast %swap3A_549 : i32 to index
    %swap3A_551 = arith.constant 48 : index
    %swap3A_552 = tpu.vector_load %arg7[%swap3A_550, %swap3A_551] {strides = array<i32>} : memref<4x128xi32, #tpu.memory_space<vmem>>, vector<1x16xi32>,
    %swap3A_553 = vector.shape_cast %swap3A_552 : vector<1x16xi32> to vector<16xi32>
    %swap3A_554 = vector.shape_cast %add3A_548 : vector<16xi32> to vector<1x16xi32>
    tpu.vector_store %arg7[%swap3A_550, %swap3A_551], %swap3A_554 {strides = array<i32>} : memref<4x128xi32, #tpu.memory_space<vmem>>, vector<1x16xi32>,
    %get3A_555 = arith.constant 448 : index
    %get3A_556 = tpu.vector_load %arg6[%get3A_555] {strides = array<i32>} : memref<512xi32, #tpu.memory_space<vmem>>, vector<16xi32>,
    %get3A_557 = vector.shape_cast %get3A_556 : vector<16xi32> to vector<16xi32>
    %mul3A_558 = arith.constant 512 : i32
    %mul3A_559 = vector.broadcast %mul3A_558 : i32 to vector<16xi32>
    %mul3A_560 = arith.muli %get3A_557, %mul3A_559 : vector<16xi32>
    %get3A_561 = arith.constant 448 : index
    %get3A_562 = tpu.vector_load %arg5[%get3A_561] {strides = array<i32>} : memref<512xi32, #tpu.memory_space<vmem>>, vector<16xi32>,
    %get3A_563 = vector.shape_cast %get3A_562 : vector<16xi32> to vector<16xi32>
    %add3A_564 = arith.addi %mul3A_560, %get3A_563 : vector<16xi32>
    %swap3A_565 = arith.constant 3 : i32
    %swap3A_566 = arith.index_cast %swap3A_565 : i32 to index
    %swap3A_567 = arith.constant 64 : index
    %swap3A_568 = tpu.vector_load %arg7[%swap3A_566, %swap3A_567] {strides = array<i32>} : memref<4x128xi32, #tpu.memory_space<vmem>>, vector<1x16xi32>,
    %swap3A_569 = vector.shape_cast %swap3A_568 : vector<1x16xi32> to vector<16xi32>
    %swap3A_570 = vector.shape_cast %add3A_564 : vector<16xi32> to vector<1x16xi32>
    tpu.vector_store %arg7[%swap3A_566, %swap3A_567], %swap3A_570 {strides = array<i32>} : memref<4x128xi32, #tpu.memory_space<vmem>>, vector<1x16xi32>,
    %get3A_571 = arith.constant 464 : index
    %get3A_572 = tpu.vector_load %arg6[%get3A_571] {strides = array<i32>} : memref<512xi32, #tpu.memory_space<vmem>>, vector<16xi32>,
    %get3A_573 = vector.shape_cast %get3A_572 : vector<16xi32> to vector<16xi32>
    %mul3A_574 = arith.constant 512 : i32
    %mul3A_575 = vector.broadcast %mul3A_574 : i32 to vector<16xi32>
    %mul3A_576 = arith.muli %get3A_573, %mul3A_575 : vector<16xi32>
    %get3A_577 = arith.constant 464 : index
    %get3A_578 = tpu.vector_load %arg5[%get3A_577] {strides = array<i32>} : memref<512xi32, #tpu.memory_space<vmem>>, vector<16xi32>,
    %get3A_579 = vector.shape_cast %get3A_578 : vector<16xi32> to vector<16xi32>
    %add3A_580 = arith.addi %mul3A_576, %get3A_579 : vector<16xi32>
    %swap3A_581 = arith.constant 3 : i32
    %swap3A_582 = arith.index_cast %swap3A_581 : i32 to index
    %swap3A_583 = arith.constant 80 : index
    %swap3A_584 = tpu.vector_load %arg7[%swap3A_582, %swap3A_583] {strides = array<i32>} : memref<4x128xi32, #tpu.memory_space<vmem>>, vector<1x16xi32>,
    %swap3A_585 = vector.shape_cast %swap3A_584 : vector<1x16xi32> to vector<16xi32>
    %swap3A_586 = vector.shape_cast %add3A_580 : vector<16xi32> to vector<1x16xi32>
    tpu.vector_store %arg7[%swap3A_582, %swap3A_583], %swap3A_586 {strides = array<i32>} : memref<4x128xi32, #tpu.memory_space<vmem>>, vector<1x16xi32>,
    %get3A_587 = arith.constant 480 : index
    %get3A_588 = tpu.vector_load %arg6[%get3A_587] {strides = array<i32>} : memref<512xi32, #tpu.memory_space<vmem>>, vector<16xi32>,
    %get3A_589 = vector.shape_cast %get3A_588 : vector<16xi32> to vector<16xi32>
    %mul3A_590 = arith.constant 512 : i32
    %mul3A_591 = vector.broadcast %mul3A_590 : i32 to vector<16xi32>
    %mul3A_592 = arith.muli %get3A_589, %mul3A_591 : vector<16xi32>
    %get3A_593 = arith.constant 480 : index
    %get3A_594 = tpu.vector_load %arg5[%get3A_593] {strides = array<i32>} : memref<512xi32, #tpu.memory_space<vmem>>, vector<16xi32>,
    %get3A_595 = vector.shape_cast %get3A_594 : vector<16xi32> to vector<16xi32>
    %add3A_596 = arith.addi %mul3A_592, %get3A_595 : vector<16xi32>
    %swap3A_597 = arith.constant 3 : i32
    %swap3A_598 = arith.index_cast %swap3A_597 : i32 to index
    %swap3A_599 = arith.constant 96 : index
    %swap3A_600 = tpu.vector_load %arg7[%swap3A_598, %swap3A_599] {strides = array<i32>} : memref<4x128xi32, #tpu.memory_space<vmem>>, vector<1x16xi32>,
    %swap3A_601 = vector.shape_cast %swap3A_600 : vector<1x16xi32> to vector<16xi32>
    %swap3A_602 = vector.shape_cast %add3A_596 : vector<16xi32> to vector<1x16xi32>
    tpu.vector_store %arg7[%swap3A_598, %swap3A_599], %swap3A_602 {strides = array<i32>} : memref<4x128xi32, #tpu.memory_space<vmem>>, vector<1x16xi32>,
    %get3A_603 = arith.constant 496 : index
    %get3A_604 = tpu.vector_load %arg6[%get3A_603] {strides = array<i32>} : memref<512xi32, #tpu.memory_space<vmem>>, vector<16xi32>,
    %get3A_605 = vector.shape_cast %get3A_604 : vector<16xi32> to vector<16xi32>
    %mul3A_606 = arith.constant 512 : i32
    %mul3A_607 = vector.broadcast %mul3A_606 : i32 to vector<16xi32>
    %mul3A_608 = arith.muli %get3A_605, %mul3A_607 : vector<16xi32>
    %get3A_609 = arith.constant 496 : index
    %get3A_610 = tpu.vector_load %arg5[%get3A_609] {strides = array<i32>} : memref<512xi32, #tpu.memory_space<vmem>>, vector<16xi32>,
    %get3A_611 = vector.shape_cast %get3A_610 : vector<16xi32> to vector<16xi32>
    %add3A_612 = arith.addi %mul3A_608, %get3A_611 : vector<16xi32>
    %swap3A_613 = arith.constant 3 : i32
    %swap3A_614 = arith.index_cast %swap3A_613 : i32 to index
    %swap3A_615 = arith.constant 112 : index
    %swap3A_616 = tpu.vector_load %arg7[%swap3A_614, %swap3A_615] {strides = array<i32>} : memref<4x128xi32, #tpu.memory_space<vmem>>, vector<1x16xi32>,
    %swap3A_617 = vector.shape_cast %swap3A_616 : vector<1x16xi32> to vector<16xi32>
    %swap3A_618 = vector.shape_cast %add3A_612 : vector<16xi32> to vector<1x16xi32>
    tpu.vector_store %arg7[%swap3A_614, %swap3A_615], %swap3A_618 {strides = array<i32>} : memref<4x128xi32, #tpu.memory_space<vmem>>, vector<1x16xi32>,
    %dma_wait3A_619 = tpu.memref_slice %arg10[%add3A_60] : memref<262144xf32, #tpu.memory_space<vmem_shared>> -> memref<2048xf32, #tpu.memory_space<vmem_shared>>
    %dma_wait3A_620 = tpu.memref_slice %arg10[%add3A_60] : memref<262144xf32, #tpu.memory_space<vmem_shared>> -> memref<2048xf32, #tpu.memory_space<vmem_shared>>
    tpu.wait_dma2 semaphore(%arg11 : memref<!tpu.dma_semaphore, #tpu.memory_space<semaphore_mem>>) src(%arg9 : memref<2048xf32, #tpu.memory_space<vmem>>) dst(%dma_wait3A_620 : memref<2048xf32, #tpu.memory_space<vmem_shared>>)
    %dma_wait3A_621 = tpu.memref_slice %arg10[%add3A_66] : memref<262144xf32, #tpu.memory_space<vmem_shared>> -> memref<2048xf32, #tpu.memory_space<vmem_shared>>
    %dma_wait3A_622 = tpu.memref_slice %arg10[%add3A_66] : memref<262144xf32, #tpu.memory_space<vmem_shared>> -> memref<2048xf32, #tpu.memory_space<vmem_shared>>
    tpu.wait_dma2 semaphore(%arg11 : memref<!tpu.dma_semaphore, #tpu.memory_space<semaphore_mem>>) src(%arg9 : memref<2048xf32, #tpu.memory_space<vmem>>) dst(%dma_wait3A_622 : memref<2048xf32, #tpu.memory_space<vmem_shared>>)
    %dma_wait3A_623 = tpu.memref_slice %arg10[%add3A_72] : memref<262144xf32, #tpu.memory_space<vmem_shared>> -> memref<2048xf32, #tpu.memory_space<vmem_shared>>
    %dma_wait3A_624 = tpu.memref_slice %arg10[%add3A_72] : memref<262144xf32, #tpu.memory_space<vmem_shared>> -> memref<2048xf32, #tpu.memory_space<vmem_shared>>
    tpu.wait_dma2 semaphore(%arg11 : memref<!tpu.dma_semaphore, #tpu.memory_space<semaphore_mem>>) src(%arg9 : memref<2048xf32, #tpu.memory_space<vmem>>) dst(%dma_wait3A_624 : memref<2048xf32, #tpu.memory_space<vmem_shared>>)
    %dma_wait3A_625 = tpu.memref_slice %arg10[%add3A_78] : memref<262144xf32, #tpu.memory_space<vmem_shared>> -> memref<2048xf32, #tpu.memory_space<vmem_shared>>
    %dma_wait3A_626 = tpu.memref_slice %arg10[%add3A_78] : memref<262144xf32, #tpu.memory_space<vmem_shared>> -> memref<2048xf32, #tpu.memory_space<vmem_shared>>
    tpu.wait_dma2 semaphore(%arg11 : memref<!tpu.dma_semaphore, #tpu.memory_space<semaphore_mem>>) src(%arg9 : memref<2048xf32, #tpu.memory_space<vmem>>) dst(%dma_wait3A_626 : memref<2048xf32, #tpu.memory_space<vmem_shared>>)
    %dma_wait3A_627 = tpu.memref_slice %arg10[%add3A_84] : memref<262144xf32, #tpu.memory_space<vmem_shared>> -> memref<2048xf32, #tpu.memory_space<vmem_shared>>
    %dma_wait3A_628 = tpu.memref_slice %arg10[%add3A_84] : memref<262144xf32, #tpu.memory_space<vmem_shared>> -> memref<2048xf32, #tpu.memory_space<vmem_shared>>
    tpu.wait_dma2 semaphore(%arg11 : memref<!tpu.dma_semaphore, #tpu.memory_space<semaphore_mem>>) src(%arg9 : memref<2048xf32, #tpu.memory_space<vmem>>) dst(%dma_wait3A_628 : memref<2048xf32, #tpu.memory_space<vmem_shared>>)
    %dma_wait3A_629 = tpu.memref_slice %arg10[%add3A_90] : memref<262144xf32, #tpu.memory_space<vmem_shared>> -> memref<2048xf32, #tpu.memory_space<vmem_shared>>
    %dma_wait3A_630 = tpu.memref_slice %arg10[%add3A_90] : memref<262144xf32, #tpu.memory_space<vmem_shared>> -> memref<2048xf32, #tpu.memory_space<vmem_shared>>
    tpu.wait_dma2 semaphore(%arg11 : memref<!tpu.dma_semaphore, #tpu.memory_space<semaphore_mem>>) src(%arg9 : memref<2048xf32, #tpu.memory_space<vmem>>) dst(%dma_wait3A_630 : memref<2048xf32, #tpu.memory_space<vmem_shared>>)
    %dma_wait3A_631 = tpu.memref_slice %arg10[%add3A_96] : memref<262144xf32, #tpu.memory_space<vmem_shared>> -> memref<2048xf32, #tpu.memory_space<vmem_shared>>
    %dma_wait3A_632 = tpu.memref_slice %arg10[%add3A_96] : memref<262144xf32, #tpu.memory_space<vmem_shared>> -> memref<2048xf32, #tpu.memory_space<vmem_shared>>
    tpu.wait_dma2 semaphore(%arg11 : memref<!tpu.dma_semaphore, #tpu.memory_space<semaphore_mem>>) src(%arg9 : memref<2048xf32, #tpu.memory_space<vmem>>) dst(%dma_wait3A_632 : memref<2048xf32, #tpu.memory_space<vmem_shared>>)
    %dma_wait3A_633 = tpu.memref_slice %arg10[%add3A_102] : memref<262144xf32, #tpu.memory_space<vmem_shared>> -> memref<2048xf32, #tpu.memory_space<vmem_shared>>
    %dma_wait3A_634 = tpu.memref_slice %arg10[%add3A_102] : memref<262144xf32, #tpu.memory_space<vmem_shared>> -> memref<2048xf32, #tpu.memory_space<vmem_shared>>
    tpu.wait_dma2 semaphore(%arg11 : memref<!tpu.dma_semaphore, #tpu.memory_space<semaphore_mem>>) src(%arg9 : memref<2048xf32, #tpu.memory_space<vmem>>) dst(%dma_wait3A_634 : memref<2048xf32, #tpu.memory_space<vmem_shared>>)
    %barrier3A = arith.constant 0 : index
    tpu.barrier barrier_id(%barrier3A)
    %dma_start3A_635 = arith.constant 0 : i32
    %dma_start3A_636 = arith.constant 0 : i32
    %dma_start3A_637 = tpu.memref_slice %arg7[%dma_start3A_635, %dma_start3A_636] : memref<4x128xi32, #tpu.memory_space<vmem>> -> memref<1x128xi32, #tpu.memory_space<vmem>>
    %dma_start3A_638 = tpu.memref_squeeze %dma_start3A_637 : memref<1x128xi32, #tpu.memory_space<vmem>> -> memref<128xi32, #tpu.memory_space<vmem>>
    %dma_start3A_639 = arith.constant 0 : i32
    %dma_start3A_640 = tpu.memref_slice %arg10[%dma_start3A_639] : memref<262144xf32, #tpu.memory_space<vmem_shared>> -> memref<262144xf32, #tpu.memory_space<vmem_shared>>
    tpu.enqueue_indirect_dma source(%arg8 : memref<128xf32, #tpu.memory_space<vmem>>) target(%dma_start3A_640 : memref<262144xf32, #tpu.memory_space<vmem_shared>>) offsets(%dma_start3A_638 : memref<128xi32, #tpu.memory_space<vmem>>) semaphore(%arg11 : memref<!tpu.dma_semaphore, #tpu.memory_space<semaphore_mem>>) {add = true}
    %dma_start3A_641 = arith.constant 1 : i32
    %dma_start3A_642 = arith.constant 0 : i32
    %dma_start3A_643 = tpu.memref_slice %arg7[%dma_start3A_641, %dma_start3A_642] : memref<4x128xi32, #tpu.memory_space<vmem>> -> memref<1x128xi32, #tpu.memory_space<vmem>>
    %dma_start3A_644 = tpu.memref_squeeze %dma_start3A_643 : memref<1x128xi32, #tpu.memory_space<vmem>> -> memref<128xi32, #tpu.memory_space<vmem>>
    %dma_start3A_645 = arith.constant 0 : i32
    %dma_start3A_646 = tpu.memref_slice %arg10[%dma_start3A_645] : memref<262144xf32, #tpu.memory_space<vmem_shared>> -> memref<262144xf32, #tpu.memory_space<vmem_shared>>
    tpu.enqueue_indirect_dma source(%arg8 : memref<128xf32, #tpu.memory_space<vmem>>) target(%dma_start3A_646 : memref<262144xf32, #tpu.memory_space<vmem_shared>>) offsets(%dma_start3A_644 : memref<128xi32, #tpu.memory_space<vmem>>) semaphore(%arg11 : memref<!tpu.dma_semaphore, #tpu.memory_space<semaphore_mem>>) {add = true}
    %dma_start3A_647 = arith.constant 2 : i32
    %dma_start3A_648 = arith.constant 0 : i32
    %dma_start3A_649 = tpu.memref_slice %arg7[%dma_start3A_647, %dma_start3A_648] : memref<4x128xi32, #tpu.memory_space<vmem>> -> memref<1x128xi32, #tpu.memory_space<vmem>>
    %dma_start3A_650 = tpu.memref_squeeze %dma_start3A_649 : memref<1x128xi32, #tpu.memory_space<vmem>> -> memref<128xi32, #tpu.memory_space<vmem>>
    %dma_start3A_651 = arith.constant 0 : i32
    %dma_start3A_652 = tpu.memref_slice %arg10[%dma_start3A_651] : memref<262144xf32, #tpu.memory_space<vmem_shared>> -> memref<262144xf32, #tpu.memory_space<vmem_shared>>
    tpu.enqueue_indirect_dma source(%arg8 : memref<128xf32, #tpu.memory_space<vmem>>) target(%dma_start3A_652 : memref<262144xf32, #tpu.memory_space<vmem_shared>>) offsets(%dma_start3A_650 : memref<128xi32, #tpu.memory_space<vmem>>) semaphore(%arg11 : memref<!tpu.dma_semaphore, #tpu.memory_space<semaphore_mem>>) {add = true}
    %dma_start3A_653 = arith.constant 3 : i32
    %dma_start3A_654 = arith.constant 0 : i32
    %dma_start3A_655 = tpu.memref_slice %arg7[%dma_start3A_653, %dma_start3A_654] : memref<4x128xi32, #tpu.memory_space<vmem>> -> memref<1x128xi32, #tpu.memory_space<vmem>>
    %dma_start3A_656 = tpu.memref_squeeze %dma_start3A_655 : memref<1x128xi32, #tpu.memory_space<vmem>> -> memref<128xi32, #tpu.memory_space<vmem>>
    %dma_start3A_657 = arith.constant 0 : i32
    %dma_start3A_658 = tpu.memref_slice %arg10[%dma_start3A_657] : memref<262144xf32, #tpu.memory_space<vmem_shared>> -> memref<262144xf32, #tpu.memory_space<vmem_shared>>
    tpu.enqueue_indirect_dma source(%arg8 : memref<128xf32, #tpu.memory_space<vmem>>) target(%dma_start3A_658 : memref<262144xf32, #tpu.memory_space<vmem_shared>>) offsets(%dma_start3A_656 : memref<128xi32, #tpu.memory_space<vmem>>) semaphore(%arg11 : memref<!tpu.dma_semaphore, #tpu.memory_space<semaphore_mem>>) {add = true}
    %dma_wait3A_659 = arith.constant 0 : i32
    %dma_wait3A_660 = arith.constant 0 : i32
    %dma_wait3A_661 = tpu.memref_slice %arg7[%dma_wait3A_659, %dma_wait3A_660] : memref<4x128xi32, #tpu.memory_space<vmem>> -> memref<1x128xi32, #tpu.memory_space<vmem>>
    %dma_wait3A_662 = tpu.memref_squeeze %dma_wait3A_661 : memref<1x128xi32, #tpu.memory_space<vmem>> -> memref<128xi32, #tpu.memory_space<vmem>>
    %dma_wait3A_663 = arith.constant 0 : i32
    %dma_wait3A_664 = tpu.memref_slice %arg10[%dma_wait3A_663] : memref<262144xf32, #tpu.memory_space<vmem_shared>> -> memref<262144xf32, #tpu.memory_space<vmem_shared>>
    tpu.wait_indirect_dma semaphore(%arg11 : memref<!tpu.dma_semaphore, #tpu.memory_space<semaphore_mem>>) src(%arg8 : memref<128xf32, #tpu.memory_space<vmem>>) dst(%dma_wait3A_664 : memref<262144xf32, #tpu.memory_space<vmem_shared>>)
    %dma_wait3A_665 = arith.constant 1 : i32
    %dma_wait3A_666 = arith.constant 0 : i32
    %dma_wait3A_667 = tpu.memref_slice %arg7[%dma_wait3A_665, %dma_wait3A_666] : memref<4x128xi32, #tpu.memory_space<vmem>> -> memref<1x128xi32, #tpu.memory_space<vmem>>
    %dma_wait3A_668 = tpu.memref_squeeze %dma_wait3A_667 : memref<1x128xi32, #tpu.memory_space<vmem>> -> memref<128xi32, #tpu.memory_space<vmem>>
    %dma_wait3A_669 = arith.constant 0 : i32
    %dma_wait3A_670 = tpu.memref_slice %arg10[%dma_wait3A_669] : memref<262144xf32, #tpu.memory_space<vmem_shared>> -> memref<262144xf32, #tpu.memory_space<vmem_shared>>
    tpu.wait_indirect_dma semaphore(%arg11 : memref<!tpu.dma_semaphore, #tpu.memory_space<semaphore_mem>>) src(%arg8 : memref<128xf32, #tpu.memory_space<vmem>>) dst(%dma_wait3A_670 : memref<262144xf32, #tpu.memory_space<vmem_shared>>)
    %dma_wait3A_671 = arith.constant 2 : i32
    %dma_wait3A_672 = arith.constant 0 : i32
    %dma_wait3A_673 = tpu.memref_slice %arg7[%dma_wait3A_671, %dma_wait3A_672] : memref<4x128xi32, #tpu.memory_space<vmem>> -> memref<1x128xi32, #tpu.memory_space<vmem>>
    %dma_wait3A_674 = tpu.memref_squeeze %dma_wait3A_673 : memref<1x128xi32, #tpu.memory_space<vmem>> -> memref<128xi32, #tpu.memory_space<vmem>>
    %dma_wait3A_675 = arith.constant 0 : i32
    %dma_wait3A_676 = tpu.memref_slice %arg10[%dma_wait3A_675] : memref<262144xf32, #tpu.memory_space<vmem_shared>> -> memref<262144xf32, #tpu.memory_space<vmem_shared>>
    tpu.wait_indirect_dma semaphore(%arg11 : memref<!tpu.dma_semaphore, #tpu.memory_space<semaphore_mem>>) src(%arg8 : memref<128xf32, #tpu.memory_space<vmem>>) dst(%dma_wait3A_676 : memref<262144xf32, #tpu.memory_space<vmem_shared>>)
    %dma_wait3A_677 = arith.constant 3 : i32
    %dma_wait3A_678 = arith.constant 0 : i32
    %dma_wait3A_679 = tpu.memref_slice %arg7[%dma_wait3A_677, %dma_wait3A_678] : memref<4x128xi32, #tpu.memory_space<vmem>> -> memref<1x128xi32, #tpu.memory_space<vmem>>
    %dma_wait3A_680 = tpu.memref_squeeze %dma_wait3A_679 : memref<1x128xi32, #tpu.memory_space<vmem>> -> memref<128xi32, #tpu.memory_space<vmem>>
    %dma_wait3A_681 = arith.constant 0 : i32
    %dma_wait3A_682 = tpu.memref_slice %arg10[%dma_wait3A_681] : memref<262144xf32, #tpu.memory_space<vmem_shared>> -> memref<262144xf32, #tpu.memory_space<vmem_shared>>
    tpu.wait_indirect_dma semaphore(%arg11 : memref<!tpu.dma_semaphore, #tpu.memory_space<semaphore_mem>>) src(%arg8 : memref<128xf32, #tpu.memory_space<vmem>>) dst(%dma_wait3A_682 : memref<262144xf32, #tpu.memory_space<vmem_shared>>)
    %barrier3A_683 = arith.constant 0 : index
    tpu.barrier barrier_id(%barrier3A_683)
    %mul3A_684 = arith.constant 32 : i32
    %mul3A_685 = arith.muli %arg1, %mul3A_684 : i32
    %add3A_686 = arith.constant 0 : i32
    %add3A_687 = arith.addi %mul3A_685, %add3A_686 : i32
    %mul3A_688 = arith.constant 512 : i32
    %mul3A_689 = arith.muli %add3A_687, %mul3A_688 : i32
    %mul3A_690 = arith.constant 512 : i32
    %mul3A_691 = arith.muli %arg0, %mul3A_690 : i32
    %add3A_692 = arith.addi %mul3A_691, %mul3A_685 : i32
    %add3A_693 = arith.constant 0 : i32
    %add3A_694 = arith.addi %add3A_692, %add3A_693 : i32
    %dma_start3A_695 = arith.constant 0 : i32
    %dma_start3A_696 = tpu.memref_slice %arg4[%add3A_694, %dma_start3A_695] : memref<1024x512xf32, #tpu.memory_space<hbm>> -> memref<1x512xf32, #tpu.memory_space<hbm>>
    %dma_start3A_697 = tpu.memref_squeeze %dma_start3A_696 : memref<1x512xf32, #tpu.memory_space<hbm>> -> memref<512xf32, #tpu.memory_space<hbm>>
    %dma_start3A_698 = tpu.memref_slice %arg10[%mul3A_689] : memref<262144xf32, #tpu.memory_space<vmem_shared>> -> memref<512xf32, #tpu.memory_space<vmem_shared>>
    tpu.enqueue_dma source(%dma_start3A_698 : memref<512xf32, #tpu.memory_space<vmem_shared>>) target(%dma_start3A_697 : memref<512xf32, #tpu.memory_space<hbm>>) target_semaphore(%arg11 : memref<!tpu.dma_semaphore, #tpu.memory_space<semaphore_mem>>)
    %add3A_699 = arith.constant 1 : i32
    %add3A_700 = arith.addi %mul3A_685, %add3A_699 : i32
    %mul3A_701 = arith.constant 512 : i32
    %mul3A_702 = arith.muli %add3A_700, %mul3A_701 : i32
    %mul3A_703 = arith.constant 512 : i32
    %mul3A_704 = arith.muli %arg0, %mul3A_703 : i32
    %add3A_705 = arith.addi %mul3A_704, %mul3A_685 : i32
    %add3A_706 = arith.constant 1 : i32
    %add3A_707 = arith.addi %add3A_705, %add3A_706 : i32
    %dma_start3A_708 = arith.constant 0 : i32
    %dma_start3A_709 = tpu.memref_slice %arg4[%add3A_707, %dma_start3A_708] : memref<1024x512xf32, #tpu.memory_space<hbm>> -> memref<1x512xf32, #tpu.memory_space<hbm>>
    %dma_start3A_710 = tpu.memref_squeeze %dma_start3A_709 : memref<1x512xf32, #tpu.memory_space<hbm>> -> memref<512xf32, #tpu.memory_space<hbm>>
    %dma_start3A_711 = tpu.memref_slice %arg10[%mul3A_702] : memref<262144xf32, #tpu.memory_space<vmem_shared>> -> memref<512xf32, #tpu.memory_space<vmem_shared>>
    tpu.enqueue_dma source(%dma_start3A_711 : memref<512xf32, #tpu.memory_space<vmem_shared>>) target(%dma_start3A_710 : memref<512xf32, #tpu.memory_space<hbm>>) target_semaphore(%arg11 : memref<!tpu.dma_semaphore, #tpu.memory_space<semaphore_mem>>)
    %add3A_712 = arith.constant 2 : i32
    %add3A_713 = arith.addi %mul3A_685, %add3A_712 : i32
    %mul3A_714 = arith.constant 512 : i32
    %mul3A_715 = arith.muli %add3A_713, %mul3A_714 : i32
    %mul3A_716 = arith.constant 512 : i32
    %mul3A_717 = arith.muli %arg0, %mul3A_716 : i32
    %add3A_718 = arith.addi %mul3A_717, %mul3A_685 : i32
    %add3A_719 = arith.constant 2 : i32
    %add3A_720 = arith.addi %add3A_718, %add3A_719 : i32
    %dma_start3A_721 = arith.constant 0 : i32
    %dma_start3A_722 = tpu.memref_slice %arg4[%add3A_720, %dma_start3A_721] : memref<1024x512xf32, #tpu.memory_space<hbm>> -> memref<1x512xf32, #tpu.memory_space<hbm>>
    %dma_start3A_723 = tpu.memref_squeeze %dma_start3A_722 : memref<1x512xf32, #tpu.memory_space<hbm>> -> memref<512xf32, #tpu.memory_space<hbm>>
    %dma_start3A_724 = tpu.memref_slice %arg10[%mul3A_715] : memref<262144xf32, #tpu.memory_space<vmem_shared>> -> memref<512xf32, #tpu.memory_space<vmem_shared>>
    tpu.enqueue_dma source(%dma_start3A_724 : memref<512xf32, #tpu.memory_space<vmem_shared>>) target(%dma_start3A_723 : memref<512xf32, #tpu.memory_space<hbm>>) target_semaphore(%arg11 : memref<!tpu.dma_semaphore, #tpu.memory_space<semaphore_mem>>)
    %add3A_725 = arith.constant 3 : i32
    %add3A_726 = arith.addi %mul3A_685, %add3A_725 : i32
    %mul3A_727 = arith.constant 512 : i32
    %mul3A_728 = arith.muli %add3A_726, %mul3A_727 : i32
    %mul3A_729 = arith.constant 512 : i32
    %mul3A_730 = arith.muli %arg0, %mul3A_729 : i32
    %add3A_731 = arith.addi %mul3A_730, %mul3A_685 : i32
    %add3A_732 = arith.constant 3 : i32
    %add3A_733 = arith.addi %add3A_731, %add3A_732 : i32
    %dma_start3A_734 = arith.constant 0 : i32
    %dma_start3A_735 = tpu.memref_slice %arg4[%add3A_733, %dma_start3A_734] : memref<1024x512xf32, #tpu.memory_space<hbm>> -> memref<1x512xf32, #tpu.memory_space<hbm>>
    %dma_start3A_736 = tpu.memref_squeeze %dma_start3A_735 : memref<1x512xf32, #tpu.memory_space<hbm>> -> memref<512xf32, #tpu.memory_space<hbm>>
    %dma_start3A_737 = tpu.memref_slice %arg10[%mul3A_728] : memref<262144xf32, #tpu.memory_space<vmem_shared>> -> memref<512xf32, #tpu.memory_space<vmem_shared>>
    tpu.enqueue_dma source(%dma_start3A_737 : memref<512xf32, #tpu.memory_space<vmem_shared>>) target(%dma_start3A_736 : memref<512xf32, #tpu.memory_space<hbm>>) target_semaphore(%arg11 : memref<!tpu.dma_semaphore, #tpu.memory_space<semaphore_mem>>)
    %add3A_738 = arith.constant 4 : i32
    %add3A_739 = arith.addi %mul3A_685, %add3A_738 : i32
    %mul3A_740 = arith.constant 512 : i32
    %mul3A_741 = arith.muli %add3A_739, %mul3A_740 : i32
    %mul3A_742 = arith.constant 512 : i32
    %mul3A_743 = arith.muli %arg0, %mul3A_742 : i32
    %add3A_744 = arith.addi %mul3A_743, %mul3A_685 : i32
    %add3A_745 = arith.constant 4 : i32
    %add3A_746 = arith.addi %add3A_744, %add3A_745 : i32
    %dma_start3A_747 = arith.constant 0 : i32
    %dma_start3A_748 = tpu.memref_slice %arg4[%add3A_746, %dma_start3A_747] : memref<1024x512xf32, #tpu.memory_space<hbm>> -> memref<1x512xf32, #tpu.memory_space<hbm>>
    %dma_start3A_749 = tpu.memref_squeeze %dma_start3A_748 : memref<1x512xf32, #tpu.memory_space<hbm>> -> memref<512xf32, #tpu.memory_space<hbm>>
    %dma_start3A_750 = tpu.memref_slice %arg10[%mul3A_741] : memref<262144xf32, #tpu.memory_space<vmem_shared>> -> memref<512xf32, #tpu.memory_space<vmem_shared>>
    tpu.enqueue_dma source(%dma_start3A_750 : memref<512xf32, #tpu.memory_space<vmem_shared>>) target(%dma_start3A_749 : memref<512xf32, #tpu.memory_space<hbm>>) target_semaphore(%arg11 : memref<!tpu.dma_semaphore, #tpu.memory_space<semaphore_mem>>)
    %add3A_751 = arith.constant 5 : i32
    %add3A_752 = arith.addi %mul3A_685, %add3A_751 : i32
    %mul3A_753 = arith.constant 512 : i32
    %mul3A_754 = arith.muli %add3A_752, %mul3A_753 : i32
    %mul3A_755 = arith.constant 512 : i32
    %mul3A_756 = arith.muli %arg0, %mul3A_755 : i32
    %add3A_757 = arith.addi %mul3A_756, %mul3A_685 : i32
    %add3A_758 = arith.constant 5 : i32
    %add3A_759 = arith.addi %add3A_757, %add3A_758 : i32
    %dma_start3A_760 = arith.constant 0 : i32
    %dma_start3A_761 = tpu.memref_slice %arg4[%add3A_759, %dma_start3A_760] : memref<1024x512xf32, #tpu.memory_space<hbm>> -> memref<1x512xf32, #tpu.memory_space<hbm>>
    %dma_start3A_762 = tpu.memref_squeeze %dma_start3A_761 : memref<1x512xf32, #tpu.memory_space<hbm>> -> memref<512xf32, #tpu.memory_space<hbm>>
    %dma_start3A_763 = tpu.memref_slice %arg10[%mul3A_754] : memref<262144xf32, #tpu.memory_space<vmem_shared>> -> memref<512xf32, #tpu.memory_space<vmem_shared>>
    tpu.enqueue_dma source(%dma_start3A_763 : memref<512xf32, #tpu.memory_space<vmem_shared>>) target(%dma_start3A_762 : memref<512xf32, #tpu.memory_space<hbm>>) target_semaphore(%arg11 : memref<!tpu.dma_semaphore, #tpu.memory_space<semaphore_mem>>)
    %add3A_764 = arith.constant 6 : i32
    %add3A_765 = arith.addi %mul3A_685, %add3A_764 : i32
    %mul3A_766 = arith.constant 512 : i32
    %mul3A_767 = arith.muli %add3A_765, %mul3A_766 : i32
    %mul3A_768 = arith.constant 512 : i32
    %mul3A_769 = arith.muli %arg0, %mul3A_768 : i32
    %add3A_770 = arith.addi %mul3A_769, %mul3A_685 : i32
    %add3A_771 = arith.constant 6 : i32
    %add3A_772 = arith.addi %add3A_770, %add3A_771 : i32
    %dma_start3A_773 = arith.constant 0 : i32
    %dma_start3A_774 = tpu.memref_slice %arg4[%add3A_772, %dma_start3A_773] : memref<1024x512xf32, #tpu.memory_space<hbm>> -> memref<1x512xf32, #tpu.memory_space<hbm>>
    %dma_start3A_775 = tpu.memref_squeeze %dma_start3A_774 : memref<1x512xf32, #tpu.memory_space<hbm>> -> memref<512xf32, #tpu.memory_space<hbm>>
    %dma_start3A_776 = tpu.memref_slice %arg10[%mul3A_767] : memref<262144xf32, #tpu.memory_space<vmem_shared>> -> memref<512xf32, #tpu.memory_space<vmem_shared>>
    tpu.enqueue_dma source(%dma_start3A_776 : memref<512xf32, #tpu.memory_space<vmem_shared>>) target(%dma_start3A_775 : memref<512xf32, #tpu.memory_space<hbm>>) target_semaphore(%arg11 : memref<!tpu.dma_semaphore, #tpu.memory_space<semaphore_mem>>)
    %add3A_777 = arith.constant 7 : i32
    %add3A_778 = arith.addi %mul3A_685, %add3A_777 : i32
    %mul3A_779 = arith.constant 512 : i32
    %mul3A_780 = arith.muli %add3A_778, %mul3A_779 : i32
    %mul3A_781 = arith.constant 512 : i32
    %mul3A_782 = arith.muli %arg0, %mul3A_781 : i32
    %add3A_783 = arith.addi %mul3A_782, %mul3A_685 : i32
    %add3A_784 = arith.constant 7 : i32
    %add3A_785 = arith.addi %add3A_783, %add3A_784 : i32
    %dma_start3A_786 = arith.constant 0 : i32
    %dma_start3A_787 = tpu.memref_slice %arg4[%add3A_785, %dma_start3A_786] : memref<1024x512xf32, #tpu.memory_space<hbm>> -> memref<1x512xf32, #tpu.memory_space<hbm>>
    %dma_start3A_788 = tpu.memref_squeeze %dma_start3A_787 : memref<1x512xf32, #tpu.memory_space<hbm>> -> memref<512xf32, #tpu.memory_space<hbm>>
    %dma_start3A_789 = tpu.memref_slice %arg10[%mul3A_780] : memref<262144xf32, #tpu.memory_space<vmem_shared>> -> memref<512xf32, #tpu.memory_space<vmem_shared>>
    tpu.enqueue_dma source(%dma_start3A_789 : memref<512xf32, #tpu.memory_space<vmem_shared>>) target(%dma_start3A_788 : memref<512xf32, #tpu.memory_space<hbm>>) target_semaphore(%arg11 : memref<!tpu.dma_semaphore, #tpu.memory_space<semaphore_mem>>)
    %add3A_790 = arith.constant 8 : i32
    %add3A_791 = arith.addi %mul3A_685, %add3A_790 : i32
    %mul3A_792 = arith.constant 512 : i32
    %mul3A_793 = arith.muli %add3A_791, %mul3A_792 : i32
    %mul3A_794 = arith.constant 512 : i32
    %mul3A_795 = arith.muli %arg0, %mul3A_794 : i32
    %add3A_796 = arith.addi %mul3A_795, %mul3A_685 : i32
    %add3A_797 = arith.constant 8 : i32
    %add3A_798 = arith.addi %add3A_796, %add3A_797 : i32
    %dma_start3A_799 = arith.constant 0 : i32
    %dma_start3A_800 = tpu.memref_slice %arg4[%add3A_798, %dma_start3A_799] : memref<1024x512xf32, #tpu.memory_space<hbm>> -> memref<1x512xf32, #tpu.memory_space<hbm>>
    %dma_start3A_801 = tpu.memref_squeeze %dma_start3A_800 : memref<1x512xf32, #tpu.memory_space<hbm>> -> memref<512xf32, #tpu.memory_space<hbm>>
    %dma_start3A_802 = tpu.memref_slice %arg10[%mul3A_793] : memref<262144xf32, #tpu.memory_space<vmem_shared>> -> memref<512xf32, #tpu.memory_space<vmem_shared>>
    tpu.enqueue_dma source(%dma_start3A_802 : memref<512xf32, #tpu.memory_space<vmem_shared>>) target(%dma_start3A_801 : memref<512xf32, #tpu.memory_space<hbm>>) target_semaphore(%arg11 : memref<!tpu.dma_semaphore, #tpu.memory_space<semaphore_mem>>)
    %add3A_803 = arith.constant 9 : i32
    %add3A_804 = arith.addi %mul3A_685, %add3A_803 : i32
    %mul3A_805 = arith.constant 512 : i32
    %mul3A_806 = arith.muli %add3A_804, %mul3A_805 : i32
    %mul3A_807 = arith.constant 512 : i32
    %mul3A_808 = arith.muli %arg0, %mul3A_807 : i32
    %add3A_809 = arith.addi %mul3A_808, %mul3A_685 : i32
    %add3A_810 = arith.constant 9 : i32
    %add3A_811 = arith.addi %add3A_809, %add3A_810 : i32
    %dma_start3A_812 = arith.constant 0 : i32
    %dma_start3A_813 = tpu.memref_slice %arg4[%add3A_811, %dma_start3A_812] : memref<1024x512xf32, #tpu.memory_space<hbm>> -> memref<1x512xf32, #tpu.memory_space<hbm>>
    %dma_start3A_814 = tpu.memref_squeeze %dma_start3A_813 : memref<1x512xf32, #tpu.memory_space<hbm>> -> memref<512xf32, #tpu.memory_space<hbm>>
    %dma_start3A_815 = tpu.memref_slice %arg10[%mul3A_806] : memref<262144xf32, #tpu.memory_space<vmem_shared>> -> memref<512xf32, #tpu.memory_space<vmem_shared>>
    tpu.enqueue_dma source(%dma_start3A_815 : memref<512xf32, #tpu.memory_space<vmem_shared>>) target(%dma_start3A_814 : memref<512xf32, #tpu.memory_space<hbm>>) target_semaphore(%arg11 : memref<!tpu.dma_semaphore, #tpu.memory_space<semaphore_mem>>)
    %add3A_816 = arith.constant 10 : i32
    %add3A_817 = arith.addi %mul3A_685, %add3A_816 : i32
    %mul3A_818 = arith.constant 512 : i32
    %mul3A_819 = arith.muli %add3A_817, %mul3A_818 : i32
    %mul3A_820 = arith.constant 512 : i32
    %mul3A_821 = arith.muli %arg0, %mul3A_820 : i32
    %add3A_822 = arith.addi %mul3A_821, %mul3A_685 : i32
    %add3A_823 = arith.constant 10 : i32
    %add3A_824 = arith.addi %add3A_822, %add3A_823 : i32
    %dma_start3A_825 = arith.constant 0 : i32
    %dma_start3A_826 = tpu.memref_slice %arg4[%add3A_824, %dma_start3A_825] : memref<1024x512xf32, #tpu.memory_space<hbm>> -> memref<1x512xf32, #tpu.memory_space<hbm>>
    %dma_start3A_827 = tpu.memref_squeeze %dma_start3A_826 : memref<1x512xf32, #tpu.memory_space<hbm>> -> memref<512xf32, #tpu.memory_space<hbm>>
    %dma_start3A_828 = tpu.memref_slice %arg10[%mul3A_819] : memref<262144xf32, #tpu.memory_space<vmem_shared>> -> memref<512xf32, #tpu.memory_space<vmem_shared>>
    tpu.enqueue_dma source(%dma_start3A_828 : memref<512xf32, #tpu.memory_space<vmem_shared>>) target(%dma_start3A_827 : memref<512xf32, #tpu.memory_space<hbm>>) target_semaphore(%arg11 : memref<!tpu.dma_semaphore, #tpu.memory_space<semaphore_mem>>)
    %add3A_829 = arith.constant 11 : i32
    %add3A_830 = arith.addi %mul3A_685, %add3A_829 : i32
    %mul3A_831 = arith.constant 512 : i32
    %mul3A_832 = arith.muli %add3A_830, %mul3A_831 : i32
    %mul3A_833 = arith.constant 512 : i32
    %mul3A_834 = arith.muli %arg0, %mul3A_833 : i32
    %add3A_835 = arith.addi %mul3A_834, %mul3A_685 : i32
    %add3A_836 = arith.constant 11 : i32
    %add3A_837 = arith.addi %add3A_835, %add3A_836 : i32
    %dma_start3A_838 = arith.constant 0 : i32
    %dma_start3A_839 = tpu.memref_slice %arg4[%add3A_837, %dma_start3A_838] : memref<1024x512xf32, #tpu.memory_space<hbm>> -> memref<1x512xf32, #tpu.memory_space<hbm>>
    %dma_start3A_840 = tpu.memref_squeeze %dma_start3A_839 : memref<1x512xf32, #tpu.memory_space<hbm>> -> memref<512xf32, #tpu.memory_space<hbm>>
    %dma_start3A_841 = tpu.memref_slice %arg10[%mul3A_832] : memref<262144xf32, #tpu.memory_space<vmem_shared>> -> memref<512xf32, #tpu.memory_space<vmem_shared>>
    tpu.enqueue_dma source(%dma_start3A_841 : memref<512xf32, #tpu.memory_space<vmem_shared>>) target(%dma_start3A_840 : memref<512xf32, #tpu.memory_space<hbm>>) target_semaphore(%arg11 : memref<!tpu.dma_semaphore, #tpu.memory_space<semaphore_mem>>)
    %add3A_842 = arith.constant 12 : i32
    %add3A_843 = arith.addi %mul3A_685, %add3A_842 : i32
    %mul3A_844 = arith.constant 512 : i32
    %mul3A_845 = arith.muli %add3A_843, %mul3A_844 : i32
    %mul3A_846 = arith.constant 512 : i32
    %mul3A_847 = arith.muli %arg0, %mul3A_846 : i32
    %add3A_848 = arith.addi %mul3A_847, %mul3A_685 : i32
    %add3A_849 = arith.constant 12 : i32
    %add3A_850 = arith.addi %add3A_848, %add3A_849 : i32
    %dma_start3A_851 = arith.constant 0 : i32
    %dma_start3A_852 = tpu.memref_slice %arg4[%add3A_850, %dma_start3A_851] : memref<1024x512xf32, #tpu.memory_space<hbm>> -> memref<1x512xf32, #tpu.memory_space<hbm>>
    %dma_start3A_853 = tpu.memref_squeeze %dma_start3A_852 : memref<1x512xf32, #tpu.memory_space<hbm>> -> memref<512xf32, #tpu.memory_space<hbm>>
    %dma_start3A_854 = tpu.memref_slice %arg10[%mul3A_845] : memref<262144xf32, #tpu.memory_space<vmem_shared>> -> memref<512xf32, #tpu.memory_space<vmem_shared>>
    tpu.enqueue_dma source(%dma_start3A_854 : memref<512xf32, #tpu.memory_space<vmem_shared>>) target(%dma_start3A_853 : memref<512xf32, #tpu.memory_space<hbm>>) target_semaphore(%arg11 : memref<!tpu.dma_semaphore, #tpu.memory_space<semaphore_mem>>)
    %add3A_855 = arith.constant 13 : i32
    %add3A_856 = arith.addi %mul3A_685, %add3A_855 : i32
    %mul3A_857 = arith.constant 512 : i32
    %mul3A_858 = arith.muli %add3A_856, %mul3A_857 : i32
    %mul3A_859 = arith.constant 512 : i32
    %mul3A_860 = arith.muli %arg0, %mul3A_859 : i32
    %add3A_861 = arith.addi %mul3A_860, %mul3A_685 : i32
    %add3A_862 = arith.constant 13 : i32
    %add3A_863 = arith.addi %add3A_861, %add3A_862 : i32
    %dma_start3A_864 = arith.constant 0 : i32
    %dma_start3A_865 = tpu.memref_slice %arg4[%add3A_863, %dma_start3A_864] : memref<1024x512xf32, #tpu.memory_space<hbm>> -> memref<1x512xf32, #tpu.memory_space<hbm>>
    %dma_start3A_866 = tpu.memref_squeeze %dma_start3A_865 : memref<1x512xf32, #tpu.memory_space<hbm>> -> memref<512xf32, #tpu.memory_space<hbm>>
    %dma_start3A_867 = tpu.memref_slice %arg10[%mul3A_858] : memref<262144xf32, #tpu.memory_space<vmem_shared>> -> memref<512xf32, #tpu.memory_space<vmem_shared>>
    tpu.enqueue_dma source(%dma_start3A_867 : memref<512xf32, #tpu.memory_space<vmem_shared>>) target(%dma_start3A_866 : memref<512xf32, #tpu.memory_space<hbm>>) target_semaphore(%arg11 : memref<!tpu.dma_semaphore, #tpu.memory_space<semaphore_mem>>)
    %add3A_868 = arith.constant 14 : i32
    %add3A_869 = arith.addi %mul3A_685, %add3A_868 : i32
    %mul3A_870 = arith.constant 512 : i32
    %mul3A_871 = arith.muli %add3A_869, %mul3A_870 : i32
    %mul3A_872 = arith.constant 512 : i32
    %mul3A_873 = arith.muli %arg0, %mul3A_872 : i32
    %add3A_874 = arith.addi %mul3A_873, %mul3A_685 : i32
    %add3A_875 = arith.constant 14 : i32
    %add3A_876 = arith.addi %add3A_874, %add3A_875 : i32
    %dma_start3A_877 = arith.constant 0 : i32
    %dma_start3A_878 = tpu.memref_slice %arg4[%add3A_876, %dma_start3A_877] : memref<1024x512xf32, #tpu.memory_space<hbm>> -> memref<1x512xf32, #tpu.memory_space<hbm>>
    %dma_start3A_879 = tpu.memref_squeeze %dma_start3A_878 : memref<1x512xf32, #tpu.memory_space<hbm>> -> memref<512xf32, #tpu.memory_space<hbm>>
    %dma_start3A_880 = tpu.memref_slice %arg10[%mul3A_871] : memref<262144xf32, #tpu.memory_space<vmem_shared>> -> memref<512xf32, #tpu.memory_space<vmem_shared>>
    tpu.enqueue_dma source(%dma_start3A_880 : memref<512xf32, #tpu.memory_space<vmem_shared>>) target(%dma_start3A_879 : memref<512xf32, #tpu.memory_space<hbm>>) target_semaphore(%arg11 : memref<!tpu.dma_semaphore, #tpu.memory_space<semaphore_mem>>)
    %add3A_881 = arith.constant 15 : i32
    %add3A_882 = arith.addi %mul3A_685, %add3A_881 : i32
    %mul3A_883 = arith.constant 512 : i32
    %mul3A_884 = arith.muli %add3A_882, %mul3A_883 : i32
    %mul3A_885 = arith.constant 512 : i32
    %mul3A_886 = arith.muli %arg0, %mul3A_885 : i32
    %add3A_887 = arith.addi %mul3A_886, %mul3A_685 : i32
    %add3A_888 = arith.constant 15 : i32
    %add3A_889 = arith.addi %add3A_887, %add3A_888 : i32
    %dma_start3A_890 = arith.constant 0 : i32
    %dma_start3A_891 = tpu.memref_slice %arg4[%add3A_889, %dma_start3A_890] : memref<1024x512xf32, #tpu.memory_space<hbm>> -> memref<1x512xf32, #tpu.memory_space<hbm>>
    %dma_start3A_892 = tpu.memref_squeeze %dma_start3A_891 : memref<1x512xf32, #tpu.memory_space<hbm>> -> memref<512xf32, #tpu.memory_space<hbm>>
    %dma_start3A_893 = tpu.memref_slice %arg10[%mul3A_884] : memref<262144xf32, #tpu.memory_space<vmem_shared>> -> memref<512xf32, #tpu.memory_space<vmem_shared>>
    tpu.enqueue_dma source(%dma_start3A_893 : memref<512xf32, #tpu.memory_space<vmem_shared>>) target(%dma_start3A_892 : memref<512xf32, #tpu.memory_space<hbm>>) target_semaphore(%arg11 : memref<!tpu.dma_semaphore, #tpu.memory_space<semaphore_mem>>)
    %add3A_894 = arith.constant 16 : i32
    %add3A_895 = arith.addi %mul3A_685, %add3A_894 : i32
    %mul3A_896 = arith.constant 512 : i32
    %mul3A_897 = arith.muli %add3A_895, %mul3A_896 : i32
    %mul3A_898 = arith.constant 512 : i32
    %mul3A_899 = arith.muli %arg0, %mul3A_898 : i32
    %add3A_900 = arith.addi %mul3A_899, %mul3A_685 : i32
    %add3A_901 = arith.constant 16 : i32
    %add3A_902 = arith.addi %add3A_900, %add3A_901 : i32
    %dma_start3A_903 = arith.constant 0 : i32
    %dma_start3A_904 = tpu.memref_slice %arg4[%add3A_902, %dma_start3A_903] : memref<1024x512xf32, #tpu.memory_space<hbm>> -> memref<1x512xf32, #tpu.memory_space<hbm>>
    %dma_start3A_905 = tpu.memref_squeeze %dma_start3A_904 : memref<1x512xf32, #tpu.memory_space<hbm>> -> memref<512xf32, #tpu.memory_space<hbm>>
    %dma_start3A_906 = tpu.memref_slice %arg10[%mul3A_897] : memref<262144xf32, #tpu.memory_space<vmem_shared>> -> memref<512xf32, #tpu.memory_space<vmem_shared>>
    tpu.enqueue_dma source(%dma_start3A_906 : memref<512xf32, #tpu.memory_space<vmem_shared>>) target(%dma_start3A_905 : memref<512xf32, #tpu.memory_space<hbm>>) target_semaphore(%arg11 : memref<!tpu.dma_semaphore, #tpu.memory_space<semaphore_mem>>)
    %add3A_907 = arith.constant 17 : i32
    %add3A_908 = arith.addi %mul3A_685, %add3A_907 : i32
    %mul3A_909 = arith.constant 512 : i32
    %mul3A_910 = arith.muli %add3A_908, %mul3A_909 : i32
    %mul3A_911 = arith.constant 512 : i32
    %mul3A_912 = arith.muli %arg0, %mul3A_911 : i32
    %add3A_913 = arith.addi %mul3A_912, %mul3A_685 : i32
    %add3A_914 = arith.constant 17 : i32
    %add3A_915 = arith.addi %add3A_913, %add3A_914 : i32
    %dma_start3A_916 = arith.constant 0 : i32
    %dma_start3A_917 = tpu.memref_slice %arg4[%add3A_915, %dma_start3A_916] : memref<1024x512xf32, #tpu.memory_space<hbm>> -> memref<1x512xf32, #tpu.memory_space<hbm>>
    %dma_start3A_918 = tpu.memref_squeeze %dma_start3A_917 : memref<1x512xf32, #tpu.memory_space<hbm>> -> memref<512xf32, #tpu.memory_space<hbm>>
    %dma_start3A_919 = tpu.memref_slice %arg10[%mul3A_910] : memref<262144xf32, #tpu.memory_space<vmem_shared>> -> memref<512xf32, #tpu.memory_space<vmem_shared>>
    tpu.enqueue_dma source(%dma_start3A_919 : memref<512xf32, #tpu.memory_space<vmem_shared>>) target(%dma_start3A_918 : memref<512xf32, #tpu.memory_space<hbm>>) target_semaphore(%arg11 : memref<!tpu.dma_semaphore, #tpu.memory_space<semaphore_mem>>)
    %add3A_920 = arith.constant 18 : i32
    %add3A_921 = arith.addi %mul3A_685, %add3A_920 : i32
    %mul3A_922 = arith.constant 512 : i32
    %mul3A_923 = arith.muli %add3A_921, %mul3A_922 : i32
    %mul3A_924 = arith.constant 512 : i32
    %mul3A_925 = arith.muli %arg0, %mul3A_924 : i32
    %add3A_926 = arith.addi %mul3A_925, %mul3A_685 : i32
    %add3A_927 = arith.constant 18 : i32
    %add3A_928 = arith.addi %add3A_926, %add3A_927 : i32
    %dma_start3A_929 = arith.constant 0 : i32
    %dma_start3A_930 = tpu.memref_slice %arg4[%add3A_928, %dma_start3A_929] : memref<1024x512xf32, #tpu.memory_space<hbm>> -> memref<1x512xf32, #tpu.memory_space<hbm>>
    %dma_start3A_931 = tpu.memref_squeeze %dma_start3A_930 : memref<1x512xf32, #tpu.memory_space<hbm>> -> memref<512xf32, #tpu.memory_space<hbm>>
    %dma_start3A_932 = tpu.memref_slice %arg10[%mul3A_923] : memref<262144xf32, #tpu.memory_space<vmem_shared>> -> memref<512xf32, #tpu.memory_space<vmem_shared>>
    tpu.enqueue_dma source(%dma_start3A_932 : memref<512xf32, #tpu.memory_space<vmem_shared>>) target(%dma_start3A_931 : memref<512xf32, #tpu.memory_space<hbm>>) target_semaphore(%arg11 : memref<!tpu.dma_semaphore, #tpu.memory_space<semaphore_mem>>)
    %add3A_933 = arith.constant 19 : i32
    %add3A_934 = arith.addi %mul3A_685, %add3A_933 : i32
    %mul3A_935 = arith.constant 512 : i32
    %mul3A_936 = arith.muli %add3A_934, %mul3A_935 : i32
    %mul3A_937 = arith.constant 512 : i32
    %mul3A_938 = arith.muli %arg0, %mul3A_937 : i32
    %add3A_939 = arith.addi %mul3A_938, %mul3A_685 : i32
    %add3A_940 = arith.constant 19 : i32
    %add3A_941 = arith.addi %add3A_939, %add3A_940 : i32
    %dma_start3A_942 = arith.constant 0 : i32
    %dma_start3A_943 = tpu.memref_slice %arg4[%add3A_941, %dma_start3A_942] : memref<1024x512xf32, #tpu.memory_space<hbm>> -> memref<1x512xf32, #tpu.memory_space<hbm>>
    %dma_start3A_944 = tpu.memref_squeeze %dma_start3A_943 : memref<1x512xf32, #tpu.memory_space<hbm>> -> memref<512xf32, #tpu.memory_space<hbm>>
    %dma_start3A_945 = tpu.memref_slice %arg10[%mul3A_936] : memref<262144xf32, #tpu.memory_space<vmem_shared>> -> memref<512xf32, #tpu.memory_space<vmem_shared>>
    tpu.enqueue_dma source(%dma_start3A_945 : memref<512xf32, #tpu.memory_space<vmem_shared>>) target(%dma_start3A_944 : memref<512xf32, #tpu.memory_space<hbm>>) target_semaphore(%arg11 : memref<!tpu.dma_semaphore, #tpu.memory_space<semaphore_mem>>)
    %add3A_946 = arith.constant 20 : i32
    %add3A_947 = arith.addi %mul3A_685, %add3A_946 : i32
    %mul3A_948 = arith.constant 512 : i32
    %mul3A_949 = arith.muli %add3A_947, %mul3A_948 : i32
    %mul3A_950 = arith.constant 512 : i32
    %mul3A_951 = arith.muli %arg0, %mul3A_950 : i32
    %add3A_952 = arith.addi %mul3A_951, %mul3A_685 : i32
    %add3A_953 = arith.constant 20 : i32
    %add3A_954 = arith.addi %add3A_952, %add3A_953 : i32
    %dma_start3A_955 = arith.constant 0 : i32
    %dma_start3A_956 = tpu.memref_slice %arg4[%add3A_954, %dma_start3A_955] : memref<1024x512xf32, #tpu.memory_space<hbm>> -> memref<1x512xf32, #tpu.memory_space<hbm>>
    %dma_start3A_957 = tpu.memref_squeeze %dma_start3A_956 : memref<1x512xf32, #tpu.memory_space<hbm>> -> memref<512xf32, #tpu.memory_space<hbm>>
    %dma_start3A_958 = tpu.memref_slice %arg10[%mul3A_949] : memref<262144xf32, #tpu.memory_space<vmem_shared>> -> memref<512xf32, #tpu.memory_space<vmem_shared>>
    tpu.enqueue_dma source(%dma_start3A_958 : memref<512xf32, #tpu.memory_space<vmem_shared>>) target(%dma_start3A_957 : memref<512xf32, #tpu.memory_space<hbm>>) target_semaphore(%arg11 : memref<!tpu.dma_semaphore, #tpu.memory_space<semaphore_mem>>)
    %add3A_959 = arith.constant 21 : i32
    %add3A_960 = arith.addi %mul3A_685, %add3A_959 : i32
    %mul3A_961 = arith.constant 512 : i32
    %mul3A_962 = arith.muli %add3A_960, %mul3A_961 : i32
    %mul3A_963 = arith.constant 512 : i32
    %mul3A_964 = arith.muli %arg0, %mul3A_963 : i32
    %add3A_965 = arith.addi %mul3A_964, %mul3A_685 : i32
    %add3A_966 = arith.constant 21 : i32
    %add3A_967 = arith.addi %add3A_965, %add3A_966 : i32
    %dma_start3A_968 = arith.constant 0 : i32
    %dma_start3A_969 = tpu.memref_slice %arg4[%add3A_967, %dma_start3A_968] : memref<1024x512xf32, #tpu.memory_space<hbm>> -> memref<1x512xf32, #tpu.memory_space<hbm>>
    %dma_start3A_970 = tpu.memref_squeeze %dma_start3A_969 : memref<1x512xf32, #tpu.memory_space<hbm>> -> memref<512xf32, #tpu.memory_space<hbm>>
    %dma_start3A_971 = tpu.memref_slice %arg10[%mul3A_962] : memref<262144xf32, #tpu.memory_space<vmem_shared>> -> memref<512xf32, #tpu.memory_space<vmem_shared>>
    tpu.enqueue_dma source(%dma_start3A_971 : memref<512xf32, #tpu.memory_space<vmem_shared>>) target(%dma_start3A_970 : memref<512xf32, #tpu.memory_space<hbm>>) target_semaphore(%arg11 : memref<!tpu.dma_semaphore, #tpu.memory_space<semaphore_mem>>)
    %add3A_972 = arith.constant 22 : i32
    %add3A_973 = arith.addi %mul3A_685, %add3A_972 : i32
    %mul3A_974 = arith.constant 512 : i32
    %mul3A_975 = arith.muli %add3A_973, %mul3A_974 : i32
    %mul3A_976 = arith.constant 512 : i32
    %mul3A_977 = arith.muli %arg0, %mul3A_976 : i32
    %add3A_978 = arith.addi %mul3A_977, %mul3A_685 : i32
    %add3A_979 = arith.constant 22 : i32
    %add3A_980 = arith.addi %add3A_978, %add3A_979 : i32
    %dma_start3A_981 = arith.constant 0 : i32
    %dma_start3A_982 = tpu.memref_slice %arg4[%add3A_980, %dma_start3A_981] : memref<1024x512xf32, #tpu.memory_space<hbm>> -> memref<1x512xf32, #tpu.memory_space<hbm>>
    %dma_start3A_983 = tpu.memref_squeeze %dma_start3A_982 : memref<1x512xf32, #tpu.memory_space<hbm>> -> memref<512xf32, #tpu.memory_space<hbm>>
    %dma_start3A_984 = tpu.memref_slice %arg10[%mul3A_975] : memref<262144xf32, #tpu.memory_space<vmem_shared>> -> memref<512xf32, #tpu.memory_space<vmem_shared>>
    tpu.enqueue_dma source(%dma_start3A_984 : memref<512xf32, #tpu.memory_space<vmem_shared>>) target(%dma_start3A_983 : memref<512xf32, #tpu.memory_space<hbm>>) target_semaphore(%arg11 : memref<!tpu.dma_semaphore, #tpu.memory_space<semaphore_mem>>)
    %add3A_985 = arith.constant 23 : i32
    %add3A_986 = arith.addi %mul3A_685, %add3A_985 : i32
    %mul3A_987 = arith.constant 512 : i32
    %mul3A_988 = arith.muli %add3A_986, %mul3A_987 : i32
    %mul3A_989 = arith.constant 512 : i32
    %mul3A_990 = arith.muli %arg0, %mul3A_989 : i32
    %add3A_991 = arith.addi %mul3A_990, %mul3A_685 : i32
    %add3A_992 = arith.constant 23 : i32
    %add3A_993 = arith.addi %add3A_991, %add3A_992 : i32
    %dma_start3A_994 = arith.constant 0 : i32
    %dma_start3A_995 = tpu.memref_slice %arg4[%add3A_993, %dma_start3A_994] : memref<1024x512xf32, #tpu.memory_space<hbm>> -> memref<1x512xf32, #tpu.memory_space<hbm>>
    %dma_start3A_996 = tpu.memref_squeeze %dma_start3A_995 : memref<1x512xf32, #tpu.memory_space<hbm>> -> memref<512xf32, #tpu.memory_space<hbm>>
    %dma_start3A_997 = tpu.memref_slice %arg10[%mul3A_988] : memref<262144xf32, #tpu.memory_space<vmem_shared>> -> memref<512xf32, #tpu.memory_space<vmem_shared>>
    tpu.enqueue_dma source(%dma_start3A_997 : memref<512xf32, #tpu.memory_space<vmem_shared>>) target(%dma_start3A_996 : memref<512xf32, #tpu.memory_space<hbm>>) target_semaphore(%arg11 : memref<!tpu.dma_semaphore, #tpu.memory_space<semaphore_mem>>)
    %add3A_998 = arith.constant 24 : i32
    %add3A_999 = arith.addi %mul3A_685, %add3A_998 : i32
    %mul3A_1000 = arith.constant 512 : i32
    %mul3A_1001 = arith.muli %add3A_999, %mul3A_1000 : i32
    %mul3A_1002 = arith.constant 512 : i32
    %mul3A_1003 = arith.muli %arg0, %mul3A_1002 : i32
    %add3A_1004 = arith.addi %mul3A_1003, %mul3A_685 : i32
    %add3A_1005 = arith.constant 24 : i32
    %add3A_1006 = arith.addi %add3A_1004, %add3A_1005 : i32
    %dma_start3A_1007 = arith.constant 0 : i32
    %dma_start3A_1008 = tpu.memref_slice %arg4[%add3A_1006, %dma_start3A_1007] : memref<1024x512xf32, #tpu.memory_space<hbm>> -> memref<1x512xf32, #tpu.memory_space<hbm>>
    %dma_start3A_1009 = tpu.memref_squeeze %dma_start3A_1008 : memref<1x512xf32, #tpu.memory_space<hbm>> -> memref<512xf32, #tpu.memory_space<hbm>>
    %dma_start3A_1010 = tpu.memref_slice %arg10[%mul3A_1001] : memref<262144xf32, #tpu.memory_space<vmem_shared>> -> memref<512xf32, #tpu.memory_space<vmem_shared>>
    tpu.enqueue_dma source(%dma_start3A_1010 : memref<512xf32, #tpu.memory_space<vmem_shared>>) target(%dma_start3A_1009 : memref<512xf32, #tpu.memory_space<hbm>>) target_semaphore(%arg11 : memref<!tpu.dma_semaphore, #tpu.memory_space<semaphore_mem>>)
    %add3A_1011 = arith.constant 25 : i32
    %add3A_1012 = arith.addi %mul3A_685, %add3A_1011 : i32
    %mul3A_1013 = arith.constant 512 : i32
    %mul3A_1014 = arith.muli %add3A_1012, %mul3A_1013 : i32
    %mul3A_1015 = arith.constant 512 : i32
    %mul3A_1016 = arith.muli %arg0, %mul3A_1015 : i32
    %add3A_1017 = arith.addi %mul3A_1016, %mul3A_685 : i32
    %add3A_1018 = arith.constant 25 : i32
    %add3A_1019 = arith.addi %add3A_1017, %add3A_1018 : i32
    %dma_start3A_1020 = arith.constant 0 : i32
    %dma_start3A_1021 = tpu.memref_slice %arg4[%add3A_1019, %dma_start3A_1020] : memref<1024x512xf32, #tpu.memory_space<hbm>> -> memref<1x512xf32, #tpu.memory_space<hbm>>
    %dma_start3A_1022 = tpu.memref_squeeze %dma_start3A_1021 : memref<1x512xf32, #tpu.memory_space<hbm>> -> memref<512xf32, #tpu.memory_space<hbm>>
    %dma_start3A_1023 = tpu.memref_slice %arg10[%mul3A_1014] : memref<262144xf32, #tpu.memory_space<vmem_shared>> -> memref<512xf32, #tpu.memory_space<vmem_shared>>
    tpu.enqueue_dma source(%dma_start3A_1023 : memref<512xf32, #tpu.memory_space<vmem_shared>>) target(%dma_start3A_1022 : memref<512xf32, #tpu.memory_space<hbm>>) target_semaphore(%arg11 : memref<!tpu.dma_semaphore, #tpu.memory_space<semaphore_mem>>)
    %add3A_1024 = arith.constant 26 : i32
    %add3A_1025 = arith.addi %mul3A_685, %add3A_1024 : i32
    %mul3A_1026 = arith.constant 512 : i32
    %mul3A_1027 = arith.muli %add3A_1025, %mul3A_1026 : i32
    %mul3A_1028 = arith.constant 512 : i32
    %mul3A_1029 = arith.muli %arg0, %mul3A_1028 : i32
    %add3A_1030 = arith.addi %mul3A_1029, %mul3A_685 : i32
    %add3A_1031 = arith.constant 26 : i32
    %add3A_1032 = arith.addi %add3A_1030, %add3A_1031 : i32
    %dma_start3A_1033 = arith.constant 0 : i32
    %dma_start3A_1034 = tpu.memref_slice %arg4[%add3A_1032, %dma_start3A_1033] : memref<1024x512xf32, #tpu.memory_space<hbm>> -> memref<1x512xf32, #tpu.memory_space<hbm>>
    %dma_start3A_1035 = tpu.memref_squeeze %dma_start3A_1034 : memref<1x512xf32, #tpu.memory_space<hbm>> -> memref<512xf32, #tpu.memory_space<hbm>>
    %dma_start3A_1036 = tpu.memref_slice %arg10[%mul3A_1027] : memref<262144xf32, #tpu.memory_space<vmem_shared>> -> memref<512xf32, #tpu.memory_space<vmem_shared>>
    tpu.enqueue_dma source(%dma_start3A_1036 : memref<512xf32, #tpu.memory_space<vmem_shared>>) target(%dma_start3A_1035 : memref<512xf32, #tpu.memory_space<hbm>>) target_semaphore(%arg11 : memref<!tpu.dma_semaphore, #tpu.memory_space<semaphore_mem>>)
    %add3A_1037 = arith.constant 27 : i32
    %add3A_1038 = arith.addi %mul3A_685, %add3A_1037 : i32
    %mul3A_1039 = arith.constant 512 : i32
    %mul3A_1040 = arith.muli %add3A_1038, %mul3A_1039 : i32
    %mul3A_1041 = arith.constant 512 : i32
    %mul3A_1042 = arith.muli %arg0, %mul3A_1041 : i32
    %add3A_1043 = arith.addi %mul3A_1042, %mul3A_685 : i32
    %add3A_1044 = arith.constant 27 : i32
    %add3A_1045 = arith.addi %add3A_1043, %add3A_1044 : i32
    %dma_start3A_1046 = arith.constant 0 : i32
    %dma_start3A_1047 = tpu.memref_slice %arg4[%add3A_1045, %dma_start3A_1046] : memref<1024x512xf32, #tpu.memory_space<hbm>> -> memref<1x512xf32, #tpu.memory_space<hbm>>
    %dma_start3A_1048 = tpu.memref_squeeze %dma_start3A_1047 : memref<1x512xf32, #tpu.memory_space<hbm>> -> memref<512xf32, #tpu.memory_space<hbm>>
    %dma_start3A_1049 = tpu.memref_slice %arg10[%mul3A_1040] : memref<262144xf32, #tpu.memory_space<vmem_shared>> -> memref<512xf32, #tpu.memory_space<vmem_shared>>
    tpu.enqueue_dma source(%dma_start3A_1049 : memref<512xf32, #tpu.memory_space<vmem_shared>>) target(%dma_start3A_1048 : memref<512xf32, #tpu.memory_space<hbm>>) target_semaphore(%arg11 : memref<!tpu.dma_semaphore, #tpu.memory_space<semaphore_mem>>)
    %add3A_1050 = arith.constant 28 : i32
    %add3A_1051 = arith.addi %mul3A_685, %add3A_1050 : i32
    %mul3A_1052 = arith.constant 512 : i32
    %mul3A_1053 = arith.muli %add3A_1051, %mul3A_1052 : i32
    %mul3A_1054 = arith.constant 512 : i32
    %mul3A_1055 = arith.muli %arg0, %mul3A_1054 : i32
    %add3A_1056 = arith.addi %mul3A_1055, %mul3A_685 : i32
    %add3A_1057 = arith.constant 28 : i32
    %add3A_1058 = arith.addi %add3A_1056, %add3A_1057 : i32
    %dma_start3A_1059 = arith.constant 0 : i32
    %dma_start3A_1060 = tpu.memref_slice %arg4[%add3A_1058, %dma_start3A_1059] : memref<1024x512xf32, #tpu.memory_space<hbm>> -> memref<1x512xf32, #tpu.memory_space<hbm>>
    %dma_start3A_1061 = tpu.memref_squeeze %dma_start3A_1060 : memref<1x512xf32, #tpu.memory_space<hbm>> -> memref<512xf32, #tpu.memory_space<hbm>>
    %dma_start3A_1062 = tpu.memref_slice %arg10[%mul3A_1053] : memref<262144xf32, #tpu.memory_space<vmem_shared>> -> memref<512xf32, #tpu.memory_space<vmem_shared>>
    tpu.enqueue_dma source(%dma_start3A_1062 : memref<512xf32, #tpu.memory_space<vmem_shared>>) target(%dma_start3A_1061 : memref<512xf32, #tpu.memory_space<hbm>>) target_semaphore(%arg11 : memref<!tpu.dma_semaphore, #tpu.memory_space<semaphore_mem>>)
    %add3A_1063 = arith.constant 29 : i32
    %add3A_1064 = arith.addi %mul3A_685, %add3A_1063 : i32
    %mul3A_1065 = arith.constant 512 : i32
    %mul3A_1066 = arith.muli %add3A_1064, %mul3A_1065 : i32
    %mul3A_1067 = arith.constant 512 : i32
    %mul3A_1068 = arith.muli %arg0, %mul3A_1067 : i32
    %add3A_1069 = arith.addi %mul3A_1068, %mul3A_685 : i32
    %add3A_1070 = arith.constant 29 : i32
    %add3A_1071 = arith.addi %add3A_1069, %add3A_1070 : i32
    %dma_start3A_1072 = arith.constant 0 : i32
    %dma_start3A_1073 = tpu.memref_slice %arg4[%add3A_1071, %dma_start3A_1072] : memref<1024x512xf32, #tpu.memory_space<hbm>> -> memref<1x512xf32, #tpu.memory_space<hbm>>
    %dma_start3A_1074 = tpu.memref_squeeze %dma_start3A_1073 : memref<1x512xf32, #tpu.memory_space<hbm>> -> memref<512xf32, #tpu.memory_space<hbm>>
    %dma_start3A_1075 = tpu.memref_slice %arg10[%mul3A_1066] : memref<262144xf32, #tpu.memory_space<vmem_shared>> -> memref<512xf32, #tpu.memory_space<vmem_shared>>
    tpu.enqueue_dma source(%dma_start3A_1075 : memref<512xf32, #tpu.memory_space<vmem_shared>>) target(%dma_start3A_1074 : memref<512xf32, #tpu.memory_space<hbm>>) target_semaphore(%arg11 : memref<!tpu.dma_semaphore, #tpu.memory_space<semaphore_mem>>)
    %add3A_1076 = arith.constant 30 : i32
    %add3A_1077 = arith.addi %mul3A_685, %add3A_1076 : i32
    %mul3A_1078 = arith.constant 512 : i32
    %mul3A_1079 = arith.muli %add3A_1077, %mul3A_1078 : i32
    %mul3A_1080 = arith.constant 512 : i32
    %mul3A_1081 = arith.muli %arg0, %mul3A_1080 : i32
    %add3A_1082 = arith.addi %mul3A_1081, %mul3A_685 : i32
    %add3A_1083 = arith.constant 30 : i32
    %add3A_1084 = arith.addi %add3A_1082, %add3A_1083 : i32
    %dma_start3A_1085 = arith.constant 0 : i32
    %dma_start3A_1086 = tpu.memref_slice %arg4[%add3A_1084, %dma_start3A_1085] : memref<1024x512xf32, #tpu.memory_space<hbm>> -> memref<1x512xf32, #tpu.memory_space<hbm>>
    %dma_start3A_1087 = tpu.memref_squeeze %dma_start3A_1086 : memref<1x512xf32, #tpu.memory_space<hbm>> -> memref<512xf32, #tpu.memory_space<hbm>>
    %dma_start3A_1088 = tpu.memref_slice %arg10[%mul3A_1079] : memref<262144xf32, #tpu.memory_space<vmem_shared>> -> memref<512xf32, #tpu.memory_space<vmem_shared>>
    tpu.enqueue_dma source(%dma_start3A_1088 : memref<512xf32, #tpu.memory_space<vmem_shared>>) target(%dma_start3A_1087 : memref<512xf32, #tpu.memory_space<hbm>>) target_semaphore(%arg11 : memref<!tpu.dma_semaphore, #tpu.memory_space<semaphore_mem>>)
    %add3A_1089 = arith.constant 31 : i32
    %add3A_1090 = arith.addi %mul3A_685, %add3A_1089 : i32
    %mul3A_1091 = arith.constant 512 : i32
    %mul3A_1092 = arith.muli %add3A_1090, %mul3A_1091 : i32
    %mul3A_1093 = arith.constant 512 : i32
    %mul3A_1094 = arith.muli %arg0, %mul3A_1093 : i32
    %add3A_1095 = arith.addi %mul3A_1094, %mul3A_685 : i32
    %add3A_1096 = arith.constant 31 : i32
    %add3A_1097 = arith.addi %add3A_1095, %add3A_1096 : i32
    %dma_start3A_1098 = arith.constant 0 : i32
    %dma_start3A_1099 = tpu.memref_slice %arg4[%add3A_1097, %dma_start3A_1098] : memref<1024x512xf32, #tpu.memory_space<hbm>> -> memref<1x512xf32, #tpu.memory_space<hbm>>
    %dma_start3A_1100 = tpu.memref_squeeze %dma_start3A_1099 : memref<1x512xf32, #tpu.memory_space<hbm>> -> memref<512xf32, #tpu.memory_space<hbm>>
    %dma_start3A_1101 = tpu.memref_slice %arg10[%mul3A_1092] : memref<262144xf32, #tpu.memory_space<vmem_shared>> -> memref<512xf32, #tpu.memory_space<vmem_shared>>
    tpu.enqueue_dma source(%dma_start3A_1101 : memref<512xf32, #tpu.memory_space<vmem_shared>>) target(%dma_start3A_1100 : memref<512xf32, #tpu.memory_space<hbm>>) target_semaphore(%arg11 : memref<!tpu.dma_semaphore, #tpu.memory_space<semaphore_mem>>)
    %dma_wait3A_1102 = arith.constant 0 : i32
    %dma_wait3A_1103 = tpu.memref_slice %arg4[%add3A_694, %dma_wait3A_1102] : memref<1024x512xf32, #tpu.memory_space<hbm>> -> memref<1x512xf32, #tpu.memory_space<hbm>>
    %dma_wait3A_1104 = tpu.memref_squeeze %dma_wait3A_1103 : memref<1x512xf32, #tpu.memory_space<hbm>> -> memref<512xf32, #tpu.memory_space<hbm>>
    %dma_wait3A_1105 = tpu.memref_slice %arg10[%mul3A_689] : memref<262144xf32, #tpu.memory_space<vmem_shared>> -> memref<512xf32, #tpu.memory_space<vmem_shared>>
    tpu.wait_dma2 semaphore(%arg11 : memref<!tpu.dma_semaphore, #tpu.memory_space<semaphore_mem>>) src(%dma_wait3A_1105 : memref<512xf32, #tpu.memory_space<vmem_shared>>) dst(%dma_wait3A_1104 : memref<512xf32, #tpu.memory_space<hbm>>)
    %dma_wait3A_1106 = arith.constant 0 : i32
    %dma_wait3A_1107 = tpu.memref_slice %arg4[%add3A_707, %dma_wait3A_1106] : memref<1024x512xf32, #tpu.memory_space<hbm>> -> memref<1x512xf32, #tpu.memory_space<hbm>>
    %dma_wait3A_1108 = tpu.memref_squeeze %dma_wait3A_1107 : memref<1x512xf32, #tpu.memory_space<hbm>> -> memref<512xf32, #tpu.memory_space<hbm>>
    %dma_wait3A_1109 = tpu.memref_slice %arg10[%mul3A_702] : memref<262144xf32, #tpu.memory_space<vmem_shared>> -> memref<512xf32, #tpu.memory_space<vmem_shared>>
    tpu.wait_dma2 semaphore(%arg11 : memref<!tpu.dma_semaphore, #tpu.memory_space<semaphore_mem>>) src(%dma_wait3A_1109 : memref<512xf32, #tpu.memory_space<vmem_shared>>) dst(%dma_wait3A_1108 : memref<512xf32, #tpu.memory_space<hbm>>)
    %dma_wait3A_1110 = arith.constant 0 : i32
    %dma_wait3A_1111 = tpu.memref_slice %arg4[%add3A_720, %dma_wait3A_1110] : memref<1024x512xf32, #tpu.memory_space<hbm>> -> memref<1x512xf32, #tpu.memory_space<hbm>>
    %dma_wait3A_1112 = tpu.memref_squeeze %dma_wait3A_1111 : memref<1x512xf32, #tpu.memory_space<hbm>> -> memref<512xf32, #tpu.memory_space<hbm>>
    %dma_wait3A_1113 = tpu.memref_slice %arg10[%mul3A_715] : memref<262144xf32, #tpu.memory_space<vmem_shared>> -> memref<512xf32, #tpu.memory_space<vmem_shared>>
    tpu.wait_dma2 semaphore(%arg11 : memref<!tpu.dma_semaphore, #tpu.memory_space<semaphore_mem>>) src(%dma_wait3A_1113 : memref<512xf32, #tpu.memory_space<vmem_shared>>) dst(%dma_wait3A_1112 : memref<512xf32, #tpu.memory_space<hbm>>)
    %dma_wait3A_1114 = arith.constant 0 : i32
    %dma_wait3A_1115 = tpu.memref_slice %arg4[%add3A_733, %dma_wait3A_1114] : memref<1024x512xf32, #tpu.memory_space<hbm>> -> memref<1x512xf32, #tpu.memory_space<hbm>>
    %dma_wait3A_1116 = tpu.memref_squeeze %dma_wait3A_1115 : memref<1x512xf32, #tpu.memory_space<hbm>> -> memref<512xf32, #tpu.memory_space<hbm>>
    %dma_wait3A_1117 = tpu.memref_slice %arg10[%mul3A_728] : memref<262144xf32, #tpu.memory_space<vmem_shared>> -> memref<512xf32, #tpu.memory_space<vmem_shared>>
    tpu.wait_dma2 semaphore(%arg11 : memref<!tpu.dma_semaphore, #tpu.memory_space<semaphore_mem>>) src(%dma_wait3A_1117 : memref<512xf32, #tpu.memory_space<vmem_shared>>) dst(%dma_wait3A_1116 : memref<512xf32, #tpu.memory_space<hbm>>)
    %dma_wait3A_1118 = arith.constant 0 : i32
    %dma_wait3A_1119 = tpu.memref_slice %arg4[%add3A_746, %dma_wait3A_1118] : memref<1024x512xf32, #tpu.memory_space<hbm>> -> memref<1x512xf32, #tpu.memory_space<hbm>>
    %dma_wait3A_1120 = tpu.memref_squeeze %dma_wait3A_1119 : memref<1x512xf32, #tpu.memory_space<hbm>> -> memref<512xf32, #tpu.memory_space<hbm>>
    %dma_wait3A_1121 = tpu.memref_slice %arg10[%mul3A_741] : memref<262144xf32, #tpu.memory_space<vmem_shared>> -> memref<512xf32, #tpu.memory_space<vmem_shared>>
    tpu.wait_dma2 semaphore(%arg11 : memref<!tpu.dma_semaphore, #tpu.memory_space<semaphore_mem>>) src(%dma_wait3A_1121 : memref<512xf32, #tpu.memory_space<vmem_shared>>) dst(%dma_wait3A_1120 : memref<512xf32, #tpu.memory_space<hbm>>)
    %dma_wait3A_1122 = arith.constant 0 : i32
    %dma_wait3A_1123 = tpu.memref_slice %arg4[%add3A_759, %dma_wait3A_1122] : memref<1024x512xf32, #tpu.memory_space<hbm>> -> memref<1x512xf32, #tpu.memory_space<hbm>>
    %dma_wait3A_1124 = tpu.memref_squeeze %dma_wait3A_1123 : memref<1x512xf32, #tpu.memory_space<hbm>> -> memref<512xf32, #tpu.memory_space<hbm>>
    %dma_wait3A_1125 = tpu.memref_slice %arg10[%mul3A_754] : memref<262144xf32, #tpu.memory_space<vmem_shared>> -> memref<512xf32, #tpu.memory_space<vmem_shared>>
    tpu.wait_dma2 semaphore(%arg11 : memref<!tpu.dma_semaphore, #tpu.memory_space<semaphore_mem>>) src(%dma_wait3A_1125 : memref<512xf32, #tpu.memory_space<vmem_shared>>) dst(%dma_wait3A_1124 : memref<512xf32, #tpu.memory_space<hbm>>)
    %dma_wait3A_1126 = arith.constant 0 : i32
    %dma_wait3A_1127 = tpu.memref_slice %arg4[%add3A_772, %dma_wait3A_1126] : memref<1024x512xf32, #tpu.memory_space<hbm>> -> memref<1x512xf32, #tpu.memory_space<hbm>>
    %dma_wait3A_1128 = tpu.memref_squeeze %dma_wait3A_1127 : memref<1x512xf32, #tpu.memory_space<hbm>> -> memref<512xf32, #tpu.memory_space<hbm>>
    %dma_wait3A_1129 = tpu.memref_slice %arg10[%mul3A_767] : memref<262144xf32, #tpu.memory_space<vmem_shared>> -> memref<512xf32, #tpu.memory_space<vmem_shared>>
    tpu.wait_dma2 semaphore(%arg11 : memref<!tpu.dma_semaphore, #tpu.memory_space<semaphore_mem>>) src(%dma_wait3A_1129 : memref<512xf32, #tpu.memory_space<vmem_shared>>) dst(%dma_wait3A_1128 : memref<512xf32, #tpu.memory_space<hbm>>)
    %dma_wait3A_1130 = arith.constant 0 : i32
    %dma_wait3A_1131 = tpu.memref_slice %arg4[%add3A_785, %dma_wait3A_1130] : memref<1024x512xf32, #tpu.memory_space<hbm>> -> memref<1x512xf32, #tpu.memory_space<hbm>>
    %dma_wait3A_1132 = tpu.memref_squeeze %dma_wait3A_1131 : memref<1x512xf32, #tpu.memory_space<hbm>> -> memref<512xf32, #tpu.memory_space<hbm>>
    %dma_wait3A_1133 = tpu.memref_slice %arg10[%mul3A_780] : memref<262144xf32, #tpu.memory_space<vmem_shared>> -> memref<512xf32, #tpu.memory_space<vmem_shared>>
    tpu.wait_dma2 semaphore(%arg11 : memref<!tpu.dma_semaphore, #tpu.memory_space<semaphore_mem>>) src(%dma_wait3A_1133 : memref<512xf32, #tpu.memory_space<vmem_shared>>) dst(%dma_wait3A_1132 : memref<512xf32, #tpu.memory_space<hbm>>)
    %dma_wait3A_1134 = arith.constant 0 : i32
    %dma_wait3A_1135 = tpu.memref_slice %arg4[%add3A_798, %dma_wait3A_1134] : memref<1024x512xf32, #tpu.memory_space<hbm>> -> memref<1x512xf32, #tpu.memory_space<hbm>>
    %dma_wait3A_1136 = tpu.memref_squeeze %dma_wait3A_1135 : memref<1x512xf32, #tpu.memory_space<hbm>> -> memref<512xf32, #tpu.memory_space<hbm>>
    %dma_wait3A_1137 = tpu.memref_slice %arg10[%mul3A_793] : memref<262144xf32, #tpu.memory_space<vmem_shared>> -> memref<512xf32, #tpu.memory_space<vmem_shared>>
    tpu.wait_dma2 semaphore(%arg11 : memref<!tpu.dma_semaphore, #tpu.memory_space<semaphore_mem>>) src(%dma_wait3A_1137 : memref<512xf32, #tpu.memory_space<vmem_shared>>) dst(%dma_wait3A_1136 : memref<512xf32, #tpu.memory_space<hbm>>)
    %dma_wait3A_1138 = arith.constant 0 : i32
    %dma_wait3A_1139 = tpu.memref_slice %arg4[%add3A_811, %dma_wait3A_1138] : memref<1024x512xf32, #tpu.memory_space<hbm>> -> memref<1x512xf32, #tpu.memory_space<hbm>>
    %dma_wait3A_1140 = tpu.memref_squeeze %dma_wait3A_1139 : memref<1x512xf32, #tpu.memory_space<hbm>> -> memref<512xf32, #tpu.memory_space<hbm>>
    %dma_wait3A_1141 = tpu.memref_slice %arg10[%mul3A_806] : memref<262144xf32, #tpu.memory_space<vmem_shared>> -> memref<512xf32, #tpu.memory_space<vmem_shared>>
    tpu.wait_dma2 semaphore(%arg11 : memref<!tpu.dma_semaphore, #tpu.memory_space<semaphore_mem>>) src(%dma_wait3A_1141 : memref<512xf32, #tpu.memory_space<vmem_shared>>) dst(%dma_wait3A_1140 : memref<512xf32, #tpu.memory_space<hbm>>)
    %dma_wait3A_1142 = arith.constant 0 : i32
    %dma_wait3A_1143 = tpu.memref_slice %arg4[%add3A_824, %dma_wait3A_1142] : memref<1024x512xf32, #tpu.memory_space<hbm>> -> memref<1x512xf32, #tpu.memory_space<hbm>>
    %dma_wait3A_1144 = tpu.memref_squeeze %dma_wait3A_1143 : memref<1x512xf32, #tpu.memory_space<hbm>> -> memref<512xf32, #tpu.memory_space<hbm>>
    %dma_wait3A_1145 = tpu.memref_slice %arg10[%mul3A_819] : memref<262144xf32, #tpu.memory_space<vmem_shared>> -> memref<512xf32, #tpu.memory_space<vmem_shared>>
    tpu.wait_dma2 semaphore(%arg11 : memref<!tpu.dma_semaphore, #tpu.memory_space<semaphore_mem>>) src(%dma_wait3A_1145 : memref<512xf32, #tpu.memory_space<vmem_shared>>) dst(%dma_wait3A_1144 : memref<512xf32, #tpu.memory_space<hbm>>)
    %dma_wait3A_1146 = arith.constant 0 : i32
    %dma_wait3A_1147 = tpu.memref_slice %arg4[%add3A_837, %dma_wait3A_1146] : memref<1024x512xf32, #tpu.memory_space<hbm>> -> memref<1x512xf32, #tpu.memory_space<hbm>>
    %dma_wait3A_1148 = tpu.memref_squeeze %dma_wait3A_1147 : memref<1x512xf32, #tpu.memory_space<hbm>> -> memref<512xf32, #tpu.memory_space<hbm>>
    %dma_wait3A_1149 = tpu.memref_slice %arg10[%mul3A_832] : memref<262144xf32, #tpu.memory_space<vmem_shared>> -> memref<512xf32, #tpu.memory_space<vmem_shared>>
    tpu.wait_dma2 semaphore(%arg11 : memref<!tpu.dma_semaphore, #tpu.memory_space<semaphore_mem>>) src(%dma_wait3A_1149 : memref<512xf32, #tpu.memory_space<vmem_shared>>) dst(%dma_wait3A_1148 : memref<512xf32, #tpu.memory_space<hbm>>)
    %dma_wait3A_1150 = arith.constant 0 : i32
    %dma_wait3A_1151 = tpu.memref_slice %arg4[%add3A_850, %dma_wait3A_1150] : memref<1024x512xf32, #tpu.memory_space<hbm>> -> memref<1x512xf32, #tpu.memory_space<hbm>>
    %dma_wait3A_1152 = tpu.memref_squeeze %dma_wait3A_1151 : memref<1x512xf32, #tpu.memory_space<hbm>> -> memref<512xf32, #tpu.memory_space<hbm>>
    %dma_wait3A_1153 = tpu.memref_slice %arg10[%mul3A_845] : memref<262144xf32, #tpu.memory_space<vmem_shared>> -> memref<512xf32, #tpu.memory_space<vmem_shared>>
    tpu.wait_dma2 semaphore(%arg11 : memref<!tpu.dma_semaphore, #tpu.memory_space<semaphore_mem>>) src(%dma_wait3A_1153 : memref<512xf32, #tpu.memory_space<vmem_shared>>) dst(%dma_wait3A_1152 : memref<512xf32, #tpu.memory_space<hbm>>)
    %dma_wait3A_1154 = arith.constant 0 : i32
    %dma_wait3A_1155 = tpu.memref_slice %arg4[%add3A_863, %dma_wait3A_1154] : memref<1024x512xf32, #tpu.memory_space<hbm>> -> memref<1x512xf32, #tpu.memory_space<hbm>>
    %dma_wait3A_1156 = tpu.memref_squeeze %dma_wait3A_1155 : memref<1x512xf32, #tpu.memory_space<hbm>> -> memref<512xf32, #tpu.memory_space<hbm>>
    %dma_wait3A_1157 = tpu.memref_slice %arg10[%mul3A_858] : memref<262144xf32, #tpu.memory_space<vmem_shared>> -> memref<512xf32, #tpu.memory_space<vmem_shared>>
    tpu.wait_dma2 semaphore(%arg11 : memref<!tpu.dma_semaphore, #tpu.memory_space<semaphore_mem>>) src(%dma_wait3A_1157 : memref<512xf32, #tpu.memory_space<vmem_shared>>) dst(%dma_wait3A_1156 : memref<512xf32, #tpu.memory_space<hbm>>)
    %dma_wait3A_1158 = arith.constant 0 : i32
    %dma_wait3A_1159 = tpu.memref_slice %arg4[%add3A_876, %dma_wait3A_1158] : memref<1024x512xf32, #tpu.memory_space<hbm>> -> memref<1x512xf32, #tpu.memory_space<hbm>>
    %dma_wait3A_1160 = tpu.memref_squeeze %dma_wait3A_1159 : memref<1x512xf32, #tpu.memory_space<hbm>> -> memref<512xf32, #tpu.memory_space<hbm>>
    %dma_wait3A_1161 = tpu.memref_slice %arg10[%mul3A_871] : memref<262144xf32, #tpu.memory_space<vmem_shared>> -> memref<512xf32, #tpu.memory_space<vmem_shared>>
    tpu.wait_dma2 semaphore(%arg11 : memref<!tpu.dma_semaphore, #tpu.memory_space<semaphore_mem>>) src(%dma_wait3A_1161 : memref<512xf32, #tpu.memory_space<vmem_shared>>) dst(%dma_wait3A_1160 : memref<512xf32, #tpu.memory_space<hbm>>)
    %dma_wait3A_1162 = arith.constant 0 : i32
    %dma_wait3A_1163 = tpu.memref_slice %arg4[%add3A_889, %dma_wait3A_1162] : memref<1024x512xf32, #tpu.memory_space<hbm>> -> memref<1x512xf32, #tpu.memory_space<hbm>>
    %dma_wait3A_1164 = tpu.memref_squeeze %dma_wait3A_1163 : memref<1x512xf32, #tpu.memory_space<hbm>> -> memref<512xf32, #tpu.memory_space<hbm>>
    %dma_wait3A_1165 = tpu.memref_slice %arg10[%mul3A_884] : memref<262144xf32, #tpu.memory_space<vmem_shared>> -> memref<512xf32, #tpu.memory_space<vmem_shared>>
    tpu.wait_dma2 semaphore(%arg11 : memref<!tpu.dma_semaphore, #tpu.memory_space<semaphore_mem>>) src(%dma_wait3A_1165 : memref<512xf32, #tpu.memory_space<vmem_shared>>) dst(%dma_wait3A_1164 : memref<512xf32, #tpu.memory_space<hbm>>)
    %dma_wait3A_1166 = arith.constant 0 : i32
    %dma_wait3A_1167 = tpu.memref_slice %arg4[%add3A_902, %dma_wait3A_1166] : memref<1024x512xf32, #tpu.memory_space<hbm>> -> memref<1x512xf32, #tpu.memory_space<hbm>>
    %dma_wait3A_1168 = tpu.memref_squeeze %dma_wait3A_1167 : memref<1x512xf32, #tpu.memory_space<hbm>> -> memref<512xf32, #tpu.memory_space<hbm>>
    %dma_wait3A_1169 = tpu.memref_slice %arg10[%mul3A_897] : memref<262144xf32, #tpu.memory_space<vmem_shared>> -> memref<512xf32, #tpu.memory_space<vmem_shared>>
    tpu.wait_dma2 semaphore(%arg11 : memref<!tpu.dma_semaphore, #tpu.memory_space<semaphore_mem>>) src(%dma_wait3A_1169 : memref<512xf32, #tpu.memory_space<vmem_shared>>) dst(%dma_wait3A_1168 : memref<512xf32, #tpu.memory_space<hbm>>)
    %dma_wait3A_1170 = arith.constant 0 : i32
    %dma_wait3A_1171 = tpu.memref_slice %arg4[%add3A_915, %dma_wait3A_1170] : memref<1024x512xf32, #tpu.memory_space<hbm>> -> memref<1x512xf32, #tpu.memory_space<hbm>>
    %dma_wait3A_1172 = tpu.memref_squeeze %dma_wait3A_1171 : memref<1x512xf32, #tpu.memory_space<hbm>> -> memref<512xf32, #tpu.memory_space<hbm>>
    %dma_wait3A_1173 = tpu.memref_slice %arg10[%mul3A_910] : memref<262144xf32, #tpu.memory_space<vmem_shared>> -> memref<512xf32, #tpu.memory_space<vmem_shared>>
    tpu.wait_dma2 semaphore(%arg11 : memref<!tpu.dma_semaphore, #tpu.memory_space<semaphore_mem>>) src(%dma_wait3A_1173 : memref<512xf32, #tpu.memory_space<vmem_shared>>) dst(%dma_wait3A_1172 : memref<512xf32, #tpu.memory_space<hbm>>)
    %dma_wait3A_1174 = arith.constant 0 : i32
    %dma_wait3A_1175 = tpu.memref_slice %arg4[%add3A_928, %dma_wait3A_1174] : memref<1024x512xf32, #tpu.memory_space<hbm>> -> memref<1x512xf32, #tpu.memory_space<hbm>>
    %dma_wait3A_1176 = tpu.memref_squeeze %dma_wait3A_1175 : memref<1x512xf32, #tpu.memory_space<hbm>> -> memref<512xf32, #tpu.memory_space<hbm>>
    %dma_wait3A_1177 = tpu.memref_slice %arg10[%mul3A_923] : memref<262144xf32, #tpu.memory_space<vmem_shared>> -> memref<512xf32, #tpu.memory_space<vmem_shared>>
    tpu.wait_dma2 semaphore(%arg11 : memref<!tpu.dma_semaphore, #tpu.memory_space<semaphore_mem>>) src(%dma_wait3A_1177 : memref<512xf32, #tpu.memory_space<vmem_shared>>) dst(%dma_wait3A_1176 : memref<512xf32, #tpu.memory_space<hbm>>)
    %dma_wait3A_1178 = arith.constant 0 : i32
    %dma_wait3A_1179 = tpu.memref_slice %arg4[%add3A_941, %dma_wait3A_1178] : memref<1024x512xf32, #tpu.memory_space<hbm>> -> memref<1x512xf32, #tpu.memory_space<hbm>>
    %dma_wait3A_1180 = tpu.memref_squeeze %dma_wait3A_1179 : memref<1x512xf32, #tpu.memory_space<hbm>> -> memref<512xf32, #tpu.memory_space<hbm>>
    %dma_wait3A_1181 = tpu.memref_slice %arg10[%mul3A_936] : memref<262144xf32, #tpu.memory_space<vmem_shared>> -> memref<512xf32, #tpu.memory_space<vmem_shared>>
    tpu.wait_dma2 semaphore(%arg11 : memref<!tpu.dma_semaphore, #tpu.memory_space<semaphore_mem>>) src(%dma_wait3A_1181 : memref<512xf32, #tpu.memory_space<vmem_shared>>) dst(%dma_wait3A_1180 : memref<512xf32, #tpu.memory_space<hbm>>)
    %dma_wait3A_1182 = arith.constant 0 : i32
    %dma_wait3A_1183 = tpu.memref_slice %arg4[%add3A_954, %dma_wait3A_1182] : memref<1024x512xf32, #tpu.memory_space<hbm>> -> memref<1x512xf32, #tpu.memory_space<hbm>>
    %dma_wait3A_1184 = tpu.memref_squeeze %dma_wait3A_1183 : memref<1x512xf32, #tpu.memory_space<hbm>> -> memref<512xf32, #tpu.memory_space<hbm>>
    %dma_wait3A_1185 = tpu.memref_slice %arg10[%mul3A_949] : memref<262144xf32, #tpu.memory_space<vmem_shared>> -> memref<512xf32, #tpu.memory_space<vmem_shared>>
    tpu.wait_dma2 semaphore(%arg11 : memref<!tpu.dma_semaphore, #tpu.memory_space<semaphore_mem>>) src(%dma_wait3A_1185 : memref<512xf32, #tpu.memory_space<vmem_shared>>) dst(%dma_wait3A_1184 : memref<512xf32, #tpu.memory_space<hbm>>)
    %dma_wait3A_1186 = arith.constant 0 : i32
    %dma_wait3A_1187 = tpu.memref_slice %arg4[%add3A_967, %dma_wait3A_1186] : memref<1024x512xf32, #tpu.memory_space<hbm>> -> memref<1x512xf32, #tpu.memory_space<hbm>>
    %dma_wait3A_1188 = tpu.memref_squeeze %dma_wait3A_1187 : memref<1x512xf32, #tpu.memory_space<hbm>> -> memref<512xf32, #tpu.memory_space<hbm>>
    %dma_wait3A_1189 = tpu.memref_slice %arg10[%mul3A_962] : memref<262144xf32, #tpu.memory_space<vmem_shared>> -> memref<512xf32, #tpu.memory_space<vmem_shared>>
    tpu.wait_dma2 semaphore(%arg11 : memref<!tpu.dma_semaphore, #tpu.memory_space<semaphore_mem>>) src(%dma_wait3A_1189 : memref<512xf32, #tpu.memory_space<vmem_shared>>) dst(%dma_wait3A_1188 : memref<512xf32, #tpu.memory_space<hbm>>)
    %dma_wait3A_1190 = arith.constant 0 : i32
    %dma_wait3A_1191 = tpu.memref_slice %arg4[%add3A_980, %dma_wait3A_1190] : memref<1024x512xf32, #tpu.memory_space<hbm>> -> memref<1x512xf32, #tpu.memory_space<hbm>>
    %dma_wait3A_1192 = tpu.memref_squeeze %dma_wait3A_1191 : memref<1x512xf32, #tpu.memory_space<hbm>> -> memref<512xf32, #tpu.memory_space<hbm>>
    %dma_wait3A_1193 = tpu.memref_slice %arg10[%mul3A_975] : memref<262144xf32, #tpu.memory_space<vmem_shared>> -> memref<512xf32, #tpu.memory_space<vmem_shared>>
    tpu.wait_dma2 semaphore(%arg11 : memref<!tpu.dma_semaphore, #tpu.memory_space<semaphore_mem>>) src(%dma_wait3A_1193 : memref<512xf32, #tpu.memory_space<vmem_shared>>) dst(%dma_wait3A_1192 : memref<512xf32, #tpu.memory_space<hbm>>)
    %dma_wait3A_1194 = arith.constant 0 : i32
    %dma_wait3A_1195 = tpu.memref_slice %arg4[%add3A_993, %dma_wait3A_1194] : memref<1024x512xf32, #tpu.memory_space<hbm>> -> memref<1x512xf32, #tpu.memory_space<hbm>>
    %dma_wait3A_1196 = tpu.memref_squeeze %dma_wait3A_1195 : memref<1x512xf32, #tpu.memory_space<hbm>> -> memref<512xf32, #tpu.memory_space<hbm>>
    %dma_wait3A_1197 = tpu.memref_slice %arg10[%mul3A_988] : memref<262144xf32, #tpu.memory_space<vmem_shared>> -> memref<512xf32, #tpu.memory_space<vmem_shared>>
    tpu.wait_dma2 semaphore(%arg11 : memref<!tpu.dma_semaphore, #tpu.memory_space<semaphore_mem>>) src(%dma_wait3A_1197 : memref<512xf32, #tpu.memory_space<vmem_shared>>) dst(%dma_wait3A_1196 : memref<512xf32, #tpu.memory_space<hbm>>)
    %dma_wait3A_1198 = arith.constant 0 : i32
    %dma_wait3A_1199 = tpu.memref_slice %arg4[%add3A_1006, %dma_wait3A_1198] : memref<1024x512xf32, #tpu.memory_space<hbm>> -> memref<1x512xf32, #tpu.memory_space<hbm>>
    %dma_wait3A_1200 = tpu.memref_squeeze %dma_wait3A_1199 : memref<1x512xf32, #tpu.memory_space<hbm>> -> memref<512xf32, #tpu.memory_space<hbm>>
    %dma_wait3A_1201 = tpu.memref_slice %arg10[%mul3A_1001] : memref<262144xf32, #tpu.memory_space<vmem_shared>> -> memref<512xf32, #tpu.memory_space<vmem_shared>>
    tpu.wait_dma2 semaphore(%arg11 : memref<!tpu.dma_semaphore, #tpu.memory_space<semaphore_mem>>) src(%dma_wait3A_1201 : memref<512xf32, #tpu.memory_space<vmem_shared>>) dst(%dma_wait3A_1200 : memref<512xf32, #tpu.memory_space<hbm>>)
    %dma_wait3A_1202 = arith.constant 0 : i32
    %dma_wait3A_1203 = tpu.memref_slice %arg4[%add3A_1019, %dma_wait3A_1202] : memref<1024x512xf32, #tpu.memory_space<hbm>> -> memref<1x512xf32, #tpu.memory_space<hbm>>
    %dma_wait3A_1204 = tpu.memref_squeeze %dma_wait3A_1203 : memref<1x512xf32, #tpu.memory_space<hbm>> -> memref<512xf32, #tpu.memory_space<hbm>>
    %dma_wait3A_1205 = tpu.memref_slice %arg10[%mul3A_1014] : memref<262144xf32, #tpu.memory_space<vmem_shared>> -> memref<512xf32, #tpu.memory_space<vmem_shared>>
    tpu.wait_dma2 semaphore(%arg11 : memref<!tpu.dma_semaphore, #tpu.memory_space<semaphore_mem>>) src(%dma_wait3A_1205 : memref<512xf32, #tpu.memory_space<vmem_shared>>) dst(%dma_wait3A_1204 : memref<512xf32, #tpu.memory_space<hbm>>)
    %dma_wait3A_1206 = arith.constant 0 : i32
    %dma_wait3A_1207 = tpu.memref_slice %arg4[%add3A_1032, %dma_wait3A_1206] : memref<1024x512xf32, #tpu.memory_space<hbm>> -> memref<1x512xf32, #tpu.memory_space<hbm>>
    %dma_wait3A_1208 = tpu.memref_squeeze %dma_wait3A_1207 : memref<1x512xf32, #tpu.memory_space<hbm>> -> memref<512xf32, #tpu.memory_space<hbm>>
    %dma_wait3A_1209 = tpu.memref_slice %arg10[%mul3A_1027] : memref<262144xf32, #tpu.memory_space<vmem_shared>> -> memref<512xf32, #tpu.memory_space<vmem_shared>>
    tpu.wait_dma2 semaphore(%arg11 : memref<!tpu.dma_semaphore, #tpu.memory_space<semaphore_mem>>) src(%dma_wait3A_1209 : memref<512xf32, #tpu.memory_space<vmem_shared>>) dst(%dma_wait3A_1208 : memref<512xf32, #tpu.memory_space<hbm>>)
    %dma_wait3A_1210 = arith.constant 0 : i32
    %dma_wait3A_1211 = tpu.memref_slice %arg4[%add3A_1045, %dma_wait3A_1210] : memref<1024x512xf32, #tpu.memory_space<hbm>> -> memref<1x512xf32, #tpu.memory_space<hbm>>
    %dma_wait3A_1212 = tpu.memref_squeeze %dma_wait3A_1211 : memref<1x512xf32, #tpu.memory_space<hbm>> -> memref<512xf32, #tpu.memory_space<hbm>>
    %dma_wait3A_1213 = tpu.memref_slice %arg10[%mul3A_1040] : memref<262144xf32, #tpu.memory_space<vmem_shared>> -> memref<512xf32, #tpu.memory_space<vmem_shared>>
    tpu.wait_dma2 semaphore(%arg11 : memref<!tpu.dma_semaphore, #tpu.memory_space<semaphore_mem>>) src(%dma_wait3A_1213 : memref<512xf32, #tpu.memory_space<vmem_shared>>) dst(%dma_wait3A_1212 : memref<512xf32, #tpu.memory_space<hbm>>)
    %dma_wait3A_1214 = arith.constant 0 : i32
    %dma_wait3A_1215 = tpu.memref_slice %arg4[%add3A_1058, %dma_wait3A_1214] : memref<1024x512xf32, #tpu.memory_space<hbm>> -> memref<1x512xf32, #tpu.memory_space<hbm>>
    %dma_wait3A_1216 = tpu.memref_squeeze %dma_wait3A_1215 : memref<1x512xf32, #tpu.memory_space<hbm>> -> memref<512xf32, #tpu.memory_space<hbm>>
    %dma_wait3A_1217 = tpu.memref_slice %arg10[%mul3A_1053] : memref<262144xf32, #tpu.memory_space<vmem_shared>> -> memref<512xf32, #tpu.memory_space<vmem_shared>>
    tpu.wait_dma2 semaphore(%arg11 : memref<!tpu.dma_semaphore, #tpu.memory_space<semaphore_mem>>) src(%dma_wait3A_1217 : memref<512xf32, #tpu.memory_space<vmem_shared>>) dst(%dma_wait3A_1216 : memref<512xf32, #tpu.memory_space<hbm>>)
    %dma_wait3A_1218 = arith.constant 0 : i32
    %dma_wait3A_1219 = tpu.memref_slice %arg4[%add3A_1071, %dma_wait3A_1218] : memref<1024x512xf32, #tpu.memory_space<hbm>> -> memref<1x512xf32, #tpu.memory_space<hbm>>
    %dma_wait3A_1220 = tpu.memref_squeeze %dma_wait3A_1219 : memref<1x512xf32, #tpu.memory_space<hbm>> -> memref<512xf32, #tpu.memory_space<hbm>>
    %dma_wait3A_1221 = tpu.memref_slice %arg10[%mul3A_1066] : memref<262144xf32, #tpu.memory_space<vmem_shared>> -> memref<512xf32, #tpu.memory_space<vmem_shared>>
    tpu.wait_dma2 semaphore(%arg11 : memref<!tpu.dma_semaphore, #tpu.memory_space<semaphore_mem>>) src(%dma_wait3A_1221 : memref<512xf32, #tpu.memory_space<vmem_shared>>) dst(%dma_wait3A_1220 : memref<512xf32, #tpu.memory_space<hbm>>)
    %dma_wait3A_1222 = arith.constant 0 : i32
    %dma_wait3A_1223 = tpu.memref_slice %arg4[%add3A_1084, %dma_wait3A_1222] : memref<1024x512xf32, #tpu.memory_space<hbm>> -> memref<1x512xf32, #tpu.memory_space<hbm>>
    %dma_wait3A_1224 = tpu.memref_squeeze %dma_wait3A_1223 : memref<1x512xf32, #tpu.memory_space<hbm>> -> memref<512xf32, #tpu.memory_space<hbm>>
    %dma_wait3A_1225 = tpu.memref_slice %arg10[%mul3A_1079] : memref<262144xf32, #tpu.memory_space<vmem_shared>> -> memref<512xf32, #tpu.memory_space<vmem_shared>>
    tpu.wait_dma2 semaphore(%arg11 : memref<!tpu.dma_semaphore, #tpu.memory_space<semaphore_mem>>) src(%dma_wait3A_1225 : memref<512xf32, #tpu.memory_space<vmem_shared>>) dst(%dma_wait3A_1224 : memref<512xf32, #tpu.memory_space<hbm>>)
    %dma_wait3A_1226 = arith.constant 0 : i32
    %dma_wait3A_1227 = tpu.memref_slice %arg4[%add3A_1097, %dma_wait3A_1226] : memref<1024x512xf32, #tpu.memory_space<hbm>> -> memref<1x512xf32, #tpu.memory_space<hbm>>
    %dma_wait3A_1228 = tpu.memref_squeeze %dma_wait3A_1227 : memref<1x512xf32, #tpu.memory_space<hbm>> -> memref<512xf32, #tpu.memory_space<hbm>>
    %dma_wait3A_1229 = tpu.memref_slice %arg10[%mul3A_1092] : memref<262144xf32, #tpu.memory_space<vmem_shared>> -> memref<512xf32, #tpu.memory_space<vmem_shared>>
    tpu.wait_dma2 semaphore(%arg11 : memref<!tpu.dma_semaphore, #tpu.memory_space<semaphore_mem>>) src(%dma_wait3A_1229 : memref<512xf32, #tpu.memory_space<vmem_shared>>) dst(%dma_wait3A_1228 : memref<512xf32, #tpu.memory_space<hbm>>)
    return
  }
}

module attributes {stable_mosaic.version = 14 : i64} {
  func.func @_tc_body(%arg0: memref<1024x512xf32, #tpu.memory_space<vmem>>, %arg1: memref<512x128xf32, #tpu.memory_space<vmem>>, %arg2: memref<128x128xf32, #tpu.memory_space<vmem>>, %arg3: memref<128x4xf32, #tpu.memory_space<vmem>>, %arg4: memref<4x128xf32, #tpu.memory_space<vmem>>, %arg5: memref<1x128xf32, #tpu.memory_space<vmem>>, %arg6: memref<128x128xf32, #tpu.memory_space<vmem>>, %arg7: memref<128x4xf32, #tpu.memory_space<vmem>>, %arg8: memref<4x128xf32, #tpu.memory_space<vmem>>, %arg9: memref<1x128xf32, #tpu.memory_space<vmem>>, %arg10: memref<128x128xf32, #tpu.memory_space<vmem>>, %arg11: memref<128x4xf32, #tpu.memory_space<vmem>>, %arg12: memref<4x128xf32, #tpu.memory_space<vmem>>, %arg13: memref<1x128xf32, #tpu.memory_space<vmem>>, %arg14: memref<128x32xf32, #tpu.memory_space<vmem>>, %arg15: memref<32x128xf32, #tpu.memory_space<vmem>>, %arg16: memref<1x32xf32, #tpu.memory_space<vmem>>, %arg17: memref<1x32xf32, #tpu.memory_space<vmem>>, %arg18: memref<1x1xf32, #tpu.memory_space<vmem>>, %arg19: memref<512x512xf32, #tpu.memory_space<vmem>>) attributes {dimension_semantics = [], scalar_prefetch = 0 : i64, scratch_operands = 0 : i64, tpu.core_type = #tpu.core_type<tc>} {
    %iota3A = tpu.iota {dimensions = array<i32: 0>} : vector<512x1xi32>
    %iota3A_0 = tpu.iota {dimensions = array<i32: 1>} : vector<1x512xi32>
    %get3A = arith.constant 0 : index
    %get3A_1 = arith.constant 0 : index
    %get3A_2 = vector.load %arg0[%get3A, %get3A_1] : memref<1024x512xf32, #tpu.memory_space<vmem>>, vector<512x512xf32>
    %get3A_3 = arith.constant 512 : index
    %get3A_4 = arith.constant 0 : index
    %get3A_5 = vector.load %arg0[%get3A_3, %get3A_4] : memref<1024x512xf32, #tpu.memory_space<vmem>>, vector<512x512xf32>
    %add3A = arith.addf %get3A_2, %get3A_5 : vector<512x512xf32>
    %eq3A = vector.broadcast %iota3A : vector<512x1xi32> to vector<512x512xi32>
    %eq3A_6 = vector.broadcast %iota3A_0 : vector<1x512xi32> to vector<512x512xi32>
    %eq3A_7 = arith.cmpi eq, %eq3A, %eq3A_6 : vector<512x512xi32>
    %convert_element_type3A = arith.extui %eq3A_7 : vector<512x512xi1> to vector<512x512xi32>
    %convert_element_type3A_8 = arith.sitofp %convert_element_type3A : vector<512x512xi32> to vector<512x512xf32>
    %add3A_9 = arith.addf %add3A, %convert_element_type3A_8 : vector<512x512xf32>
    %broadcast_in_dim3A = arith.constant 1.000000e+00 : f32
    %broadcast_in_dim3A_10 = vector.broadcast %broadcast_in_dim3A : f32 to vector<512x1xf32>
    %get3A_11 = arith.constant 0 : index
    %get3A_12 = arith.constant 0 : index
    %get3A_13 = vector.load %arg1[%get3A_11, %get3A_12] : memref<512x128xf32, #tpu.memory_space<vmem>>, vector<512x128xf32>
    %get3A_14 = arith.constant 0 : index
    %get3A_15 = arith.constant 0 : index
    %get3A_16 = vector.load %arg2[%get3A_14, %get3A_15] : memref<128x128xf32, #tpu.memory_space<vmem>>, vector<128x128xf32>
    %get3A_17 = arith.constant 0 : index
    %get3A_18 = arith.constant 0 : index
    %get3A_19 = vector.load %arg3[%get3A_17, %get3A_18] : memref<128x4xf32, #tpu.memory_space<vmem>>, vector<128x4xf32>
    %get3A_20 = arith.constant 0 : index
    %get3A_21 = arith.constant 0 : index
    %get3A_22 = vector.load %arg4[%get3A_20, %get3A_21] : memref<4x128xf32, #tpu.memory_space<vmem>>, vector<4x128xf32>
    %get3A_23 = arith.constant 0 : index
    %get3A_24 = arith.constant 0 : index
    %get3A_25 = vector.load %arg5[%get3A_23, %get3A_24] : memref<1x128xf32, #tpu.memory_space<vmem>>, vector<1x128xf32>
    %dot_general3A = arith.constant dense<0.000000e+00> : vector<512x128xf32>
    %dot_general3A_26 = tpu.matmul %get3A_13, %get3A_16, %dot_general3A {dimension_numbers = #tpu.dot_dimension_numbers<[1], [0], [0], [1], [0, 0, 1, 1], [], []>, transpose_lhs_hint = false} : vector<512x128xf32>, vector<128x128xf32>, vector<512x128xf32> -> vector<512x128xf32>
    %dot_general3A_27 = arith.constant dense<0.000000e+00> : vector<512x4xf32>
    %dot_general3A_28 = tpu.matmul %dot_general3A_26, %get3A_19, %dot_general3A_27 {dimension_numbers = #tpu.dot_dimension_numbers<[1], [0], [0], [1], [0, 0, 1, 1], [], []>, transpose_lhs_hint = false} : vector<512x128xf32>, vector<128x4xf32>, vector<512x4xf32> -> vector<512x4xf32>
    %dot_general3A_29 = arith.constant dense<0.000000e+00> : vector<4x512xf32>
    %dot_general3A_30 = tpu.matmul %get3A_22, %dot_general3A_26, %dot_general3A_29 {dimension_numbers = #tpu.dot_dimension_numbers<[1], [1], [0], [0], [0, 0, 1, 0], [], []>, transpose_lhs_hint = false} : vector<4x128xf32>, vector<512x128xf32>, vector<4x512xf32> -> vector<4x512xf32>
    %slice3A = vector.extract_strided_slice %dot_general3A_28 {offsets = [0, 0], sizes = [512, 1], strides = [1, 1]} : vector<512x4xf32> to vector<512x1xf32>
    %slice3A_31 = vector.extract_strided_slice %dot_general3A_30 {offsets = [0, 0], sizes = [1, 512], strides = [1, 1]} : vector<4x512xf32> to vector<1x512xf32>
    %add3A_32 = vector.broadcast %slice3A : vector<512x1xf32> to vector<512x512xf32>
    %add3A_33 = vector.broadcast %slice3A_31 : vector<1x512xf32> to vector<512x512xf32>
    %add3A_34 = arith.addf %add3A_32, %add3A_33 : vector<512x512xf32>
    %mul3A = arith.constant 2.000000e-01 : f32
    %mul3A_35 = vector.broadcast %mul3A : f32 to vector<512x512xf32>
    %mul3A_36 = arith.mulf %mul3A_35, %add3A_34 : vector<512x512xf32>
    %max3A = arith.maximumf %add3A_34, %mul3A_36 : vector<512x512xf32>
    %exp23A = math.exp2 %max3A : vector<512x512xf32>
    %mul3A_37 = arith.mulf %add3A_9, %exp23A : vector<512x512xf32>
    %slice3A_38 = vector.extract_strided_slice %dot_general3A_26 {offsets = [0, 0], sizes = [512, 32], strides = [1, 1]} : vector<512x128xf32> to vector<512x32xf32>
    %concatenate3A = tpu.concatenate %slice3A_38, %broadcast_in_dim3A_10 in 1 : vector<512x32xf32>, vector<512x1xf32> -> vector<512x33xf32>
    %dot_general3A_39 = arith.constant dense<0.000000e+00> : vector<512x33xf32>
    %dot_general3A_40 = tpu.matmul %mul3A_37, %concatenate3A, %dot_general3A_39 {dimension_numbers = #tpu.dot_dimension_numbers<[1], [0], [0], [1], [0, 0, 1, 1], [], []>, transpose_lhs_hint = false} : vector<512x512xf32>, vector<512x33xf32>, vector<512x33xf32> -> vector<512x33xf32>
    %slice3A_41 = vector.extract_strided_slice %dot_general3A_40 {offsets = [0, 0], sizes = [512, 32], strides = [1, 1]} : vector<512x33xf32> to vector<512x32xf32>
    %slice3A_42 = vector.extract_strided_slice %dot_general3A_40 {offsets = [0, 32], sizes = [512, 1], strides = [1, 1]} : vector<512x33xf32> to vector<512x1xf32>
    %div3A = vector.broadcast %slice3A_42 : vector<512x1xf32> to vector<512x32xf32>
    %div3A_43 = arith.divf %slice3A_41, %div3A : vector<512x32xf32>
    %slice3A_44 = vector.extract_strided_slice %dot_general3A_28 {offsets = [0, 1], sizes = [512, 1], strides = [1, 1]} : vector<512x4xf32> to vector<512x1xf32>
    %slice3A_45 = vector.extract_strided_slice %dot_general3A_30 {offsets = [1, 0], sizes = [1, 512], strides = [1, 1]} : vector<4x512xf32> to vector<1x512xf32>
    %add3A_46 = vector.broadcast %slice3A_44 : vector<512x1xf32> to vector<512x512xf32>
    %add3A_47 = vector.broadcast %slice3A_45 : vector<1x512xf32> to vector<512x512xf32>
    %add3A_48 = arith.addf %add3A_46, %add3A_47 : vector<512x512xf32>
    %mul3A_49 = arith.constant 2.000000e-01 : f32
    %mul3A_50 = vector.broadcast %mul3A_49 : f32 to vector<512x512xf32>
    %mul3A_51 = arith.mulf %mul3A_50, %add3A_48 : vector<512x512xf32>
    %max3A_52 = arith.maximumf %add3A_48, %mul3A_51 : vector<512x512xf32>
    %exp23A_53 = math.exp2 %max3A_52 : vector<512x512xf32>
    %mul3A_54 = arith.mulf %add3A_9, %exp23A_53 : vector<512x512xf32>
    %slice3A_55 = vector.extract_strided_slice %dot_general3A_26 {offsets = [0, 32], sizes = [512, 32], strides = [1, 1]} : vector<512x128xf32> to vector<512x32xf32>
    %concatenate3A_56 = tpu.concatenate %slice3A_55, %broadcast_in_dim3A_10 in 1 : vector<512x32xf32>, vector<512x1xf32> -> vector<512x33xf32>
    %dot_general3A_57 = arith.constant dense<0.000000e+00> : vector<512x33xf32>
    %dot_general3A_58 = tpu.matmul %mul3A_54, %concatenate3A_56, %dot_general3A_57 {dimension_numbers = #tpu.dot_dimension_numbers<[1], [0], [0], [1], [0, 0, 1, 1], [], []>, transpose_lhs_hint = false} : vector<512x512xf32>, vector<512x33xf32>, vector<512x33xf32> -> vector<512x33xf32>
    %slice3A_59 = vector.extract_strided_slice %dot_general3A_58 {offsets = [0, 0], sizes = [512, 32], strides = [1, 1]} : vector<512x33xf32> to vector<512x32xf32>
    %slice3A_60 = vector.extract_strided_slice %dot_general3A_58 {offsets = [0, 32], sizes = [512, 1], strides = [1, 1]} : vector<512x33xf32> to vector<512x1xf32>
    %div3A_61 = vector.broadcast %slice3A_60 : vector<512x1xf32> to vector<512x32xf32>
    %div3A_62 = arith.divf %slice3A_59, %div3A_61 : vector<512x32xf32>
    %slice3A_63 = vector.extract_strided_slice %dot_general3A_28 {offsets = [0, 2], sizes = [512, 1], strides = [1, 1]} : vector<512x4xf32> to vector<512x1xf32>
    %slice3A_64 = vector.extract_strided_slice %dot_general3A_30 {offsets = [2, 0], sizes = [1, 512], strides = [1, 1]} : vector<4x512xf32> to vector<1x512xf32>
    %add3A_65 = vector.broadcast %slice3A_63 : vector<512x1xf32> to vector<512x512xf32>
    %add3A_66 = vector.broadcast %slice3A_64 : vector<1x512xf32> to vector<512x512xf32>
    %add3A_67 = arith.addf %add3A_65, %add3A_66 : vector<512x512xf32>
    %mul3A_68 = arith.constant 2.000000e-01 : f32
    %mul3A_69 = vector.broadcast %mul3A_68 : f32 to vector<512x512xf32>
    %mul3A_70 = arith.mulf %mul3A_69, %add3A_67 : vector<512x512xf32>
    %max3A_71 = arith.maximumf %add3A_67, %mul3A_70 : vector<512x512xf32>
    %exp23A_72 = math.exp2 %max3A_71 : vector<512x512xf32>
    %mul3A_73 = arith.mulf %add3A_9, %exp23A_72 : vector<512x512xf32>
    %slice3A_74 = vector.extract_strided_slice %dot_general3A_26 {offsets = [0, 64], sizes = [512, 32], strides = [1, 1]} : vector<512x128xf32> to vector<512x32xf32>
    %concatenate3A_75 = tpu.concatenate %slice3A_74, %broadcast_in_dim3A_10 in 1 : vector<512x32xf32>, vector<512x1xf32> -> vector<512x33xf32>
    %dot_general3A_76 = arith.constant dense<0.000000e+00> : vector<512x33xf32>
    %dot_general3A_77 = tpu.matmul %mul3A_73, %concatenate3A_75, %dot_general3A_76 {dimension_numbers = #tpu.dot_dimension_numbers<[1], [0], [0], [1], [0, 0, 1, 1], [], []>, transpose_lhs_hint = false} : vector<512x512xf32>, vector<512x33xf32>, vector<512x33xf32> -> vector<512x33xf32>
    %slice3A_78 = vector.extract_strided_slice %dot_general3A_77 {offsets = [0, 0], sizes = [512, 32], strides = [1, 1]} : vector<512x33xf32> to vector<512x32xf32>
    %slice3A_79 = vector.extract_strided_slice %dot_general3A_77 {offsets = [0, 32], sizes = [512, 1], strides = [1, 1]} : vector<512x33xf32> to vector<512x1xf32>
    %div3A_80 = vector.broadcast %slice3A_79 : vector<512x1xf32> to vector<512x32xf32>
    %div3A_81 = arith.divf %slice3A_78, %div3A_80 : vector<512x32xf32>
    %slice3A_82 = vector.extract_strided_slice %dot_general3A_28 {offsets = [0, 3], sizes = [512, 1], strides = [1, 1]} : vector<512x4xf32> to vector<512x1xf32>
    %slice3A_83 = vector.extract_strided_slice %dot_general3A_30 {offsets = [3, 0], sizes = [1, 512], strides = [1, 1]} : vector<4x512xf32> to vector<1x512xf32>
    %add3A_84 = vector.broadcast %slice3A_82 : vector<512x1xf32> to vector<512x512xf32>
    %add3A_85 = vector.broadcast %slice3A_83 : vector<1x512xf32> to vector<512x512xf32>
    %add3A_86 = arith.addf %add3A_84, %add3A_85 : vector<512x512xf32>
    %mul3A_87 = arith.constant 2.000000e-01 : f32
    %mul3A_88 = vector.broadcast %mul3A_87 : f32 to vector<512x512xf32>
    %mul3A_89 = arith.mulf %mul3A_88, %add3A_86 : vector<512x512xf32>
    %max3A_90 = arith.maximumf %add3A_86, %mul3A_89 : vector<512x512xf32>
    %exp23A_91 = math.exp2 %max3A_90 : vector<512x512xf32>
    %mul3A_92 = arith.mulf %add3A_9, %exp23A_91 : vector<512x512xf32>
    %slice3A_93 = vector.extract_strided_slice %dot_general3A_26 {offsets = [0, 96], sizes = [512, 32], strides = [1, 1]} : vector<512x128xf32> to vector<512x32xf32>
    %concatenate3A_94 = tpu.concatenate %slice3A_93, %broadcast_in_dim3A_10 in 1 : vector<512x32xf32>, vector<512x1xf32> -> vector<512x33xf32>
    %dot_general3A_95 = arith.constant dense<0.000000e+00> : vector<512x33xf32>
    %dot_general3A_96 = tpu.matmul %mul3A_92, %concatenate3A_94, %dot_general3A_95 {dimension_numbers = #tpu.dot_dimension_numbers<[1], [0], [0], [1], [0, 0, 1, 1], [], []>, transpose_lhs_hint = false} : vector<512x512xf32>, vector<512x33xf32>, vector<512x33xf32> -> vector<512x33xf32>
    %slice3A_97 = vector.extract_strided_slice %dot_general3A_96 {offsets = [0, 0], sizes = [512, 32], strides = [1, 1]} : vector<512x33xf32> to vector<512x32xf32>
    %slice3A_98 = vector.extract_strided_slice %dot_general3A_96 {offsets = [0, 32], sizes = [512, 1], strides = [1, 1]} : vector<512x33xf32> to vector<512x1xf32>
    %div3A_99 = vector.broadcast %slice3A_98 : vector<512x1xf32> to vector<512x32xf32>
    %div3A_100 = arith.divf %slice3A_97, %div3A_99 : vector<512x32xf32>
    %concatenate3A_101 = tpu.concatenate %div3A_43, %div3A_62, %div3A_81, %div3A_100 in 1 : vector<512x32xf32>, vector<512x32xf32>, vector<512x32xf32>, vector<512x32xf32> -> vector<512x128xf32>
    %add3A_102 = vector.broadcast %get3A_25 : vector<1x128xf32> to vector<512x128xf32>
    %add3A_103 = arith.addf %concatenate3A_101, %add3A_102 : vector<512x128xf32>
    %mul3A_104 = arith.constant 0.00999999977 : f32
    %mul3A_105 = vector.broadcast %mul3A_104 : f32 to vector<512x128xf32>
    %mul3A_106 = arith.mulf %mul3A_105, %add3A_103 : vector<512x128xf32>
    %max3A_107 = arith.maximumf %add3A_103, %mul3A_106 : vector<512x128xf32>
    %get3A_108 = arith.constant 0 : index
    %get3A_109 = arith.constant 0 : index
    %get3A_110 = vector.load %arg6[%get3A_108, %get3A_109] : memref<128x128xf32, #tpu.memory_space<vmem>>, vector<128x128xf32>
    %get3A_111 = arith.constant 0 : index
    %get3A_112 = arith.constant 0 : index
    %get3A_113 = vector.load %arg7[%get3A_111, %get3A_112] : memref<128x4xf32, #tpu.memory_space<vmem>>, vector<128x4xf32>
    %get3A_114 = arith.constant 0 : index
    %get3A_115 = arith.constant 0 : index
    %get3A_116 = vector.load %arg8[%get3A_114, %get3A_115] : memref<4x128xf32, #tpu.memory_space<vmem>>, vector<4x128xf32>
    %get3A_117 = arith.constant 0 : index
    %get3A_118 = arith.constant 0 : index
    %get3A_119 = vector.load %arg9[%get3A_117, %get3A_118] : memref<1x128xf32, #tpu.memory_space<vmem>>, vector<1x128xf32>
    %dot_general3A_120 = arith.constant dense<0.000000e+00> : vector<512x128xf32>
    %dot_general3A_121 = tpu.matmul %max3A_107, %get3A_110, %dot_general3A_120 {dimension_numbers = #tpu.dot_dimension_numbers<[1], [0], [0], [1], [0, 0, 1, 1], [], []>, transpose_lhs_hint = false} : vector<512x128xf32>, vector<128x128xf32>, vector<512x128xf32> -> vector<512x128xf32>
    %dot_general3A_122 = arith.constant dense<0.000000e+00> : vector<512x4xf32>
    %dot_general3A_123 = tpu.matmul %dot_general3A_121, %get3A_113, %dot_general3A_122 {dimension_numbers = #tpu.dot_dimension_numbers<[1], [0], [0], [1], [0, 0, 1, 1], [], []>, transpose_lhs_hint = false} : vector<512x128xf32>, vector<128x4xf32>, vector<512x4xf32> -> vector<512x4xf32>
    %dot_general3A_124 = arith.constant dense<0.000000e+00> : vector<4x512xf32>
    %dot_general3A_125 = tpu.matmul %get3A_116, %dot_general3A_121, %dot_general3A_124 {dimension_numbers = #tpu.dot_dimension_numbers<[1], [1], [0], [0], [0, 0, 1, 0], [], []>, transpose_lhs_hint = false} : vector<4x128xf32>, vector<512x128xf32>, vector<4x512xf32> -> vector<4x512xf32>
    %slice3A_126 = vector.extract_strided_slice %dot_general3A_123 {offsets = [0, 0], sizes = [512, 1], strides = [1, 1]} : vector<512x4xf32> to vector<512x1xf32>
    %slice3A_127 = vector.extract_strided_slice %dot_general3A_125 {offsets = [0, 0], sizes = [1, 512], strides = [1, 1]} : vector<4x512xf32> to vector<1x512xf32>
    %add3A_128 = vector.broadcast %slice3A_126 : vector<512x1xf32> to vector<512x512xf32>
    %add3A_129 = vector.broadcast %slice3A_127 : vector<1x512xf32> to vector<512x512xf32>
    %add3A_130 = arith.addf %add3A_128, %add3A_129 : vector<512x512xf32>
    %mul3A_131 = arith.constant 2.000000e-01 : f32
    %mul3A_132 = vector.broadcast %mul3A_131 : f32 to vector<512x512xf32>
    %mul3A_133 = arith.mulf %mul3A_132, %add3A_130 : vector<512x512xf32>
    %max3A_134 = arith.maximumf %add3A_130, %mul3A_133 : vector<512x512xf32>
    %exp23A_135 = math.exp2 %max3A_134 : vector<512x512xf32>
    %mul3A_136 = arith.mulf %add3A_9, %exp23A_135 : vector<512x512xf32>
    %slice3A_137 = vector.extract_strided_slice %dot_general3A_121 {offsets = [0, 0], sizes = [512, 32], strides = [1, 1]} : vector<512x128xf32> to vector<512x32xf32>
    %concatenate3A_138 = tpu.concatenate %slice3A_137, %broadcast_in_dim3A_10 in 1 : vector<512x32xf32>, vector<512x1xf32> -> vector<512x33xf32>
    %dot_general3A_139 = arith.constant dense<0.000000e+00> : vector<512x33xf32>
    %dot_general3A_140 = tpu.matmul %mul3A_136, %concatenate3A_138, %dot_general3A_139 {dimension_numbers = #tpu.dot_dimension_numbers<[1], [0], [0], [1], [0, 0, 1, 1], [], []>, transpose_lhs_hint = false} : vector<512x512xf32>, vector<512x33xf32>, vector<512x33xf32> -> vector<512x33xf32>
    %slice3A_141 = vector.extract_strided_slice %dot_general3A_140 {offsets = [0, 0], sizes = [512, 32], strides = [1, 1]} : vector<512x33xf32> to vector<512x32xf32>
    %slice3A_142 = vector.extract_strided_slice %dot_general3A_140 {offsets = [0, 32], sizes = [512, 1], strides = [1, 1]} : vector<512x33xf32> to vector<512x1xf32>
    %div3A_143 = vector.broadcast %slice3A_142 : vector<512x1xf32> to vector<512x32xf32>
    %div3A_144 = arith.divf %slice3A_141, %div3A_143 : vector<512x32xf32>
    %slice3A_145 = vector.extract_strided_slice %dot_general3A_123 {offsets = [0, 1], sizes = [512, 1], strides = [1, 1]} : vector<512x4xf32> to vector<512x1xf32>
    %slice3A_146 = vector.extract_strided_slice %dot_general3A_125 {offsets = [1, 0], sizes = [1, 512], strides = [1, 1]} : vector<4x512xf32> to vector<1x512xf32>
    %add3A_147 = vector.broadcast %slice3A_145 : vector<512x1xf32> to vector<512x512xf32>
    %add3A_148 = vector.broadcast %slice3A_146 : vector<1x512xf32> to vector<512x512xf32>
    %add3A_149 = arith.addf %add3A_147, %add3A_148 : vector<512x512xf32>
    %mul3A_150 = arith.constant 2.000000e-01 : f32
    %mul3A_151 = vector.broadcast %mul3A_150 : f32 to vector<512x512xf32>
    %mul3A_152 = arith.mulf %mul3A_151, %add3A_149 : vector<512x512xf32>
    %max3A_153 = arith.maximumf %add3A_149, %mul3A_152 : vector<512x512xf32>
    %exp23A_154 = math.exp2 %max3A_153 : vector<512x512xf32>
    %mul3A_155 = arith.mulf %add3A_9, %exp23A_154 : vector<512x512xf32>
    %slice3A_156 = vector.extract_strided_slice %dot_general3A_121 {offsets = [0, 32], sizes = [512, 32], strides = [1, 1]} : vector<512x128xf32> to vector<512x32xf32>
    %concatenate3A_157 = tpu.concatenate %slice3A_156, %broadcast_in_dim3A_10 in 1 : vector<512x32xf32>, vector<512x1xf32> -> vector<512x33xf32>
    %dot_general3A_158 = arith.constant dense<0.000000e+00> : vector<512x33xf32>
    %dot_general3A_159 = tpu.matmul %mul3A_155, %concatenate3A_157, %dot_general3A_158 {dimension_numbers = #tpu.dot_dimension_numbers<[1], [0], [0], [1], [0, 0, 1, 1], [], []>, transpose_lhs_hint = false} : vector<512x512xf32>, vector<512x33xf32>, vector<512x33xf32> -> vector<512x33xf32>
    %slice3A_160 = vector.extract_strided_slice %dot_general3A_159 {offsets = [0, 0], sizes = [512, 32], strides = [1, 1]} : vector<512x33xf32> to vector<512x32xf32>
    %slice3A_161 = vector.extract_strided_slice %dot_general3A_159 {offsets = [0, 32], sizes = [512, 1], strides = [1, 1]} : vector<512x33xf32> to vector<512x1xf32>
    %div3A_162 = vector.broadcast %slice3A_161 : vector<512x1xf32> to vector<512x32xf32>
    %div3A_163 = arith.divf %slice3A_160, %div3A_162 : vector<512x32xf32>
    %slice3A_164 = vector.extract_strided_slice %dot_general3A_123 {offsets = [0, 2], sizes = [512, 1], strides = [1, 1]} : vector<512x4xf32> to vector<512x1xf32>
    %slice3A_165 = vector.extract_strided_slice %dot_general3A_125 {offsets = [2, 0], sizes = [1, 512], strides = [1, 1]} : vector<4x512xf32> to vector<1x512xf32>
    %add3A_166 = vector.broadcast %slice3A_164 : vector<512x1xf32> to vector<512x512xf32>
    %add3A_167 = vector.broadcast %slice3A_165 : vector<1x512xf32> to vector<512x512xf32>
    %add3A_168 = arith.addf %add3A_166, %add3A_167 : vector<512x512xf32>
    %mul3A_169 = arith.constant 2.000000e-01 : f32
    %mul3A_170 = vector.broadcast %mul3A_169 : f32 to vector<512x512xf32>
    %mul3A_171 = arith.mulf %mul3A_170, %add3A_168 : vector<512x512xf32>
    %max3A_172 = arith.maximumf %add3A_168, %mul3A_171 : vector<512x512xf32>
    %exp23A_173 = math.exp2 %max3A_172 : vector<512x512xf32>
    %mul3A_174 = arith.mulf %add3A_9, %exp23A_173 : vector<512x512xf32>
    %slice3A_175 = vector.extract_strided_slice %dot_general3A_121 {offsets = [0, 64], sizes = [512, 32], strides = [1, 1]} : vector<512x128xf32> to vector<512x32xf32>
    %concatenate3A_176 = tpu.concatenate %slice3A_175, %broadcast_in_dim3A_10 in 1 : vector<512x32xf32>, vector<512x1xf32> -> vector<512x33xf32>
    %dot_general3A_177 = arith.constant dense<0.000000e+00> : vector<512x33xf32>
    %dot_general3A_178 = tpu.matmul %mul3A_174, %concatenate3A_176, %dot_general3A_177 {dimension_numbers = #tpu.dot_dimension_numbers<[1], [0], [0], [1], [0, 0, 1, 1], [], []>, transpose_lhs_hint = false} : vector<512x512xf32>, vector<512x33xf32>, vector<512x33xf32> -> vector<512x33xf32>
    %slice3A_179 = vector.extract_strided_slice %dot_general3A_178 {offsets = [0, 0], sizes = [512, 32], strides = [1, 1]} : vector<512x33xf32> to vector<512x32xf32>
    %slice3A_180 = vector.extract_strided_slice %dot_general3A_178 {offsets = [0, 32], sizes = [512, 1], strides = [1, 1]} : vector<512x33xf32> to vector<512x1xf32>
    %div3A_181 = vector.broadcast %slice3A_180 : vector<512x1xf32> to vector<512x32xf32>
    %div3A_182 = arith.divf %slice3A_179, %div3A_181 : vector<512x32xf32>
    %slice3A_183 = vector.extract_strided_slice %dot_general3A_123 {offsets = [0, 3], sizes = [512, 1], strides = [1, 1]} : vector<512x4xf32> to vector<512x1xf32>
    %slice3A_184 = vector.extract_strided_slice %dot_general3A_125 {offsets = [3, 0], sizes = [1, 512], strides = [1, 1]} : vector<4x512xf32> to vector<1x512xf32>
    %add3A_185 = vector.broadcast %slice3A_183 : vector<512x1xf32> to vector<512x512xf32>
    %add3A_186 = vector.broadcast %slice3A_184 : vector<1x512xf32> to vector<512x512xf32>
    %add3A_187 = arith.addf %add3A_185, %add3A_186 : vector<512x512xf32>
    %mul3A_188 = arith.constant 2.000000e-01 : f32
    %mul3A_189 = vector.broadcast %mul3A_188 : f32 to vector<512x512xf32>
    %mul3A_190 = arith.mulf %mul3A_189, %add3A_187 : vector<512x512xf32>
    %max3A_191 = arith.maximumf %add3A_187, %mul3A_190 : vector<512x512xf32>
    %exp23A_192 = math.exp2 %max3A_191 : vector<512x512xf32>
    %mul3A_193 = arith.mulf %add3A_9, %exp23A_192 : vector<512x512xf32>
    %slice3A_194 = vector.extract_strided_slice %dot_general3A_121 {offsets = [0, 96], sizes = [512, 32], strides = [1, 1]} : vector<512x128xf32> to vector<512x32xf32>
    %concatenate3A_195 = tpu.concatenate %slice3A_194, %broadcast_in_dim3A_10 in 1 : vector<512x32xf32>, vector<512x1xf32> -> vector<512x33xf32>
    %dot_general3A_196 = arith.constant dense<0.000000e+00> : vector<512x33xf32>
    %dot_general3A_197 = tpu.matmul %mul3A_193, %concatenate3A_195, %dot_general3A_196 {dimension_numbers = #tpu.dot_dimension_numbers<[1], [0], [0], [1], [0, 0, 1, 1], [], []>, transpose_lhs_hint = false} : vector<512x512xf32>, vector<512x33xf32>, vector<512x33xf32> -> vector<512x33xf32>
    %slice3A_198 = vector.extract_strided_slice %dot_general3A_197 {offsets = [0, 0], sizes = [512, 32], strides = [1, 1]} : vector<512x33xf32> to vector<512x32xf32>
    %slice3A_199 = vector.extract_strided_slice %dot_general3A_197 {offsets = [0, 32], sizes = [512, 1], strides = [1, 1]} : vector<512x33xf32> to vector<512x1xf32>
    %div3A_200 = vector.broadcast %slice3A_199 : vector<512x1xf32> to vector<512x32xf32>
    %div3A_201 = arith.divf %slice3A_198, %div3A_200 : vector<512x32xf32>
    %concatenate3A_202 = tpu.concatenate %div3A_144, %div3A_163, %div3A_182, %div3A_201 in 1 : vector<512x32xf32>, vector<512x32xf32>, vector<512x32xf32>, vector<512x32xf32> -> vector<512x128xf32>
    %add3A_203 = vector.broadcast %get3A_119 : vector<1x128xf32> to vector<512x128xf32>
    %add3A_204 = arith.addf %concatenate3A_202, %add3A_203 : vector<512x128xf32>
    %mul3A_205 = arith.constant 0.00999999977 : f32
    %mul3A_206 = vector.broadcast %mul3A_205 : f32 to vector<512x128xf32>
    %mul3A_207 = arith.mulf %mul3A_206, %add3A_204 : vector<512x128xf32>
    %max3A_208 = arith.maximumf %add3A_204, %mul3A_207 : vector<512x128xf32>
    %get3A_209 = arith.constant 0 : index
    %get3A_210 = arith.constant 0 : index
    %get3A_211 = vector.load %arg10[%get3A_209, %get3A_210] : memref<128x128xf32, #tpu.memory_space<vmem>>, vector<128x128xf32>
    %get3A_212 = arith.constant 0 : index
    %get3A_213 = arith.constant 0 : index
    %get3A_214 = vector.load %arg11[%get3A_212, %get3A_213] : memref<128x4xf32, #tpu.memory_space<vmem>>, vector<128x4xf32>
    %get3A_215 = arith.constant 0 : index
    %get3A_216 = arith.constant 0 : index
    %get3A_217 = vector.load %arg12[%get3A_215, %get3A_216] : memref<4x128xf32, #tpu.memory_space<vmem>>, vector<4x128xf32>
    %get3A_218 = arith.constant 0 : index
    %get3A_219 = arith.constant 0 : index
    %get3A_220 = vector.load %arg13[%get3A_218, %get3A_219] : memref<1x128xf32, #tpu.memory_space<vmem>>, vector<1x128xf32>
    %dot_general3A_221 = arith.constant dense<0.000000e+00> : vector<512x128xf32>
    %dot_general3A_222 = tpu.matmul %max3A_208, %get3A_211, %dot_general3A_221 {dimension_numbers = #tpu.dot_dimension_numbers<[1], [0], [0], [1], [0, 0, 1, 1], [], []>, transpose_lhs_hint = false} : vector<512x128xf32>, vector<128x128xf32>, vector<512x128xf32> -> vector<512x128xf32>
    %dot_general3A_223 = arith.constant dense<0.000000e+00> : vector<512x4xf32>
    %dot_general3A_224 = tpu.matmul %dot_general3A_222, %get3A_214, %dot_general3A_223 {dimension_numbers = #tpu.dot_dimension_numbers<[1], [0], [0], [1], [0, 0, 1, 1], [], []>, transpose_lhs_hint = false} : vector<512x128xf32>, vector<128x4xf32>, vector<512x4xf32> -> vector<512x4xf32>
    %dot_general3A_225 = arith.constant dense<0.000000e+00> : vector<4x512xf32>
    %dot_general3A_226 = tpu.matmul %get3A_217, %dot_general3A_222, %dot_general3A_225 {dimension_numbers = #tpu.dot_dimension_numbers<[1], [1], [0], [0], [0, 0, 1, 0], [], []>, transpose_lhs_hint = false} : vector<4x128xf32>, vector<512x128xf32>, vector<4x512xf32> -> vector<4x512xf32>
    %slice3A_227 = vector.extract_strided_slice %dot_general3A_224 {offsets = [0, 0], sizes = [512, 1], strides = [1, 1]} : vector<512x4xf32> to vector<512x1xf32>
    %slice3A_228 = vector.extract_strided_slice %dot_general3A_226 {offsets = [0, 0], sizes = [1, 512], strides = [1, 1]} : vector<4x512xf32> to vector<1x512xf32>
    %add3A_229 = vector.broadcast %slice3A_227 : vector<512x1xf32> to vector<512x512xf32>
    %add3A_230 = vector.broadcast %slice3A_228 : vector<1x512xf32> to vector<512x512xf32>
    %add3A_231 = arith.addf %add3A_229, %add3A_230 : vector<512x512xf32>
    %mul3A_232 = arith.constant 2.000000e-01 : f32
    %mul3A_233 = vector.broadcast %mul3A_232 : f32 to vector<512x512xf32>
    %mul3A_234 = arith.mulf %mul3A_233, %add3A_231 : vector<512x512xf32>
    %max3A_235 = arith.maximumf %add3A_231, %mul3A_234 : vector<512x512xf32>
    %exp23A_236 = math.exp2 %max3A_235 : vector<512x512xf32>
    %mul3A_237 = arith.mulf %add3A_9, %exp23A_236 : vector<512x512xf32>
    %slice3A_238 = vector.extract_strided_slice %dot_general3A_222 {offsets = [0, 0], sizes = [512, 32], strides = [1, 1]} : vector<512x128xf32> to vector<512x32xf32>
    %concatenate3A_239 = tpu.concatenate %slice3A_238, %broadcast_in_dim3A_10 in 1 : vector<512x32xf32>, vector<512x1xf32> -> vector<512x33xf32>
    %dot_general3A_240 = arith.constant dense<0.000000e+00> : vector<512x33xf32>
    %dot_general3A_241 = tpu.matmul %mul3A_237, %concatenate3A_239, %dot_general3A_240 {dimension_numbers = #tpu.dot_dimension_numbers<[1], [0], [0], [1], [0, 0, 1, 1], [], []>, transpose_lhs_hint = false} : vector<512x512xf32>, vector<512x33xf32>, vector<512x33xf32> -> vector<512x33xf32>
    %slice3A_242 = vector.extract_strided_slice %dot_general3A_241 {offsets = [0, 0], sizes = [512, 32], strides = [1, 1]} : vector<512x33xf32> to vector<512x32xf32>
    %slice3A_243 = vector.extract_strided_slice %dot_general3A_241 {offsets = [0, 32], sizes = [512, 1], strides = [1, 1]} : vector<512x33xf32> to vector<512x1xf32>
    %div3A_244 = vector.broadcast %slice3A_243 : vector<512x1xf32> to vector<512x32xf32>
    %div3A_245 = arith.divf %slice3A_242, %div3A_244 : vector<512x32xf32>
    %slice3A_246 = vector.extract_strided_slice %dot_general3A_224 {offsets = [0, 1], sizes = [512, 1], strides = [1, 1]} : vector<512x4xf32> to vector<512x1xf32>
    %slice3A_247 = vector.extract_strided_slice %dot_general3A_226 {offsets = [1, 0], sizes = [1, 512], strides = [1, 1]} : vector<4x512xf32> to vector<1x512xf32>
    %add3A_248 = vector.broadcast %slice3A_246 : vector<512x1xf32> to vector<512x512xf32>
    %add3A_249 = vector.broadcast %slice3A_247 : vector<1x512xf32> to vector<512x512xf32>
    %add3A_250 = arith.addf %add3A_248, %add3A_249 : vector<512x512xf32>
    %mul3A_251 = arith.constant 2.000000e-01 : f32
    %mul3A_252 = vector.broadcast %mul3A_251 : f32 to vector<512x512xf32>
    %mul3A_253 = arith.mulf %mul3A_252, %add3A_250 : vector<512x512xf32>
    %max3A_254 = arith.maximumf %add3A_250, %mul3A_253 : vector<512x512xf32>
    %exp23A_255 = math.exp2 %max3A_254 : vector<512x512xf32>
    %mul3A_256 = arith.mulf %add3A_9, %exp23A_255 : vector<512x512xf32>
    %slice3A_257 = vector.extract_strided_slice %dot_general3A_222 {offsets = [0, 32], sizes = [512, 32], strides = [1, 1]} : vector<512x128xf32> to vector<512x32xf32>
    %concatenate3A_258 = tpu.concatenate %slice3A_257, %broadcast_in_dim3A_10 in 1 : vector<512x32xf32>, vector<512x1xf32> -> vector<512x33xf32>
    %dot_general3A_259 = arith.constant dense<0.000000e+00> : vector<512x33xf32>
    %dot_general3A_260 = tpu.matmul %mul3A_256, %concatenate3A_258, %dot_general3A_259 {dimension_numbers = #tpu.dot_dimension_numbers<[1], [0], [0], [1], [0, 0, 1, 1], [], []>, transpose_lhs_hint = false} : vector<512x512xf32>, vector<512x33xf32>, vector<512x33xf32> -> vector<512x33xf32>
    %slice3A_261 = vector.extract_strided_slice %dot_general3A_260 {offsets = [0, 0], sizes = [512, 32], strides = [1, 1]} : vector<512x33xf32> to vector<512x32xf32>
    %slice3A_262 = vector.extract_strided_slice %dot_general3A_260 {offsets = [0, 32], sizes = [512, 1], strides = [1, 1]} : vector<512x33xf32> to vector<512x1xf32>
    %div3A_263 = vector.broadcast %slice3A_262 : vector<512x1xf32> to vector<512x32xf32>
    %div3A_264 = arith.divf %slice3A_261, %div3A_263 : vector<512x32xf32>
    %slice3A_265 = vector.extract_strided_slice %dot_general3A_224 {offsets = [0, 2], sizes = [512, 1], strides = [1, 1]} : vector<512x4xf32> to vector<512x1xf32>
    %slice3A_266 = vector.extract_strided_slice %dot_general3A_226 {offsets = [2, 0], sizes = [1, 512], strides = [1, 1]} : vector<4x512xf32> to vector<1x512xf32>
    %add3A_267 = vector.broadcast %slice3A_265 : vector<512x1xf32> to vector<512x512xf32>
    %add3A_268 = vector.broadcast %slice3A_266 : vector<1x512xf32> to vector<512x512xf32>
    %add3A_269 = arith.addf %add3A_267, %add3A_268 : vector<512x512xf32>
    %mul3A_270 = arith.constant 2.000000e-01 : f32
    %mul3A_271 = vector.broadcast %mul3A_270 : f32 to vector<512x512xf32>
    %mul3A_272 = arith.mulf %mul3A_271, %add3A_269 : vector<512x512xf32>
    %max3A_273 = arith.maximumf %add3A_269, %mul3A_272 : vector<512x512xf32>
    %exp23A_274 = math.exp2 %max3A_273 : vector<512x512xf32>
    %mul3A_275 = arith.mulf %add3A_9, %exp23A_274 : vector<512x512xf32>
    %slice3A_276 = vector.extract_strided_slice %dot_general3A_222 {offsets = [0, 64], sizes = [512, 32], strides = [1, 1]} : vector<512x128xf32> to vector<512x32xf32>
    %concatenate3A_277 = tpu.concatenate %slice3A_276, %broadcast_in_dim3A_10 in 1 : vector<512x32xf32>, vector<512x1xf32> -> vector<512x33xf32>
    %dot_general3A_278 = arith.constant dense<0.000000e+00> : vector<512x33xf32>
    %dot_general3A_279 = tpu.matmul %mul3A_275, %concatenate3A_277, %dot_general3A_278 {dimension_numbers = #tpu.dot_dimension_numbers<[1], [0], [0], [1], [0, 0, 1, 1], [], []>, transpose_lhs_hint = false} : vector<512x512xf32>, vector<512x33xf32>, vector<512x33xf32> -> vector<512x33xf32>
    %slice3A_280 = vector.extract_strided_slice %dot_general3A_279 {offsets = [0, 0], sizes = [512, 32], strides = [1, 1]} : vector<512x33xf32> to vector<512x32xf32>
    %slice3A_281 = vector.extract_strided_slice %dot_general3A_279 {offsets = [0, 32], sizes = [512, 1], strides = [1, 1]} : vector<512x33xf32> to vector<512x1xf32>
    %div3A_282 = vector.broadcast %slice3A_281 : vector<512x1xf32> to vector<512x32xf32>
    %div3A_283 = arith.divf %slice3A_280, %div3A_282 : vector<512x32xf32>
    %slice3A_284 = vector.extract_strided_slice %dot_general3A_224 {offsets = [0, 3], sizes = [512, 1], strides = [1, 1]} : vector<512x4xf32> to vector<512x1xf32>
    %slice3A_285 = vector.extract_strided_slice %dot_general3A_226 {offsets = [3, 0], sizes = [1, 512], strides = [1, 1]} : vector<4x512xf32> to vector<1x512xf32>
    %add3A_286 = vector.broadcast %slice3A_284 : vector<512x1xf32> to vector<512x512xf32>
    %add3A_287 = vector.broadcast %slice3A_285 : vector<1x512xf32> to vector<512x512xf32>
    %add3A_288 = arith.addf %add3A_286, %add3A_287 : vector<512x512xf32>
    %mul3A_289 = arith.constant 2.000000e-01 : f32
    %mul3A_290 = vector.broadcast %mul3A_289 : f32 to vector<512x512xf32>
    %mul3A_291 = arith.mulf %mul3A_290, %add3A_288 : vector<512x512xf32>
    %max3A_292 = arith.maximumf %add3A_288, %mul3A_291 : vector<512x512xf32>
    %exp23A_293 = math.exp2 %max3A_292 : vector<512x512xf32>
    %mul3A_294 = arith.mulf %add3A_9, %exp23A_293 : vector<512x512xf32>
    %slice3A_295 = vector.extract_strided_slice %dot_general3A_222 {offsets = [0, 96], sizes = [512, 32], strides = [1, 1]} : vector<512x128xf32> to vector<512x32xf32>
    %concatenate3A_296 = tpu.concatenate %slice3A_295, %broadcast_in_dim3A_10 in 1 : vector<512x32xf32>, vector<512x1xf32> -> vector<512x33xf32>
    %dot_general3A_297 = arith.constant dense<0.000000e+00> : vector<512x33xf32>
    %dot_general3A_298 = tpu.matmul %mul3A_294, %concatenate3A_296, %dot_general3A_297 {dimension_numbers = #tpu.dot_dimension_numbers<[1], [0], [0], [1], [0, 0, 1, 1], [], []>, transpose_lhs_hint = false} : vector<512x512xf32>, vector<512x33xf32>, vector<512x33xf32> -> vector<512x33xf32>
    %slice3A_299 = vector.extract_strided_slice %dot_general3A_298 {offsets = [0, 0], sizes = [512, 32], strides = [1, 1]} : vector<512x33xf32> to vector<512x32xf32>
    %slice3A_300 = vector.extract_strided_slice %dot_general3A_298 {offsets = [0, 32], sizes = [512, 1], strides = [1, 1]} : vector<512x33xf32> to vector<512x1xf32>
    %div3A_301 = vector.broadcast %slice3A_300 : vector<512x1xf32> to vector<512x32xf32>
    %div3A_302 = arith.divf %slice3A_299, %div3A_301 : vector<512x32xf32>
    %concatenate3A_303 = tpu.concatenate %div3A_245, %div3A_264, %div3A_283, %div3A_302 in 1 : vector<512x32xf32>, vector<512x32xf32>, vector<512x32xf32>, vector<512x32xf32> -> vector<512x128xf32>
    %add3A_304 = vector.broadcast %get3A_220 : vector<1x128xf32> to vector<512x128xf32>
    %add3A_305 = arith.addf %concatenate3A_303, %add3A_304 : vector<512x128xf32>
    %mul3A_306 = arith.constant 0.00999999977 : f32
    %mul3A_307 = vector.broadcast %mul3A_306 : f32 to vector<512x128xf32>
    %mul3A_308 = arith.mulf %mul3A_307, %add3A_305 : vector<512x128xf32>
    %max3A_309 = arith.maximumf %add3A_305, %mul3A_308 : vector<512x128xf32>
    %get3A_310 = arith.constant 0 : index
    %get3A_311 = arith.constant 0 : index
    %get3A_312 = vector.load %arg14[%get3A_310, %get3A_311] : memref<128x32xf32, #tpu.memory_space<vmem>>, vector<128x32xf32>
    %dot_general3A_313 = arith.constant dense<0.000000e+00> : vector<512x32xf32>
    %dot_general3A_314 = tpu.matmul %max3A_309, %get3A_312, %dot_general3A_313 {dimension_numbers = #tpu.dot_dimension_numbers<[1], [0], [0], [1], [0, 0, 1, 1], [], []>, transpose_lhs_hint = false} : vector<512x128xf32>, vector<128x32xf32>, vector<512x32xf32> -> vector<512x32xf32>
    %get3A_315 = arith.constant 0 : index
    %get3A_316 = arith.constant 0 : index
    %get3A_317 = vector.load %arg16[%get3A_315, %get3A_316] : memref<1x32xf32, #tpu.memory_space<vmem>>, vector<1x32xf32>
    %add3A_318 = vector.broadcast %get3A_317 : vector<1x32xf32> to vector<512x32xf32>
    %add3A_319 = arith.addf %dot_general3A_314, %add3A_318 : vector<512x32xf32>
    %get3A_320 = arith.constant 0 : index
    %get3A_321 = arith.constant 0 : index
    %get3A_322 = vector.load %arg15[%get3A_320, %get3A_321] : memref<32x128xf32, #tpu.memory_space<vmem>>, vector<32x128xf32>
    %dot_general3A_323 = arith.constant dense<0.000000e+00> : vector<32x512xf32>
    %dot_general3A_324 = tpu.matmul %get3A_322, %max3A_309, %dot_general3A_323 {dimension_numbers = #tpu.dot_dimension_numbers<[1], [1], [0], [0], [0, 0, 1, 0], [], []>, transpose_lhs_hint = false} : vector<32x128xf32>, vector<512x128xf32>, vector<32x512xf32> -> vector<32x512xf32>
    %get3A_325 = arith.constant 0 : index
    %get3A_326 = arith.constant 0 : index
    %get3A_327 = vector.load %arg17[%get3A_325, %get3A_326] : memref<1x32xf32, #tpu.memory_space<vmem>>, vector<1x32xf32>
    %broadcast_in_dim3A_328 = arith.constant 0.000000e+00 : f32
    %broadcast_in_dim3A_329 = vector.broadcast %broadcast_in_dim3A_328 : f32 to vector<512x512xf32>
    %get3A_330 = arith.constant 0 : index
    %get3A_331 = arith.constant 0 : index
    %get3A_332 = vector.load %arg18[%get3A_330, %get3A_331] : memref<1x1xf32, #tpu.memory_space<vmem>>, vector<1x1xf32>
    %get3A_333 = vector.extract %get3A_332[0, 0] : f32 from vector<1x1xf32>
    %add3A_334 = vector.broadcast %get3A_333 : f32 to vector<512x512xf32>
    %add3A_335 = arith.addf %broadcast_in_dim3A_329, %add3A_334 : vector<512x512xf32>
    %slice3A_336 = vector.extract_strided_slice %add3A_319 {offsets = [0, 0], sizes = [512, 1], strides = [1, 1]} : vector<512x32xf32> to vector<512x1xf32>
    %slice3A_337 = vector.extract_strided_slice %dot_general3A_324 {offsets = [0, 0], sizes = [1, 512], strides = [1, 1]} : vector<32x512xf32> to vector<1x512xf32>
    %add3A_338 = vector.broadcast %slice3A_336 : vector<512x1xf32> to vector<512x512xf32>
    %add3A_339 = vector.broadcast %slice3A_337 : vector<1x512xf32> to vector<512x512xf32>
    %add3A_340 = arith.addf %add3A_338, %add3A_339 : vector<512x512xf32>
    %max3A_341 = arith.constant 0.000000e+00 : f32
    %max3A_342 = vector.broadcast %max3A_341 : f32 to vector<512x512xf32>
    %max3A_343 = arith.maximumf %add3A_340, %max3A_342 : vector<512x512xf32>
    %slice3A_344 = vector.extract_strided_slice %get3A_327 {offsets = [0, 0], sizes = [1, 1], strides = [1, 1]} : vector<1x32xf32> to vector<1x1xf32>
    %mul3A_345 = vector.broadcast %slice3A_344 : vector<1x1xf32> to vector<512x512xf32>
    %mul3A_346 = arith.mulf %mul3A_345, %max3A_343 : vector<512x512xf32>
    %add3A_347 = arith.addf %add3A_335, %mul3A_346 : vector<512x512xf32>
    %slice3A_348 = vector.extract_strided_slice %add3A_319 {offsets = [0, 1], sizes = [512, 1], strides = [1, 1]} : vector<512x32xf32> to vector<512x1xf32>
    %slice3A_349 = vector.extract_strided_slice %dot_general3A_324 {offsets = [1, 0], sizes = [1, 512], strides = [1, 1]} : vector<32x512xf32> to vector<1x512xf32>
    %add3A_350 = vector.broadcast %slice3A_348 : vector<512x1xf32> to vector<512x512xf32>
    %add3A_351 = vector.broadcast %slice3A_349 : vector<1x512xf32> to vector<512x512xf32>
    %add3A_352 = arith.addf %add3A_350, %add3A_351 : vector<512x512xf32>
    %max3A_353 = arith.constant 0.000000e+00 : f32
    %max3A_354 = vector.broadcast %max3A_353 : f32 to vector<512x512xf32>
    %max3A_355 = arith.maximumf %add3A_352, %max3A_354 : vector<512x512xf32>
    %slice3A_356 = vector.extract_strided_slice %get3A_327 {offsets = [0, 1], sizes = [1, 1], strides = [1, 1]} : vector<1x32xf32> to vector<1x1xf32>
    %mul3A_357 = vector.broadcast %slice3A_356 : vector<1x1xf32> to vector<512x512xf32>
    %mul3A_358 = arith.mulf %mul3A_357, %max3A_355 : vector<512x512xf32>
    %add3A_359 = arith.addf %add3A_347, %mul3A_358 : vector<512x512xf32>
    %slice3A_360 = vector.extract_strided_slice %add3A_319 {offsets = [0, 2], sizes = [512, 1], strides = [1, 1]} : vector<512x32xf32> to vector<512x1xf32>
    %slice3A_361 = vector.extract_strided_slice %dot_general3A_324 {offsets = [2, 0], sizes = [1, 512], strides = [1, 1]} : vector<32x512xf32> to vector<1x512xf32>
    %add3A_362 = vector.broadcast %slice3A_360 : vector<512x1xf32> to vector<512x512xf32>
    %add3A_363 = vector.broadcast %slice3A_361 : vector<1x512xf32> to vector<512x512xf32>
    %add3A_364 = arith.addf %add3A_362, %add3A_363 : vector<512x512xf32>
    %max3A_365 = arith.constant 0.000000e+00 : f32
    %max3A_366 = vector.broadcast %max3A_365 : f32 to vector<512x512xf32>
    %max3A_367 = arith.maximumf %add3A_364, %max3A_366 : vector<512x512xf32>
    %slice3A_368 = vector.extract_strided_slice %get3A_327 {offsets = [0, 2], sizes = [1, 1], strides = [1, 1]} : vector<1x32xf32> to vector<1x1xf32>
    %mul3A_369 = vector.broadcast %slice3A_368 : vector<1x1xf32> to vector<512x512xf32>
    %mul3A_370 = arith.mulf %mul3A_369, %max3A_367 : vector<512x512xf32>
    %add3A_371 = arith.addf %add3A_359, %mul3A_370 : vector<512x512xf32>
    %slice3A_372 = vector.extract_strided_slice %add3A_319 {offsets = [0, 3], sizes = [512, 1], strides = [1, 1]} : vector<512x32xf32> to vector<512x1xf32>
    %slice3A_373 = vector.extract_strided_slice %dot_general3A_324 {offsets = [3, 0], sizes = [1, 512], strides = [1, 1]} : vector<32x512xf32> to vector<1x512xf32>
    %add3A_374 = vector.broadcast %slice3A_372 : vector<512x1xf32> to vector<512x512xf32>
    %add3A_375 = vector.broadcast %slice3A_373 : vector<1x512xf32> to vector<512x512xf32>
    %add3A_376 = arith.addf %add3A_374, %add3A_375 : vector<512x512xf32>
    %max3A_377 = arith.constant 0.000000e+00 : f32
    %max3A_378 = vector.broadcast %max3A_377 : f32 to vector<512x512xf32>
    %max3A_379 = arith.maximumf %add3A_376, %max3A_378 : vector<512x512xf32>
    %slice3A_380 = vector.extract_strided_slice %get3A_327 {offsets = [0, 3], sizes = [1, 1], strides = [1, 1]} : vector<1x32xf32> to vector<1x1xf32>
    %mul3A_381 = vector.broadcast %slice3A_380 : vector<1x1xf32> to vector<512x512xf32>
    %mul3A_382 = arith.mulf %mul3A_381, %max3A_379 : vector<512x512xf32>
    %add3A_383 = arith.addf %add3A_371, %mul3A_382 : vector<512x512xf32>
    %slice3A_384 = vector.extract_strided_slice %add3A_319 {offsets = [0, 4], sizes = [512, 1], strides = [1, 1]} : vector<512x32xf32> to vector<512x1xf32>
    %slice3A_385 = vector.extract_strided_slice %dot_general3A_324 {offsets = [4, 0], sizes = [1, 512], strides = [1, 1]} : vector<32x512xf32> to vector<1x512xf32>
    %add3A_386 = vector.broadcast %slice3A_384 : vector<512x1xf32> to vector<512x512xf32>
    %add3A_387 = vector.broadcast %slice3A_385 : vector<1x512xf32> to vector<512x512xf32>
    %add3A_388 = arith.addf %add3A_386, %add3A_387 : vector<512x512xf32>
    %max3A_389 = arith.constant 0.000000e+00 : f32
    %max3A_390 = vector.broadcast %max3A_389 : f32 to vector<512x512xf32>
    %max3A_391 = arith.maximumf %add3A_388, %max3A_390 : vector<512x512xf32>
    %slice3A_392 = vector.extract_strided_slice %get3A_327 {offsets = [0, 4], sizes = [1, 1], strides = [1, 1]} : vector<1x32xf32> to vector<1x1xf32>
    %mul3A_393 = vector.broadcast %slice3A_392 : vector<1x1xf32> to vector<512x512xf32>
    %mul3A_394 = arith.mulf %mul3A_393, %max3A_391 : vector<512x512xf32>
    %add3A_395 = arith.addf %add3A_383, %mul3A_394 : vector<512x512xf32>
    %slice3A_396 = vector.extract_strided_slice %add3A_319 {offsets = [0, 5], sizes = [512, 1], strides = [1, 1]} : vector<512x32xf32> to vector<512x1xf32>
    %slice3A_397 = vector.extract_strided_slice %dot_general3A_324 {offsets = [5, 0], sizes = [1, 512], strides = [1, 1]} : vector<32x512xf32> to vector<1x512xf32>
    %add3A_398 = vector.broadcast %slice3A_396 : vector<512x1xf32> to vector<512x512xf32>
    %add3A_399 = vector.broadcast %slice3A_397 : vector<1x512xf32> to vector<512x512xf32>
    %add3A_400 = arith.addf %add3A_398, %add3A_399 : vector<512x512xf32>
    %max3A_401 = arith.constant 0.000000e+00 : f32
    %max3A_402 = vector.broadcast %max3A_401 : f32 to vector<512x512xf32>
    %max3A_403 = arith.maximumf %add3A_400, %max3A_402 : vector<512x512xf32>
    %slice3A_404 = vector.extract_strided_slice %get3A_327 {offsets = [0, 5], sizes = [1, 1], strides = [1, 1]} : vector<1x32xf32> to vector<1x1xf32>
    %mul3A_405 = vector.broadcast %slice3A_404 : vector<1x1xf32> to vector<512x512xf32>
    %mul3A_406 = arith.mulf %mul3A_405, %max3A_403 : vector<512x512xf32>
    %add3A_407 = arith.addf %add3A_395, %mul3A_406 : vector<512x512xf32>
    %slice3A_408 = vector.extract_strided_slice %add3A_319 {offsets = [0, 6], sizes = [512, 1], strides = [1, 1]} : vector<512x32xf32> to vector<512x1xf32>
    %slice3A_409 = vector.extract_strided_slice %dot_general3A_324 {offsets = [6, 0], sizes = [1, 512], strides = [1, 1]} : vector<32x512xf32> to vector<1x512xf32>
    %add3A_410 = vector.broadcast %slice3A_408 : vector<512x1xf32> to vector<512x512xf32>
    %add3A_411 = vector.broadcast %slice3A_409 : vector<1x512xf32> to vector<512x512xf32>
    %add3A_412 = arith.addf %add3A_410, %add3A_411 : vector<512x512xf32>
    %max3A_413 = arith.constant 0.000000e+00 : f32
    %max3A_414 = vector.broadcast %max3A_413 : f32 to vector<512x512xf32>
    %max3A_415 = arith.maximumf %add3A_412, %max3A_414 : vector<512x512xf32>
    %slice3A_416 = vector.extract_strided_slice %get3A_327 {offsets = [0, 6], sizes = [1, 1], strides = [1, 1]} : vector<1x32xf32> to vector<1x1xf32>
    %mul3A_417 = vector.broadcast %slice3A_416 : vector<1x1xf32> to vector<512x512xf32>
    %mul3A_418 = arith.mulf %mul3A_417, %max3A_415 : vector<512x512xf32>
    %add3A_419 = arith.addf %add3A_407, %mul3A_418 : vector<512x512xf32>
    %slice3A_420 = vector.extract_strided_slice %add3A_319 {offsets = [0, 7], sizes = [512, 1], strides = [1, 1]} : vector<512x32xf32> to vector<512x1xf32>
    %slice3A_421 = vector.extract_strided_slice %dot_general3A_324 {offsets = [7, 0], sizes = [1, 512], strides = [1, 1]} : vector<32x512xf32> to vector<1x512xf32>
    %add3A_422 = vector.broadcast %slice3A_420 : vector<512x1xf32> to vector<512x512xf32>
    %add3A_423 = vector.broadcast %slice3A_421 : vector<1x512xf32> to vector<512x512xf32>
    %add3A_424 = arith.addf %add3A_422, %add3A_423 : vector<512x512xf32>
    %max3A_425 = arith.constant 0.000000e+00 : f32
    %max3A_426 = vector.broadcast %max3A_425 : f32 to vector<512x512xf32>
    %max3A_427 = arith.maximumf %add3A_424, %max3A_426 : vector<512x512xf32>
    %slice3A_428 = vector.extract_strided_slice %get3A_327 {offsets = [0, 7], sizes = [1, 1], strides = [1, 1]} : vector<1x32xf32> to vector<1x1xf32>
    %mul3A_429 = vector.broadcast %slice3A_428 : vector<1x1xf32> to vector<512x512xf32>
    %mul3A_430 = arith.mulf %mul3A_429, %max3A_427 : vector<512x512xf32>
    %add3A_431 = arith.addf %add3A_419, %mul3A_430 : vector<512x512xf32>
    %slice3A_432 = vector.extract_strided_slice %add3A_319 {offsets = [0, 8], sizes = [512, 1], strides = [1, 1]} : vector<512x32xf32> to vector<512x1xf32>
    %slice3A_433 = vector.extract_strided_slice %dot_general3A_324 {offsets = [8, 0], sizes = [1, 512], strides = [1, 1]} : vector<32x512xf32> to vector<1x512xf32>
    %add3A_434 = vector.broadcast %slice3A_432 : vector<512x1xf32> to vector<512x512xf32>
    %add3A_435 = vector.broadcast %slice3A_433 : vector<1x512xf32> to vector<512x512xf32>
    %add3A_436 = arith.addf %add3A_434, %add3A_435 : vector<512x512xf32>
    %max3A_437 = arith.constant 0.000000e+00 : f32
    %max3A_438 = vector.broadcast %max3A_437 : f32 to vector<512x512xf32>
    %max3A_439 = arith.maximumf %add3A_436, %max3A_438 : vector<512x512xf32>
    %slice3A_440 = vector.extract_strided_slice %get3A_327 {offsets = [0, 8], sizes = [1, 1], strides = [1, 1]} : vector<1x32xf32> to vector<1x1xf32>
    %mul3A_441 = vector.broadcast %slice3A_440 : vector<1x1xf32> to vector<512x512xf32>
    %mul3A_442 = arith.mulf %mul3A_441, %max3A_439 : vector<512x512xf32>
    %add3A_443 = arith.addf %add3A_431, %mul3A_442 : vector<512x512xf32>
    %slice3A_444 = vector.extract_strided_slice %add3A_319 {offsets = [0, 9], sizes = [512, 1], strides = [1, 1]} : vector<512x32xf32> to vector<512x1xf32>
    %slice3A_445 = vector.extract_strided_slice %dot_general3A_324 {offsets = [9, 0], sizes = [1, 512], strides = [1, 1]} : vector<32x512xf32> to vector<1x512xf32>
    %add3A_446 = vector.broadcast %slice3A_444 : vector<512x1xf32> to vector<512x512xf32>
    %add3A_447 = vector.broadcast %slice3A_445 : vector<1x512xf32> to vector<512x512xf32>
    %add3A_448 = arith.addf %add3A_446, %add3A_447 : vector<512x512xf32>
    %max3A_449 = arith.constant 0.000000e+00 : f32
    %max3A_450 = vector.broadcast %max3A_449 : f32 to vector<512x512xf32>
    %max3A_451 = arith.maximumf %add3A_448, %max3A_450 : vector<512x512xf32>
    %slice3A_452 = vector.extract_strided_slice %get3A_327 {offsets = [0, 9], sizes = [1, 1], strides = [1, 1]} : vector<1x32xf32> to vector<1x1xf32>
    %mul3A_453 = vector.broadcast %slice3A_452 : vector<1x1xf32> to vector<512x512xf32>
    %mul3A_454 = arith.mulf %mul3A_453, %max3A_451 : vector<512x512xf32>
    %add3A_455 = arith.addf %add3A_443, %mul3A_454 : vector<512x512xf32>
    %slice3A_456 = vector.extract_strided_slice %add3A_319 {offsets = [0, 10], sizes = [512, 1], strides = [1, 1]} : vector<512x32xf32> to vector<512x1xf32>
    %slice3A_457 = vector.extract_strided_slice %dot_general3A_324 {offsets = [10, 0], sizes = [1, 512], strides = [1, 1]} : vector<32x512xf32> to vector<1x512xf32>
    %add3A_458 = vector.broadcast %slice3A_456 : vector<512x1xf32> to vector<512x512xf32>
    %add3A_459 = vector.broadcast %slice3A_457 : vector<1x512xf32> to vector<512x512xf32>
    %add3A_460 = arith.addf %add3A_458, %add3A_459 : vector<512x512xf32>
    %max3A_461 = arith.constant 0.000000e+00 : f32
    %max3A_462 = vector.broadcast %max3A_461 : f32 to vector<512x512xf32>
    %max3A_463 = arith.maximumf %add3A_460, %max3A_462 : vector<512x512xf32>
    %slice3A_464 = vector.extract_strided_slice %get3A_327 {offsets = [0, 10], sizes = [1, 1], strides = [1, 1]} : vector<1x32xf32> to vector<1x1xf32>
    %mul3A_465 = vector.broadcast %slice3A_464 : vector<1x1xf32> to vector<512x512xf32>
    %mul3A_466 = arith.mulf %mul3A_465, %max3A_463 : vector<512x512xf32>
    %add3A_467 = arith.addf %add3A_455, %mul3A_466 : vector<512x512xf32>
    %slice3A_468 = vector.extract_strided_slice %add3A_319 {offsets = [0, 11], sizes = [512, 1], strides = [1, 1]} : vector<512x32xf32> to vector<512x1xf32>
    %slice3A_469 = vector.extract_strided_slice %dot_general3A_324 {offsets = [11, 0], sizes = [1, 512], strides = [1, 1]} : vector<32x512xf32> to vector<1x512xf32>
    %add3A_470 = vector.broadcast %slice3A_468 : vector<512x1xf32> to vector<512x512xf32>
    %add3A_471 = vector.broadcast %slice3A_469 : vector<1x512xf32> to vector<512x512xf32>
    %add3A_472 = arith.addf %add3A_470, %add3A_471 : vector<512x512xf32>
    %max3A_473 = arith.constant 0.000000e+00 : f32
    %max3A_474 = vector.broadcast %max3A_473 : f32 to vector<512x512xf32>
    %max3A_475 = arith.maximumf %add3A_472, %max3A_474 : vector<512x512xf32>
    %slice3A_476 = vector.extract_strided_slice %get3A_327 {offsets = [0, 11], sizes = [1, 1], strides = [1, 1]} : vector<1x32xf32> to vector<1x1xf32>
    %mul3A_477 = vector.broadcast %slice3A_476 : vector<1x1xf32> to vector<512x512xf32>
    %mul3A_478 = arith.mulf %mul3A_477, %max3A_475 : vector<512x512xf32>
    %add3A_479 = arith.addf %add3A_467, %mul3A_478 : vector<512x512xf32>
    %slice3A_480 = vector.extract_strided_slice %add3A_319 {offsets = [0, 12], sizes = [512, 1], strides = [1, 1]} : vector<512x32xf32> to vector<512x1xf32>
    %slice3A_481 = vector.extract_strided_slice %dot_general3A_324 {offsets = [12, 0], sizes = [1, 512], strides = [1, 1]} : vector<32x512xf32> to vector<1x512xf32>
    %add3A_482 = vector.broadcast %slice3A_480 : vector<512x1xf32> to vector<512x512xf32>
    %add3A_483 = vector.broadcast %slice3A_481 : vector<1x512xf32> to vector<512x512xf32>
    %add3A_484 = arith.addf %add3A_482, %add3A_483 : vector<512x512xf32>
    %max3A_485 = arith.constant 0.000000e+00 : f32
    %max3A_486 = vector.broadcast %max3A_485 : f32 to vector<512x512xf32>
    %max3A_487 = arith.maximumf %add3A_484, %max3A_486 : vector<512x512xf32>
    %slice3A_488 = vector.extract_strided_slice %get3A_327 {offsets = [0, 12], sizes = [1, 1], strides = [1, 1]} : vector<1x32xf32> to vector<1x1xf32>
    %mul3A_489 = vector.broadcast %slice3A_488 : vector<1x1xf32> to vector<512x512xf32>
    %mul3A_490 = arith.mulf %mul3A_489, %max3A_487 : vector<512x512xf32>
    %add3A_491 = arith.addf %add3A_479, %mul3A_490 : vector<512x512xf32>
    %slice3A_492 = vector.extract_strided_slice %add3A_319 {offsets = [0, 13], sizes = [512, 1], strides = [1, 1]} : vector<512x32xf32> to vector<512x1xf32>
    %slice3A_493 = vector.extract_strided_slice %dot_general3A_324 {offsets = [13, 0], sizes = [1, 512], strides = [1, 1]} : vector<32x512xf32> to vector<1x512xf32>
    %add3A_494 = vector.broadcast %slice3A_492 : vector<512x1xf32> to vector<512x512xf32>
    %add3A_495 = vector.broadcast %slice3A_493 : vector<1x512xf32> to vector<512x512xf32>
    %add3A_496 = arith.addf %add3A_494, %add3A_495 : vector<512x512xf32>
    %max3A_497 = arith.constant 0.000000e+00 : f32
    %max3A_498 = vector.broadcast %max3A_497 : f32 to vector<512x512xf32>
    %max3A_499 = arith.maximumf %add3A_496, %max3A_498 : vector<512x512xf32>
    %slice3A_500 = vector.extract_strided_slice %get3A_327 {offsets = [0, 13], sizes = [1, 1], strides = [1, 1]} : vector<1x32xf32> to vector<1x1xf32>
    %mul3A_501 = vector.broadcast %slice3A_500 : vector<1x1xf32> to vector<512x512xf32>
    %mul3A_502 = arith.mulf %mul3A_501, %max3A_499 : vector<512x512xf32>
    %add3A_503 = arith.addf %add3A_491, %mul3A_502 : vector<512x512xf32>
    %slice3A_504 = vector.extract_strided_slice %add3A_319 {offsets = [0, 14], sizes = [512, 1], strides = [1, 1]} : vector<512x32xf32> to vector<512x1xf32>
    %slice3A_505 = vector.extract_strided_slice %dot_general3A_324 {offsets = [14, 0], sizes = [1, 512], strides = [1, 1]} : vector<32x512xf32> to vector<1x512xf32>
    %add3A_506 = vector.broadcast %slice3A_504 : vector<512x1xf32> to vector<512x512xf32>
    %add3A_507 = vector.broadcast %slice3A_505 : vector<1x512xf32> to vector<512x512xf32>
    %add3A_508 = arith.addf %add3A_506, %add3A_507 : vector<512x512xf32>
    %max3A_509 = arith.constant 0.000000e+00 : f32
    %max3A_510 = vector.broadcast %max3A_509 : f32 to vector<512x512xf32>
    %max3A_511 = arith.maximumf %add3A_508, %max3A_510 : vector<512x512xf32>
    %slice3A_512 = vector.extract_strided_slice %get3A_327 {offsets = [0, 14], sizes = [1, 1], strides = [1, 1]} : vector<1x32xf32> to vector<1x1xf32>
    %mul3A_513 = vector.broadcast %slice3A_512 : vector<1x1xf32> to vector<512x512xf32>
    %mul3A_514 = arith.mulf %mul3A_513, %max3A_511 : vector<512x512xf32>
    %add3A_515 = arith.addf %add3A_503, %mul3A_514 : vector<512x512xf32>
    %slice3A_516 = vector.extract_strided_slice %add3A_319 {offsets = [0, 15], sizes = [512, 1], strides = [1, 1]} : vector<512x32xf32> to vector<512x1xf32>
    %slice3A_517 = vector.extract_strided_slice %dot_general3A_324 {offsets = [15, 0], sizes = [1, 512], strides = [1, 1]} : vector<32x512xf32> to vector<1x512xf32>
    %add3A_518 = vector.broadcast %slice3A_516 : vector<512x1xf32> to vector<512x512xf32>
    %add3A_519 = vector.broadcast %slice3A_517 : vector<1x512xf32> to vector<512x512xf32>
    %add3A_520 = arith.addf %add3A_518, %add3A_519 : vector<512x512xf32>
    %max3A_521 = arith.constant 0.000000e+00 : f32
    %max3A_522 = vector.broadcast %max3A_521 : f32 to vector<512x512xf32>
    %max3A_523 = arith.maximumf %add3A_520, %max3A_522 : vector<512x512xf32>
    %slice3A_524 = vector.extract_strided_slice %get3A_327 {offsets = [0, 15], sizes = [1, 1], strides = [1, 1]} : vector<1x32xf32> to vector<1x1xf32>
    %mul3A_525 = vector.broadcast %slice3A_524 : vector<1x1xf32> to vector<512x512xf32>
    %mul3A_526 = arith.mulf %mul3A_525, %max3A_523 : vector<512x512xf32>
    %add3A_527 = arith.addf %add3A_515, %mul3A_526 : vector<512x512xf32>
    %slice3A_528 = vector.extract_strided_slice %add3A_319 {offsets = [0, 16], sizes = [512, 1], strides = [1, 1]} : vector<512x32xf32> to vector<512x1xf32>
    %slice3A_529 = vector.extract_strided_slice %dot_general3A_324 {offsets = [16, 0], sizes = [1, 512], strides = [1, 1]} : vector<32x512xf32> to vector<1x512xf32>
    %add3A_530 = vector.broadcast %slice3A_528 : vector<512x1xf32> to vector<512x512xf32>
    %add3A_531 = vector.broadcast %slice3A_529 : vector<1x512xf32> to vector<512x512xf32>
    %add3A_532 = arith.addf %add3A_530, %add3A_531 : vector<512x512xf32>
    %max3A_533 = arith.constant 0.000000e+00 : f32
    %max3A_534 = vector.broadcast %max3A_533 : f32 to vector<512x512xf32>
    %max3A_535 = arith.maximumf %add3A_532, %max3A_534 : vector<512x512xf32>
    %slice3A_536 = vector.extract_strided_slice %get3A_327 {offsets = [0, 16], sizes = [1, 1], strides = [1, 1]} : vector<1x32xf32> to vector<1x1xf32>
    %mul3A_537 = vector.broadcast %slice3A_536 : vector<1x1xf32> to vector<512x512xf32>
    %mul3A_538 = arith.mulf %mul3A_537, %max3A_535 : vector<512x512xf32>
    %add3A_539 = arith.addf %add3A_527, %mul3A_538 : vector<512x512xf32>
    %slice3A_540 = vector.extract_strided_slice %add3A_319 {offsets = [0, 17], sizes = [512, 1], strides = [1, 1]} : vector<512x32xf32> to vector<512x1xf32>
    %slice3A_541 = vector.extract_strided_slice %dot_general3A_324 {offsets = [17, 0], sizes = [1, 512], strides = [1, 1]} : vector<32x512xf32> to vector<1x512xf32>
    %add3A_542 = vector.broadcast %slice3A_540 : vector<512x1xf32> to vector<512x512xf32>
    %add3A_543 = vector.broadcast %slice3A_541 : vector<1x512xf32> to vector<512x512xf32>
    %add3A_544 = arith.addf %add3A_542, %add3A_543 : vector<512x512xf32>
    %max3A_545 = arith.constant 0.000000e+00 : f32
    %max3A_546 = vector.broadcast %max3A_545 : f32 to vector<512x512xf32>
    %max3A_547 = arith.maximumf %add3A_544, %max3A_546 : vector<512x512xf32>
    %slice3A_548 = vector.extract_strided_slice %get3A_327 {offsets = [0, 17], sizes = [1, 1], strides = [1, 1]} : vector<1x32xf32> to vector<1x1xf32>
    %mul3A_549 = vector.broadcast %slice3A_548 : vector<1x1xf32> to vector<512x512xf32>
    %mul3A_550 = arith.mulf %mul3A_549, %max3A_547 : vector<512x512xf32>
    %add3A_551 = arith.addf %add3A_539, %mul3A_550 : vector<512x512xf32>
    %slice3A_552 = vector.extract_strided_slice %add3A_319 {offsets = [0, 18], sizes = [512, 1], strides = [1, 1]} : vector<512x32xf32> to vector<512x1xf32>
    %slice3A_553 = vector.extract_strided_slice %dot_general3A_324 {offsets = [18, 0], sizes = [1, 512], strides = [1, 1]} : vector<32x512xf32> to vector<1x512xf32>
    %add3A_554 = vector.broadcast %slice3A_552 : vector<512x1xf32> to vector<512x512xf32>
    %add3A_555 = vector.broadcast %slice3A_553 : vector<1x512xf32> to vector<512x512xf32>
    %add3A_556 = arith.addf %add3A_554, %add3A_555 : vector<512x512xf32>
    %max3A_557 = arith.constant 0.000000e+00 : f32
    %max3A_558 = vector.broadcast %max3A_557 : f32 to vector<512x512xf32>
    %max3A_559 = arith.maximumf %add3A_556, %max3A_558 : vector<512x512xf32>
    %slice3A_560 = vector.extract_strided_slice %get3A_327 {offsets = [0, 18], sizes = [1, 1], strides = [1, 1]} : vector<1x32xf32> to vector<1x1xf32>
    %mul3A_561 = vector.broadcast %slice3A_560 : vector<1x1xf32> to vector<512x512xf32>
    %mul3A_562 = arith.mulf %mul3A_561, %max3A_559 : vector<512x512xf32>
    %add3A_563 = arith.addf %add3A_551, %mul3A_562 : vector<512x512xf32>
    %slice3A_564 = vector.extract_strided_slice %add3A_319 {offsets = [0, 19], sizes = [512, 1], strides = [1, 1]} : vector<512x32xf32> to vector<512x1xf32>
    %slice3A_565 = vector.extract_strided_slice %dot_general3A_324 {offsets = [19, 0], sizes = [1, 512], strides = [1, 1]} : vector<32x512xf32> to vector<1x512xf32>
    %add3A_566 = vector.broadcast %slice3A_564 : vector<512x1xf32> to vector<512x512xf32>
    %add3A_567 = vector.broadcast %slice3A_565 : vector<1x512xf32> to vector<512x512xf32>
    %add3A_568 = arith.addf %add3A_566, %add3A_567 : vector<512x512xf32>
    %max3A_569 = arith.constant 0.000000e+00 : f32
    %max3A_570 = vector.broadcast %max3A_569 : f32 to vector<512x512xf32>
    %max3A_571 = arith.maximumf %add3A_568, %max3A_570 : vector<512x512xf32>
    %slice3A_572 = vector.extract_strided_slice %get3A_327 {offsets = [0, 19], sizes = [1, 1], strides = [1, 1]} : vector<1x32xf32> to vector<1x1xf32>
    %mul3A_573 = vector.broadcast %slice3A_572 : vector<1x1xf32> to vector<512x512xf32>
    %mul3A_574 = arith.mulf %mul3A_573, %max3A_571 : vector<512x512xf32>
    %add3A_575 = arith.addf %add3A_563, %mul3A_574 : vector<512x512xf32>
    %slice3A_576 = vector.extract_strided_slice %add3A_319 {offsets = [0, 20], sizes = [512, 1], strides = [1, 1]} : vector<512x32xf32> to vector<512x1xf32>
    %slice3A_577 = vector.extract_strided_slice %dot_general3A_324 {offsets = [20, 0], sizes = [1, 512], strides = [1, 1]} : vector<32x512xf32> to vector<1x512xf32>
    %add3A_578 = vector.broadcast %slice3A_576 : vector<512x1xf32> to vector<512x512xf32>
    %add3A_579 = vector.broadcast %slice3A_577 : vector<1x512xf32> to vector<512x512xf32>
    %add3A_580 = arith.addf %add3A_578, %add3A_579 : vector<512x512xf32>
    %max3A_581 = arith.constant 0.000000e+00 : f32
    %max3A_582 = vector.broadcast %max3A_581 : f32 to vector<512x512xf32>
    %max3A_583 = arith.maximumf %add3A_580, %max3A_582 : vector<512x512xf32>
    %slice3A_584 = vector.extract_strided_slice %get3A_327 {offsets = [0, 20], sizes = [1, 1], strides = [1, 1]} : vector<1x32xf32> to vector<1x1xf32>
    %mul3A_585 = vector.broadcast %slice3A_584 : vector<1x1xf32> to vector<512x512xf32>
    %mul3A_586 = arith.mulf %mul3A_585, %max3A_583 : vector<512x512xf32>
    %add3A_587 = arith.addf %add3A_575, %mul3A_586 : vector<512x512xf32>
    %slice3A_588 = vector.extract_strided_slice %add3A_319 {offsets = [0, 21], sizes = [512, 1], strides = [1, 1]} : vector<512x32xf32> to vector<512x1xf32>
    %slice3A_589 = vector.extract_strided_slice %dot_general3A_324 {offsets = [21, 0], sizes = [1, 512], strides = [1, 1]} : vector<32x512xf32> to vector<1x512xf32>
    %add3A_590 = vector.broadcast %slice3A_588 : vector<512x1xf32> to vector<512x512xf32>
    %add3A_591 = vector.broadcast %slice3A_589 : vector<1x512xf32> to vector<512x512xf32>
    %add3A_592 = arith.addf %add3A_590, %add3A_591 : vector<512x512xf32>
    %max3A_593 = arith.constant 0.000000e+00 : f32
    %max3A_594 = vector.broadcast %max3A_593 : f32 to vector<512x512xf32>
    %max3A_595 = arith.maximumf %add3A_592, %max3A_594 : vector<512x512xf32>
    %slice3A_596 = vector.extract_strided_slice %get3A_327 {offsets = [0, 21], sizes = [1, 1], strides = [1, 1]} : vector<1x32xf32> to vector<1x1xf32>
    %mul3A_597 = vector.broadcast %slice3A_596 : vector<1x1xf32> to vector<512x512xf32>
    %mul3A_598 = arith.mulf %mul3A_597, %max3A_595 : vector<512x512xf32>
    %add3A_599 = arith.addf %add3A_587, %mul3A_598 : vector<512x512xf32>
    %slice3A_600 = vector.extract_strided_slice %add3A_319 {offsets = [0, 22], sizes = [512, 1], strides = [1, 1]} : vector<512x32xf32> to vector<512x1xf32>
    %slice3A_601 = vector.extract_strided_slice %dot_general3A_324 {offsets = [22, 0], sizes = [1, 512], strides = [1, 1]} : vector<32x512xf32> to vector<1x512xf32>
    %add3A_602 = vector.broadcast %slice3A_600 : vector<512x1xf32> to vector<512x512xf32>
    %add3A_603 = vector.broadcast %slice3A_601 : vector<1x512xf32> to vector<512x512xf32>
    %add3A_604 = arith.addf %add3A_602, %add3A_603 : vector<512x512xf32>
    %max3A_605 = arith.constant 0.000000e+00 : f32
    %max3A_606 = vector.broadcast %max3A_605 : f32 to vector<512x512xf32>
    %max3A_607 = arith.maximumf %add3A_604, %max3A_606 : vector<512x512xf32>
    %slice3A_608 = vector.extract_strided_slice %get3A_327 {offsets = [0, 22], sizes = [1, 1], strides = [1, 1]} : vector<1x32xf32> to vector<1x1xf32>
    %mul3A_609 = vector.broadcast %slice3A_608 : vector<1x1xf32> to vector<512x512xf32>
    %mul3A_610 = arith.mulf %mul3A_609, %max3A_607 : vector<512x512xf32>
    %add3A_611 = arith.addf %add3A_599, %mul3A_610 : vector<512x512xf32>
    %slice3A_612 = vector.extract_strided_slice %add3A_319 {offsets = [0, 23], sizes = [512, 1], strides = [1, 1]} : vector<512x32xf32> to vector<512x1xf32>
    %slice3A_613 = vector.extract_strided_slice %dot_general3A_324 {offsets = [23, 0], sizes = [1, 512], strides = [1, 1]} : vector<32x512xf32> to vector<1x512xf32>
    %add3A_614 = vector.broadcast %slice3A_612 : vector<512x1xf32> to vector<512x512xf32>
    %add3A_615 = vector.broadcast %slice3A_613 : vector<1x512xf32> to vector<512x512xf32>
    %add3A_616 = arith.addf %add3A_614, %add3A_615 : vector<512x512xf32>
    %max3A_617 = arith.constant 0.000000e+00 : f32
    %max3A_618 = vector.broadcast %max3A_617 : f32 to vector<512x512xf32>
    %max3A_619 = arith.maximumf %add3A_616, %max3A_618 : vector<512x512xf32>
    %slice3A_620 = vector.extract_strided_slice %get3A_327 {offsets = [0, 23], sizes = [1, 1], strides = [1, 1]} : vector<1x32xf32> to vector<1x1xf32>
    %mul3A_621 = vector.broadcast %slice3A_620 : vector<1x1xf32> to vector<512x512xf32>
    %mul3A_622 = arith.mulf %mul3A_621, %max3A_619 : vector<512x512xf32>
    %add3A_623 = arith.addf %add3A_611, %mul3A_622 : vector<512x512xf32>
    %slice3A_624 = vector.extract_strided_slice %add3A_319 {offsets = [0, 24], sizes = [512, 1], strides = [1, 1]} : vector<512x32xf32> to vector<512x1xf32>
    %slice3A_625 = vector.extract_strided_slice %dot_general3A_324 {offsets = [24, 0], sizes = [1, 512], strides = [1, 1]} : vector<32x512xf32> to vector<1x512xf32>
    %add3A_626 = vector.broadcast %slice3A_624 : vector<512x1xf32> to vector<512x512xf32>
    %add3A_627 = vector.broadcast %slice3A_625 : vector<1x512xf32> to vector<512x512xf32>
    %add3A_628 = arith.addf %add3A_626, %add3A_627 : vector<512x512xf32>
    %max3A_629 = arith.constant 0.000000e+00 : f32
    %max3A_630 = vector.broadcast %max3A_629 : f32 to vector<512x512xf32>
    %max3A_631 = arith.maximumf %add3A_628, %max3A_630 : vector<512x512xf32>
    %slice3A_632 = vector.extract_strided_slice %get3A_327 {offsets = [0, 24], sizes = [1, 1], strides = [1, 1]} : vector<1x32xf32> to vector<1x1xf32>
    %mul3A_633 = vector.broadcast %slice3A_632 : vector<1x1xf32> to vector<512x512xf32>
    %mul3A_634 = arith.mulf %mul3A_633, %max3A_631 : vector<512x512xf32>
    %add3A_635 = arith.addf %add3A_623, %mul3A_634 : vector<512x512xf32>
    %slice3A_636 = vector.extract_strided_slice %add3A_319 {offsets = [0, 25], sizes = [512, 1], strides = [1, 1]} : vector<512x32xf32> to vector<512x1xf32>
    %slice3A_637 = vector.extract_strided_slice %dot_general3A_324 {offsets = [25, 0], sizes = [1, 512], strides = [1, 1]} : vector<32x512xf32> to vector<1x512xf32>
    %add3A_638 = vector.broadcast %slice3A_636 : vector<512x1xf32> to vector<512x512xf32>
    %add3A_639 = vector.broadcast %slice3A_637 : vector<1x512xf32> to vector<512x512xf32>
    %add3A_640 = arith.addf %add3A_638, %add3A_639 : vector<512x512xf32>
    %max3A_641 = arith.constant 0.000000e+00 : f32
    %max3A_642 = vector.broadcast %max3A_641 : f32 to vector<512x512xf32>
    %max3A_643 = arith.maximumf %add3A_640, %max3A_642 : vector<512x512xf32>
    %slice3A_644 = vector.extract_strided_slice %get3A_327 {offsets = [0, 25], sizes = [1, 1], strides = [1, 1]} : vector<1x32xf32> to vector<1x1xf32>
    %mul3A_645 = vector.broadcast %slice3A_644 : vector<1x1xf32> to vector<512x512xf32>
    %mul3A_646 = arith.mulf %mul3A_645, %max3A_643 : vector<512x512xf32>
    %add3A_647 = arith.addf %add3A_635, %mul3A_646 : vector<512x512xf32>
    %slice3A_648 = vector.extract_strided_slice %add3A_319 {offsets = [0, 26], sizes = [512, 1], strides = [1, 1]} : vector<512x32xf32> to vector<512x1xf32>
    %slice3A_649 = vector.extract_strided_slice %dot_general3A_324 {offsets = [26, 0], sizes = [1, 512], strides = [1, 1]} : vector<32x512xf32> to vector<1x512xf32>
    %add3A_650 = vector.broadcast %slice3A_648 : vector<512x1xf32> to vector<512x512xf32>
    %add3A_651 = vector.broadcast %slice3A_649 : vector<1x512xf32> to vector<512x512xf32>
    %add3A_652 = arith.addf %add3A_650, %add3A_651 : vector<512x512xf32>
    %max3A_653 = arith.constant 0.000000e+00 : f32
    %max3A_654 = vector.broadcast %max3A_653 : f32 to vector<512x512xf32>
    %max3A_655 = arith.maximumf %add3A_652, %max3A_654 : vector<512x512xf32>
    %slice3A_656 = vector.extract_strided_slice %get3A_327 {offsets = [0, 26], sizes = [1, 1], strides = [1, 1]} : vector<1x32xf32> to vector<1x1xf32>
    %mul3A_657 = vector.broadcast %slice3A_656 : vector<1x1xf32> to vector<512x512xf32>
    %mul3A_658 = arith.mulf %mul3A_657, %max3A_655 : vector<512x512xf32>
    %add3A_659 = arith.addf %add3A_647, %mul3A_658 : vector<512x512xf32>
    %slice3A_660 = vector.extract_strided_slice %add3A_319 {offsets = [0, 27], sizes = [512, 1], strides = [1, 1]} : vector<512x32xf32> to vector<512x1xf32>
    %slice3A_661 = vector.extract_strided_slice %dot_general3A_324 {offsets = [27, 0], sizes = [1, 512], strides = [1, 1]} : vector<32x512xf32> to vector<1x512xf32>
    %add3A_662 = vector.broadcast %slice3A_660 : vector<512x1xf32> to vector<512x512xf32>
    %add3A_663 = vector.broadcast %slice3A_661 : vector<1x512xf32> to vector<512x512xf32>
    %add3A_664 = arith.addf %add3A_662, %add3A_663 : vector<512x512xf32>
    %max3A_665 = arith.constant 0.000000e+00 : f32
    %max3A_666 = vector.broadcast %max3A_665 : f32 to vector<512x512xf32>
    %max3A_667 = arith.maximumf %add3A_664, %max3A_666 : vector<512x512xf32>
    %slice3A_668 = vector.extract_strided_slice %get3A_327 {offsets = [0, 27], sizes = [1, 1], strides = [1, 1]} : vector<1x32xf32> to vector<1x1xf32>
    %mul3A_669 = vector.broadcast %slice3A_668 : vector<1x1xf32> to vector<512x512xf32>
    %mul3A_670 = arith.mulf %mul3A_669, %max3A_667 : vector<512x512xf32>
    %add3A_671 = arith.addf %add3A_659, %mul3A_670 : vector<512x512xf32>
    %slice3A_672 = vector.extract_strided_slice %add3A_319 {offsets = [0, 28], sizes = [512, 1], strides = [1, 1]} : vector<512x32xf32> to vector<512x1xf32>
    %slice3A_673 = vector.extract_strided_slice %dot_general3A_324 {offsets = [28, 0], sizes = [1, 512], strides = [1, 1]} : vector<32x512xf32> to vector<1x512xf32>
    %add3A_674 = vector.broadcast %slice3A_672 : vector<512x1xf32> to vector<512x512xf32>
    %add3A_675 = vector.broadcast %slice3A_673 : vector<1x512xf32> to vector<512x512xf32>
    %add3A_676 = arith.addf %add3A_674, %add3A_675 : vector<512x512xf32>
    %max3A_677 = arith.constant 0.000000e+00 : f32
    %max3A_678 = vector.broadcast %max3A_677 : f32 to vector<512x512xf32>
    %max3A_679 = arith.maximumf %add3A_676, %max3A_678 : vector<512x512xf32>
    %slice3A_680 = vector.extract_strided_slice %get3A_327 {offsets = [0, 28], sizes = [1, 1], strides = [1, 1]} : vector<1x32xf32> to vector<1x1xf32>
    %mul3A_681 = vector.broadcast %slice3A_680 : vector<1x1xf32> to vector<512x512xf32>
    %mul3A_682 = arith.mulf %mul3A_681, %max3A_679 : vector<512x512xf32>
    %add3A_683 = arith.addf %add3A_671, %mul3A_682 : vector<512x512xf32>
    %slice3A_684 = vector.extract_strided_slice %add3A_319 {offsets = [0, 29], sizes = [512, 1], strides = [1, 1]} : vector<512x32xf32> to vector<512x1xf32>
    %slice3A_685 = vector.extract_strided_slice %dot_general3A_324 {offsets = [29, 0], sizes = [1, 512], strides = [1, 1]} : vector<32x512xf32> to vector<1x512xf32>
    %add3A_686 = vector.broadcast %slice3A_684 : vector<512x1xf32> to vector<512x512xf32>
    %add3A_687 = vector.broadcast %slice3A_685 : vector<1x512xf32> to vector<512x512xf32>
    %add3A_688 = arith.addf %add3A_686, %add3A_687 : vector<512x512xf32>
    %max3A_689 = arith.constant 0.000000e+00 : f32
    %max3A_690 = vector.broadcast %max3A_689 : f32 to vector<512x512xf32>
    %max3A_691 = arith.maximumf %add3A_688, %max3A_690 : vector<512x512xf32>
    %slice3A_692 = vector.extract_strided_slice %get3A_327 {offsets = [0, 29], sizes = [1, 1], strides = [1, 1]} : vector<1x32xf32> to vector<1x1xf32>
    %mul3A_693 = vector.broadcast %slice3A_692 : vector<1x1xf32> to vector<512x512xf32>
    %mul3A_694 = arith.mulf %mul3A_693, %max3A_691 : vector<512x512xf32>
    %add3A_695 = arith.addf %add3A_683, %mul3A_694 : vector<512x512xf32>
    %slice3A_696 = vector.extract_strided_slice %add3A_319 {offsets = [0, 30], sizes = [512, 1], strides = [1, 1]} : vector<512x32xf32> to vector<512x1xf32>
    %slice3A_697 = vector.extract_strided_slice %dot_general3A_324 {offsets = [30, 0], sizes = [1, 512], strides = [1, 1]} : vector<32x512xf32> to vector<1x512xf32>
    %add3A_698 = vector.broadcast %slice3A_696 : vector<512x1xf32> to vector<512x512xf32>
    %add3A_699 = vector.broadcast %slice3A_697 : vector<1x512xf32> to vector<512x512xf32>
    %add3A_700 = arith.addf %add3A_698, %add3A_699 : vector<512x512xf32>
    %max3A_701 = arith.constant 0.000000e+00 : f32
    %max3A_702 = vector.broadcast %max3A_701 : f32 to vector<512x512xf32>
    %max3A_703 = arith.maximumf %add3A_700, %max3A_702 : vector<512x512xf32>
    %slice3A_704 = vector.extract_strided_slice %get3A_327 {offsets = [0, 30], sizes = [1, 1], strides = [1, 1]} : vector<1x32xf32> to vector<1x1xf32>
    %mul3A_705 = vector.broadcast %slice3A_704 : vector<1x1xf32> to vector<512x512xf32>
    %mul3A_706 = arith.mulf %mul3A_705, %max3A_703 : vector<512x512xf32>
    %add3A_707 = arith.addf %add3A_695, %mul3A_706 : vector<512x512xf32>
    %slice3A_708 = vector.extract_strided_slice %add3A_319 {offsets = [0, 31], sizes = [512, 1], strides = [1, 1]} : vector<512x32xf32> to vector<512x1xf32>
    %slice3A_709 = vector.extract_strided_slice %dot_general3A_324 {offsets = [31, 0], sizes = [1, 512], strides = [1, 1]} : vector<32x512xf32> to vector<1x512xf32>
    %add3A_710 = vector.broadcast %slice3A_708 : vector<512x1xf32> to vector<512x512xf32>
    %add3A_711 = vector.broadcast %slice3A_709 : vector<1x512xf32> to vector<512x512xf32>
    %add3A_712 = arith.addf %add3A_710, %add3A_711 : vector<512x512xf32>
    %max3A_713 = arith.constant 0.000000e+00 : f32
    %max3A_714 = vector.broadcast %max3A_713 : f32 to vector<512x512xf32>
    %max3A_715 = arith.maximumf %add3A_712, %max3A_714 : vector<512x512xf32>
    %slice3A_716 = vector.extract_strided_slice %get3A_327 {offsets = [0, 31], sizes = [1, 1], strides = [1, 1]} : vector<1x32xf32> to vector<1x1xf32>
    %mul3A_717 = vector.broadcast %slice3A_716 : vector<1x1xf32> to vector<512x512xf32>
    %mul3A_718 = arith.mulf %mul3A_717, %max3A_715 : vector<512x512xf32>
    %add3A_719 = arith.addf %add3A_707, %mul3A_718 : vector<512x512xf32>
    %swap3A = arith.constant 0 : index
    %swap3A_720 = arith.constant 0 : index
    %swap3A_721 = vector.load %arg19[%swap3A, %swap3A_720] : memref<512x512xf32, #tpu.memory_space<vmem>>, vector<512x512xf32>
    tpu.vector_store %arg19[%swap3A, %swap3A_720], %add3A_719 {strides = array<i32>} : memref<512x512xf32, #tpu.memory_space<vmem>>, vector<512x512xf32>,
    return
  }
}

</mosaic_0001>

<sc_bundles>
// kernel: kernel.4.cloned.1.call-start
scs
__scs_entry_jumppad:
0x0: {  	(pc) =	sbr.rel $0x88, $3  }
0x1: {  	(tag) =	ssettag $0x0;
	lr =	simm.s32 $0x1  }
0x2: {  	[smem:$0x3F8F] =	sst lr;
	_ =	strace $0xD0000000  }
0x3: {  	_ = 	snop  }
0x4: {  	_ = 	snop  }
0x5: {  	_ = 	snop  }
0x6: {  	_ = 	snop  }
0x7: {  	_ = 	snop  }
__scs_overlays_trampoline_lowered:
0x8: {  	[smem:$0x3F9E] =	sst s0  }
0x9: {  	[smem:$0x3F9F] =	sst s1  }
0xa: {  	[smem:$0x3FA0] =	sst s2  }
0xb: {  	[smem:$0x3FA1] =	sst s3  }
0xc: {  	[smem:$0x3FA2] =	sst s4  }
0xd: {  	[smem:$0x3FA3] =	sst s5  }
0xe: {  	[smem:$0x3FA4] =	sst s6  }
0xf: {  	[smem:$0x3FA5] =	sst s7  }
0x10: {  	[smem:$0x3FA6] =	sst s8  }
0x11: {  	[smem:$0x3FA7] =	sst s9;
	s0 =	simm.s32 @!p0 $0x0  }
0x12: {  	s1 =	sld [smem:$0x3F8D];
	s0 =	simm.s32 @p0 $0x1  }
0x13: {  	[smem:$0x3FA8] =	sst s0;
	s0 =	simm.s32 @!p1 $0x0  }
0x14: {  	s2 =	sld [smem:$0x3F8C];
	s0 =	simm.s32 @p1 $0x1  }
0x15: {  	[smem:$0x3FA9] =	sst s0;
	s0 =	simm.s32 @!p2 $0x0  }
0x16: {  	s3 =	sld [smem:$0x3FDB];
	s0 =	simm.s32 @p2 $0x1  }
0x17: {  	s4 =	simm.s32 $0x1BF5;
	[smem:$0x3FAB] =	sst s0  }
0x18: {  	s0 =	sld [smem:$0x3F8E];
	_ =	swait.ge [sflag:s4], $0x0  }
0x19: {  	s7 =	sld [smem:$0x3F8F]  }
0x1a: {  	s8 =	sadd.s32 $0xFFFFE003, lr  }
0x1b: {  	s9 =	sadd.s32 $0xFFFFFEF7, lr;
	s5 =	simm.s32 $0xFFFFFFFF;
	p2 =	slt.u32 s8, $0xFFFFF086  }
0x1c: {  	p1 =	slt.u32 s9, $0xF7A;
	s5 =	simm.s32 @!p2 $0x0  }
0x1d: {  	s5 =	simm.s32 @p1 $0x1;
	p0 =	seq.s32 s7, s2  }
0x1e: {  	s7 =	smul.u32 @!p0 $0xF7A, s2;
	p2 =	seq.s32 @!p0 s5, $0x0  }
0x1f: {  	s9 =	smul.u32 $0xF7A, s1;
	s8 =	simm.s32 @!p0 $0x1BF5;
	p2 =	por !p2, p0  }
0x20: {  	[sflag:s8] =	ssyncset.s32 @!p0 $0xFFFFF086;
	s6 =	sadd.s32 @!p0 s3, s7;
	s7 =	simm.s32 @!p0 $0x108  }
0x21: {  	s3 =	sadd.s32 s3, s9;
	s6 =	sadd.s32 @!p0 $0x88, s6;
	s7 =	simm.s32 @p2 $0x1082  }
0x22: {  	[simem:s7], [sflag:s8] =	dma.local @!p0 [hbm:s6], $0xF7A  }
0x23: {  	s9 =	sor.u32 $0xD0000000, s2;
	s6 =	simm.s32 $0x108;
	_ =	swait.ge @!p0 [sflag:s8], $0x0  }
0x24: {  	s3 =	sadd.s32 $0x88, s3;
	s6 =	simm.s32 @!p1 $0x1082;
	[sflag:s4] =	ssyncset.s32 $0xFFFFF086  }
0x25: {  	[simem:s6], [sflag:s4] =	dma.local [hbm:s3], $0xF7A  }
0x26: {  	[smem:$0x3F8F] =	sst s1;
	(tag) =	ssettag s2;
	_ =	strace s9  }
0x27: {  	s1 =	sld [smem:$0x3F9F]  }
0x28: {  	s2 =	sld [smem:$0x3FA0]  }
0x29: {  	s4 =	sld [smem:$0x3FA2]  }
0x2a: {  	p0 =	seq.s32 s5, $0x0;
	s5 =	sld [smem:$0x3FA3]  }
0x2b: {  	s6 =	sld [smem:$0x3FA4]  }
0x2c: {  	s7 =	sld [smem:$0x3FA5]  }
0x2d: {  	s3 =	simm.s32 $0x108;
	s8 =	sld [smem:$0x3FA6]  }
0x2e: {  	s3 =	simm.s32 @!p0 $0x1082;
	s9 =	sld [smem:$0x3FA7]  }
0x2f: {  	lr =	sadd.s32 s0, s3;
	s0 =	sld [smem:$0x3F9E]  }
0x30: {  	s3 =	sld [smem:$0x3FA1]  }
0x31: {  	[smem:$0x3FAA] =	sst s10  }
0x32: {  	s10 =	sld [smem:$0x3FA8];
	_ =	sdelay $0x3  }
0x33: {  	p0 =	seq.s32 s10, $0x1;
	s10 =	sld [smem:$0x3FAA];
	_ =	sdelay $0x3  }
0x34: {  	[smem:$0x3FAA] =	sst s10  }
0x35: {  	s10 =	sld [smem:$0x3FA9];
	_ =	sdelay $0x3  }
0x36: {  	p1 =	seq.s32 s10, $0x1;
	s10 =	sld [smem:$0x3FAA];
	_ =	sdelay $0x3  }
0x37: {  	[smem:$0x3FAA] =	sst s10  }
0x38: {  	s10 =	sld [smem:$0x3FAB]  }
0x39: {  	_ = 	snop;
	(pc) =	sbr.ind lr, $3  }
0x3a: {  	_ = 	snop  }
0x3b: {  	_ = 	snop  }
0x3c: {  	p2 =	seq.s32 s10, $0x1;
	s10 =	sld [smem:$0x3FAA]  }
0x3d: {  	_ =	shalt  }
0x3e: {  	_ =	shalt  }
0x3f: {  	_ =	shalt  }
0x40: {  	_ =	shalt  }
0x41: {  	_ =	shalt  }
0x42: {  	_ =	shalt  }
0x43: {  	_ =	shalt  }
0x44: {  	_ =	shalt  }
0x45: {  	_ =	shalt  }
0x46: {  	_ =	shalt  }
0x47: {  	_ =	shalt  }
0x48: {  	_ =	shalt  }
0x49: {  	_ =	shalt  }
0x4a: {  	_ =	shalt  }
0x4b: {  	_ =	shalt  }
0x4c: {  	_ =	shalt  }
0x4d: {  	_ =	shalt  }
0x4e: {  	_ =	shalt  }
0x4f: {  	_ =	shalt  }
0x50: {  	_ =	shalt  }
0x51: {  	_ =	shalt  }
0x52: {  	_ =	shalt  }
0x53: {  	_ =	shalt  }
0x54: {  	_ =	shalt  }
0x55: {  	_ =	shalt  }
0x56: {  	_ =	shalt  }
0x57: {  	_ =	shalt  }
0x58: {  	_ =	shalt  }
0x59: {  	_ =	shalt  }
0x5a: {  	_ =	shalt  }
0x5b: {  	_ =	shalt  }
0x5c: {  	_ =	shalt  }
0x5d: {  	_ =	shalt  }
0x5e: {  	_ =	shalt  }
0x5f: {  	_ =	shalt  }
0x60: {  	_ =	shalt  }
0x61: {  	_ =	shalt  }
0x62: {  	_ =	shalt  }
0x63: {  	_ =	shalt  }
0x64: {  	_ =	shalt  }
0x65: {  	_ =	shalt  }
0x66: {  	_ =	shalt  }
0x67: {  	_ =	shalt  }
0x68: {  	_ =	shalt  }
0x69: {  	_ =	shalt  }
0x6a: {  	_ =	shalt  }
0x6b: {  	_ =	shalt  }
0x6c: {  	_ =	shalt  }
0x6d: {  	_ =	shalt  }
0x6e: {  	_ =	shalt  }
0x6f: {  	_ =	shalt  }
0x70: {  	_ =	shalt  }
0x71: {  	_ =	shalt  }
0x72: {  	_ =	shalt  }
0x73: {  	_ =	shalt  }
0x74: {  	_ =	shalt  }
0x75: {  	_ =	shalt  }
0x76: {  	_ =	shalt  }
0x77: {  	_ =	shalt  }
0x78: {  	_ =	shalt  }
0x79: {  	_ =	shalt  }
0x7a: {  	_ =	shalt  }
0x7b: {  	_ =	shalt  }
0x7c: {  	_ =	shalt  }
0x7d: {  	_ =	shalt  }
0x7e: {  	_ =	shalt  }
0x7f: {  	_ =	shalt  }
0x80: {  	_ =	shalt  }
0x81: {  	_ =	shalt  }
0x82: {  	_ =	shalt  }
0x83: {  	_ =	shalt  }
0x84: {  	_ =	shalt  }
0x85: {  	_ =	shalt  }
0x86: {  	_ =	shalt  }
0x87: {  	_ =	shalt  }
.Lfunc_end0:
.L_simem_size_0:
called_computation_lowered:
.L_overlay_start_0:
0x88: {  	s2 =	sld [smem:$0x3FD9]  }
0x89: {  	s3 =	sld [smem:$0x3FFE];
	_ =	sdelay $0x1  }
0x8a: {  	s1 =	srdreg.scid  }
0x8b: {  	s0 =	sand.u32 $0x1, s1  }
0x8c: {  	s17 =	sshll.u32 s0, $0xA;
	s2 =	sadd.s32 s3, s2  }
0x8d: {  	s2 =	sadd.s32 s2, s17  }
0x8e: {  	[smem:$0x3FB6] =	sst s2  }
0x8f: {  	_ = 	snop  }
0x90: {  	s2 =	sld [smem:$0x3FD0];
	(tm) =	ssettm $0x1  }
0x91: {  	s18 =	sld [smem:$0x3FFB];
	_ =	sdelay $0x3  }
0x92: {  	_ =	strace s18  }
0x93: {  	s3 =	sld [smem:$0x3FFC];
	_ =	sdelay $0x3  }
0x94: {  	_ =	strace s3  }
0x95: {  	s3 =	sld [smem:$0x3FFD];
	_ =	sdelay $0x3  }
0x96: {  	_ =	strace s3  }
0x97: {  	_ =	strace $0x8FFFFFFF  }
0x98: {  	s19 =	sld [smem:$0x3FDB];
	_ =	sdelay $0x1  }
0x99: {  	s4 =	simm.s32 $_scs_section_size  }
0x9a: {  	s5 =	simm.s32 $_size__tile_overlayer_lowered;
	s6 =	simm.s32 $_tile_overlayer_lowered  }
0x9b: {  	s22 =	simm.s32 $0x1BFF;
	s21 =	sshll.u32 s6, $0x1;
	s3 =	sadd.s32 s4, s19  }
0x9c: {  	s7 =	simm.s32 $0x0;
	s20 =	sshll.u32 s5, $0x1;
	s5 =	sadd.s32 s21, s3  }
0x9d: {  	[timem:s7], [sflag:s22] =	dma.local [hbm:s5], s20  }
0x9e: {  	_ =	swait.ge [sflag:s22], s20  }
0x9f: {  	s4 =	ssub.s32 $0x0, s20;
	[sflag:s22] =	ssyncset.done $0x0  }
0xa0: {  	[sflag:s22] =	ssyncadd.s32 s4;
	_ =	sdelay $0x1  }
0xa1: {  	s23 =	simm.s32 $0x1B8B  }
0xa2: {  	_ =	swait.ge [sflag:s23], $0x1  }
0xa3: {  	[sflag:s23] =	ssyncset.done $0x0  }
0xa4: {  	s25 =	simm.s32 $0x1B8E;
	s24 =	sld [smem:$0x3FFE];
	[sflag:s23] =	ssyncadd.s32 $0xFFFFFFFF  }
0xa5: {  	s26 =	simm.s32 $execute0_lowered;
	[smem:$0x3FD2] =	sst s25  }
0xa6: {  	s5 =	sshll.u32 s26, $0x1;
	_ =	strace $0x80000046;
	[dreg:$0x1] =	wrdreg $0xFFFFFFFF  }
0xa7: {  	s28 =	simm.s32 $_size_execute0_lowered;
	s3 =	sadd.s32 s3, s5;
	[dreg:$0x0] =	wrdreg $0x0  }
0xa8: {  	s5 =	sshll.u32 s28, $0x1;
	[dreg:$0x2] =	wrdreg s3  }
0xa9: {  	[dreg:$0x3] =	wrdreg s5  }
0xaa: {  	[dreg:$0x4] =	wrdreg $0xC0  }
0xab: {  	_ =	task [dreg:s7], $0x5FFFF  }
0xac: {  	[dreg:$0x1] =	wrdreg $0xFFFFFFFF  }
0xad: {  	[dreg:$0x0] =	wrdreg $0x60  }
0xae: {  	[dreg:$0x2] =	wrdreg s24  }
0xaf: {  	[dreg:$0x3] =	wrdreg s2  }
0xb0: {  	[dreg:$0x4] =	wrdreg $0xE800  }
0xb1: {  	[dreg:$0x5] =	wrdreg $0x9  }
0xb2: {  	_ =	task.clear_ibuf [dreg:s7], $0x6FFFF;
	_ =	strace $0x90000046  }
0xb3: {  	s29 =	simm.s32 $0x9;
	_ =	strace $0x80000048  }
0xb4: {  	_ =	swait.ge [sflag:s29], $0x1  }
0xb5: {  	[sflag:s29] =	ssyncadd.s32 $0xFFFFFFFF  }
0xb6: {  	_ =	strace $0x90000048  }
0xb7: {  	_ =	sfence  }
0xb8: {  	s30 =	sld [smem:$0x0];
	_ =	sdelay $0x2  }
0xb9: {  	s31 =	sshll.u32 s1, $0xD;
	s1 =	sshrl.u32 s1, $0x2  }
0xba: {  	s3 =	sand.u32 $0x4000, s31;
	s1 =	sadd.s32 s1, s30  }
0xbb: {  	s0 =	sor.u32 s3, s0;
	s1 =	sshll.u32 s1, $0x11  }
0xbc: {  	s0 =	sor.u32 s1, s0  }
0xbd: {  	s0 =	sadd.s32 $0x8F2B, s0  }
0xbe: {  	[sflag:s0] =	ssyncadd.remote.s32 $0x1  }
0xbf: {  	_ =	sfence.sel $0xFFFF  }
0xc0: {  	[dreg:$0x0] =	wrdreg $0xFFFFFFFF;
	(pc) =	sbr.abs _section_cstart, $3  }
0xc1: {  	[dreg:$0x1] =	wrdreg $0xFFFFFFFF  }
0xc2: {  	_ =	task.clear_ibuf [dreg:s7], $0x2FFFF;
	_ =	strace $0x9FFFFFFF  }
0xc3: {  	(tm) =	ssettm $0x7FFFFFFF  }
tec
execute0_lowered:
.L_overlay_start_1:
0x0: {  	(tag) =	ssettag $0x1  }
0x1: {  	s0 =	rddreg [dreg:$0x0]  }
0x2: {  	s1 =	rddreg [dreg:$0x1]  }
0x3: {  	s2 =	rddreg [dreg:$0x2]  }
0x4: {  	s3 =	srdreg.scid;
	s4 =	simm.s32 $0x0;
	s8 =	stileid.u32  }
0x5: {  	s3 =	sand.u32 $0x1, s3;
	[smem:$0x7FF] =	sst s4;
	s5 =	sshll.u32 s8, $0x6  }
0x6: {  	s22 =	sshll.u32 s8, $0xB;
	s21 =	sshll.u32 s3, $0xA;
	_ =	strace $0x80000047  }
0x7: {  	[dreg:$0x4] =	wrdreg s5;
	s6 =	sshll.u32 s3, $0xF;
	s4 =	sor.u32 s5, s21  }
0x8: {  	s5 =	sor.u32 s22, s6;
	s7 =	sadd.s32 s4, s0;
	s1 =	sadd.s32 s1, s4  }
0x9: {  	s0 =	sadd.s32 s5, s0;
	s25 =	sadd.s32 $0x2E00, s7;
	[dreg:$0x6] =	wrdreg s1  }
0xa: {  	s26 =	sadd.s32 $0x3600, s0;
	[dreg:$0x5] =	wrdreg s25  }
0xb: {  	s4 =	sadd.s32 $0x3610, s0;
	[dreg:$0x7] =	wrdreg s26  }
0xc: {  	s5 =	sadd.s32 $0x3620, s0;
	[dreg:$0x8] =	wrdreg s4  }
0xd: {  	s6 =	sadd.s32 $0x3630, s0;
	[dreg:$0x9] =	wrdreg s5  }
0xe: {  	s24 =	sshll.u32 s8, $0xE;
	s8 =	sadd.s32 $0x3640, s0;
	[dreg:$0xa] =	wrdreg s6  }
0xf: {  	s9 =	sadd.s32 $0x3650, s0;
	[dreg:$0xb] =	wrdreg s8  }
0x10: {  	s10 =	sadd.s32 $0x3660, s0;
	[dreg:$0xc] =	wrdreg s9  }
0x11: {  	s11 =	sadd.s32 $0x3670, s0;
	[dreg:$0xd] =	wrdreg s10  }
0x12: {  	s12 =	sadd.s32 $0x3800, s0;
	[dreg:$0xe] =	wrdreg s11  }
0x13: {  	s13 =	sadd.s32 $0x3810, s0;
	[dreg:$0xf] =	wrdreg s12  }
0x14: {  	s14 =	sadd.s32 $0x3820, s0;
	[dreg:$0x10] =	wrdreg s13  }
0x15: {  	s15 =	sadd.s32 $0x3830, s0;
	[dreg:$0x11] =	wrdreg s14  }
0x16: {  	s16 =	sadd.s32 $0x3840, s0;
	[dreg:$0x12] =	wrdreg s15  }
0x17: {  	s17 =	sadd.s32 $0x3850, s0;
	[dreg:$0x13] =	wrdreg s16  }
0x18: {  	s18 =	sadd.s32 $0x3860, s0;
	[dreg:$0x14] =	wrdreg s17  }
0x19: {  	s19 =	sadd.s32 $0x3870, s0;
	[dreg:$0x15] =	wrdreg s18  }
0x1a: {  	s20 =	sadd.s32 $0x3A00, s0;
	[dreg:$0x16] =	wrdreg s19  }
0x1b: {  	s3 =	ssub.s32 $0x2, s3;
	s21 =	sadd.s32 $0x3A10, s0;
	[dreg:$0x17] =	wrdreg s20  }
0x1c: {  	s23 =	sshrl.u32 s3, $0x1;
	s22 =	sadd.s32 $0x3A20, s0;
	[dreg:$0x18] =	wrdreg s21  }
0x1d: {  	s3 =	ssub.s32 s3, s23;
	s23 =	sadd.s32 $0x3A30, s0;
	[dreg:$0x19] =	wrdreg s22  }
0x1e: {  	s7 =	sadd.s32 s24, s2;
	s24 =	sadd.s32 $0x3A40, s0;
	[dreg:$0x1a] =	wrdreg s23  }
0x1f: {  	[dreg:$0x1b] =	wrdreg s24;
	s25 =	sadd.s32 $0x3A50, s0  }
0x20: {  	s26 =	sadd.s32 $0x3A60, s0;
	[dreg:$0x1c] =	wrdreg s25  }
0x21: {  	s4 =	sadd.s32 $0x3A70, s0;
	[dreg:$0x1d] =	wrdreg s26  }
0x22: {  	s5 =	sadd.s32 $0x3C00, s0;
	[dreg:$0x1e] =	wrdreg s4  }
0x23: {  	s6 =	sadd.s32 $0x3C10, s0;
	[dreg:$0x1f] =	wrdreg s5  }
0x24: {  	s8 =	sadd.s32 $0x3C20, s0;
	s9 =	sadd.s32 $0x3C30, s0;
	[smem:$0x7EB] =	sst s6  }
0x25: {  	s10 =	sadd.s32 $0x3C40, s0;
	s11 =	sadd.s32 $0x3C50, s0;
	[smem:$0x7EC] =	sst s8  }
0x26: {  	s12 =	sadd.s32 $0x3C60, s0;
	s0 =	sadd.s32 $0x3C70, s0;
	[smem:$0x7ED] =	sst s9  }
0x27: {  	s13 =	smax.u32 s3, $0x1;
	s14 =	sadd.s32 $0x200, s7;
	[smem:$0x7EE] =	sst s10  }
0x28: {  	s15 =	sadd.s32 $0x400, s7;
	s16 =	sadd.s32 $0x600, s7;
	[smem:$0x7EF] =	sst s11  }
0x29: {  	s19 =	sadd.s32 $0xA00, s7;
	s20 =	sadd.s32 $0xC00, s7;
	[smem:$0x7F0] =	sst s12  }
0x2a: {  	s21 =	sadd.s32 $0xE00, s7;
	s24 =	sadd.s32 $0x1200, s7;
	[smem:$0x7F1] =	sst s0  }
0x2b: {  	[smem:$0x7F2] =	sst s13;
	s0 =	sshrl.u32 s14, $0x3;
	s17 =	sshrl.u32 s15, $0x3  }
0x2c: {  	s18 =	sshrl.u32 s16, $0x3;
	s22 =	sshrl.u32 s20, $0x3;
	s23 =	sshrl.u32 s21, $0x3  }
0x2d: {  	s25 =	sadd.s32 $0x1400, s7;
	s26 =	sadd.s32 $0x1600, s7;
	s6 =	sadd.s32 $0x1A00, s7  }
0x2e: {  	s8 =	sadd.s32 $0x1C00, s7;
	s9 =	sadd.s32 $0x1E00, s7;
	s11 =	sadd.s32 $0x2200, s7  }
0x2f: {  	s12 =	sadd.s32 $0x2400, s7;
	s13 =	sadd.s32 $0x2600, s7;
	[smem:$0x7F3] =	sst s0  }
0x30: {  	s14 =	sadd.s32 $0x2A00, s7;
	s15 =	sadd.s32 $0x2C00, s7;
	[smem:$0x7F4] =	sst s17  }
0x31: {  	s16 =	sadd.s32 $0x2E00, s7;
	s20 =	sadd.s32 $0x3A00, s7;
	[smem:$0x7F5] =	sst s18  }
0x32: {  	s21 =	sadd.s32 $0x3C00, s7;
	s0 =	sshrl.u32 s19, $0x3;
	[smem:$0x7F7] =	sst s22  }
0x33: {  	[smem:$0x7F8] =	sst s23;
	s4 =	sshrl.u32 s25, $0x3;
	s5 =	sshrl.u32 s26, $0x3  }
0x34: {  	s10 =	sshrl.u32 s8, $0x3;
	s23 =	sshrl.u32 s9, $0x3;
	s25 =	sshrl.u32 s12, $0x3  }
0x35: {  	s26 =	sshrl.u32 s13, $0x3;
	s28 =	sshrl.u32 s14, $0x3;
	s29 =	sshrl.u32 s15, $0x3  }
0x36: {  	s30 =	sshrl.u32 s16, $0x3;
	s17 =	sadd.s32 $0x3200, s7;
	s18 =	sadd.s32 $0x3400, s7  }
0x37: {  	s19 =	sadd.s32 $0x3600, s7;
	s22 =	sadd.s32 $0x3E00, s7;
	s3 =	sshrl.u32 s20, $0x3  }
0x38: {  	s8 =	sadd.s32 $0x800, s7;
	s9 =	sadd.s32 $0x1800, s7;
	[smem:$0x7F6] =	sst s0  }
0x39: {  	s12 =	sadd.s32 $0x3000, s7;
	s13 =	sadd.s32 $0x3800, s7;
	[smem:$0x7FA] =	sst s4  }
0x3a: {  	s14 =	simm.s32 $0x680;
	s15 =	simm.s32 $0x1;
	[smem:$0x7FB] =	sst s5  }
0x3b: {  	s16 =	simm.s32 $0x80;
	s0 =	sshrl.u32 s24, $0x3;
	[smem:$0x7FD] =	sst s10  }
0x3c: {  	s24 =	sshrl.u32 s11, $0x3;
	s31 =	sshrl.u32 s17, $0x3;
	s1 =	sshrl.u32 s19, $0x3  }
0x3d: {  	s5 =	sshrl.u32 s21, $0x3;
	s4 =	sadd.s32 $0x1000, s7;
	s10 =	sadd.s32 $0x2000, s7  }
0x3e: {  	s11 =	sadd.s32 $0x2800, s7;
	s17 =	simm.s32 $0x600;
	s19 =	simm.s32 $0x0  }
0x3f: {  	[smem:$0x7F9] =	sst s0;
	s0 =	sshrl.u32 s6, $0x3;
	s6 =	sshrl.u32 s22, $0x3  }
0x40: {  	v0 =	vimm.f32 $1.000000000e+00;
	v1 =	vimm.f32 $0.0e+00;
	[smem:$0x7FC] =	sst s0;
	s0 =	sshrl.u32 s18, $0x3;
	s18 =	simm.s32 $0x10  }
.LBB2_1:
0x41: {  	s20 =	simm.s32 $0x0;
	s21 =	rddreg [dreg:$0x5]  }
0x42: {  	[tilespmem:s20], [sflag:$0x1] =	stream.linear.gather [hbm4b:s21+s20], $0x200, $0x38;
	[tilespmem:$0x4E80] =	vst v63  }
0x43: {  	s22 =	simm.s32 $0x200;
	s21 =	rddreg [dreg:$0x6]  }
0x44: {  	[tilespmem:s22], [sflag:$0x1] =	stream.linear.gather [hbm4b:s21+s20], $0x200, $0x38;
	[tilespmem:$0x4E80] =	vst v63  }
0x45: {  	[tilespmem:$0x600] =	vst v0  }
0x46: {  	[tilespmem:$0x610] =	vst v0  }
0x47: {  	[tilespmem:$0x620] =	vst v0  }
0x48: {  	[tilespmem:$0x630] =	vst v0  }
0x49: {  	[tilespmem:$0x640] =	vst v0  }
0x4a: {  	[tilespmem:$0x650] =	vst v0  }
0x4b: {  	[tilespmem:$0x660] =	vst v0  }
0x4c: {  	s20 =	simm.s32 $0x40;
	s21 =	simm.s32 $0x0;
	[tilespmem:$0x670] =	vst v0  }
.LBB2_2:
0x4d: {  	p0 =	sne.s32 s20, $0x1FC0;
	[tilespmem:s21+$0x680] =	vst v1;
	s21 =	smov.u32 s20;
	s20 =	sadd.s32 $0x40, s20  }
.Ltmp0:
0x4e: {  	(pc) =	sbr.rel @p0 .LBB2_2-.Ltmp0, $2  }
0x4f: {  	_ =	sdelay $0x2  }
0x50: {  	s21 =	sshra.s32 s21, $0x2  }
0x51: {  	[tilespmem:s21+$0x680] =	vst v1  }
0x52: {  	[spmem:s7] =	stream.linear.scatter [tilespmem:s14], [sflag:$0x1], $0x800, $0x38;
	[tilespmem:$0x4E80] =	vst v63  }
0x53: {  	_ = 	snop  }
0x54: {  	[spmem:s8] =	stream.linear.scatter [tilespmem:s14], [sflag:$0x1], $0x800, $0x38;
	[tilespmem:$0x4E80] =	vst v63  }
0x55: {  	_ = 	snop  }
0x56: {  	[spmem:s4] =	stream.linear.scatter [tilespmem:s14], [sflag:$0x1], $0x800, $0x38;
	[tilespmem:$0x4E80] =	vst v63  }
0x57: {  	_ = 	snop  }
0x58: {  	[spmem:s9] =	stream.linear.scatter [tilespmem:s14], [sflag:$0x1], $0x800, $0x38;
	[tilespmem:$0x4E80] =	vst v63  }
0x59: {  	_ = 	snop  }
0x5a: {  	[spmem:s10] =	stream.linear.scatter [tilespmem:s14], [sflag:$0x1], $0x800, $0x38;
	[tilespmem:$0x4E80] =	vst v63  }
0x5b: {  	_ = 	snop  }
0x5c: {  	[spmem:s11] =	stream.linear.scatter [tilespmem:s14], [sflag:$0x1], $0x800, $0x38;
	[tilespmem:$0x4E80] =	vst v63  }
0x5d: {  	_ = 	snop  }
0x5e: {  	[spmem:s12] =	stream.linear.scatter [tilespmem:s14], [sflag:$0x1], $0x800, $0x38;
	[tilespmem:$0x4E80] =	vst v63  }
0x5f: {  	_ = 	snop  }
0x60: {  	[spmem:s13] =	stream.linear.scatter [tilespmem:s14], [sflag:$0x1], $0x800, $0x38;
	[tilespmem:$0x4E80] =	vst v63  }
0x61: {  	_ =	swait.ge [sflag:s15], $0x200  }
0x62: {  	[sflag:s15] =	ssyncset.done $0x0  }
0x63: {  	[sflag:s15] =	ssyncadd.s32 $0xFFFFFE00  }
0x64: {  	_ =	swait.ge [sflag:s15], $0x200  }
0x65: {  	[sflag:s15] =	ssyncset.done $0x0  }
0x66: {  	[sflag:s15] =	ssyncadd.s32 $0xFFFFFE00  }
0x67: {  	v2 =	vld [tilespmem:$0x200]  }
0x68: {  	v3 =	vld [tilespmem:$0x0]  }
0x69: {  	v4 =	vld [tilespmem:$0x210]  }
0x6a: {  	v5 =	vld [tilespmem:$0x10]  }
0x6b: {  	v6 =	vld [tilespmem:$0x220]  }
0x6c: {  	v7 =	vld [tilespmem:$0x20]  }
0x6d: {  	v8 =	vld [tilespmem:$0x230]  }
0x6e: {  	v9 =	vld [tilespmem:$0x30]  }
0x6f: {  	v10 =	vld [tilespmem:$0x240]  }
0x70: {  	v11 =	vld [tilespmem:$0x40]  }
0x71: {  	v12 =	vld [tilespmem:$0x250]  }
0x72: {  	v13 =	vld [tilespmem:$0x50]  }
0x73: {  	v14 =	vld [tilespmem:$0x260]  }
0x74: {  	v15 =	vld [tilespmem:$0x60]  }
0x75: {  	v16 =	vld [tilespmem:$0x270]  }
0x76: {  	v17 =	vld [tilespmem:$0x70]  }
0x77: {  	v18 =	vld [tilespmem:$0x280]  }
0x78: {  	v19 =	vld [tilespmem:$0x80]  }
0x79: {  	v20 =	vld [tilespmem:$0x290]  }
0x7a: {  	v21 =	vld [tilespmem:$0x90]  }
0x7b: {  	v22 =	vld [tilespmem:$0x2A0]  }
0x7c: {  	v23 =	vld [tilespmem:$0xA0]  }
0x7d: {  	v24 =	vld [tilespmem:$0x2B0]  }
0x7e: {  	v25 =	vld [tilespmem:$0xB0]  }
0x7f: {  	v26 =	vld [tilespmem:$0x2C0]  }
0x80: {  	v27 =	vld [tilespmem:$0xC0]  }
0x81: {  	v28 =	vld [tilespmem:$0x2D0]  }
0x82: {  	v29 =	vld [tilespmem:$0xD0]  }
0x83: {  	v30 =	vld [tilespmem:$0x2E0]  }
0x84: {  	v31 =	vld [tilespmem:$0xE0]  }
0x85: {  	v32 =	vld [tilespmem:$0x2F0]  }
0x86: {  	v33 =	vld [tilespmem:$0xF0]  }
0x87: {  	v34 =	vld [tilespmem:$0x300]  }
0x88: {  	v35 =	vld [tilespmem:$0x100]  }
0x89: {  	v36 =	vld [tilespmem:$0x310]  }
0x8a: {  	v37 =	vld [tilespmem:$0x110]  }
0x8b: {  	v38 =	vld [tilespmem:$0x320];
	v2 =	vshll.u32 v2, $0x9  }
0x8c: {  	v62 =	vld [tilespmem:$0x120];
	v2 =	vadd.s32 v3, v2;
	v3 =	vshll.u32 v4, $0x9  }
0x8d: {  	v63 =	vld [tilespmem:$0x330];
	[tilespmem:$0x400] =	vst v2;
	v2 =	vadd.s32 v5, v3;
	v3 =	vshll.u32 v6, $0x9  }
0x8e: {  	v39 =	vld [tilespmem:$0x130];
	[tilespmem:$0x410] =	vst v2;
	v2 =	vadd.s32 v7, v3;
	v3 =	vshll.u32 v8, $0x9  }
0x8f: {  	v40 =	vld [tilespmem:$0x340];
	[tilespmem:$0x420] =	vst v2;
	v2 =	vadd.s32 v9, v3;
	v3 =	vshll.u32 v10, $0x9  }
0x90: {  	v41 =	vld [tilespmem:$0x140];
	[tilespmem:$0x430] =	vst v2;
	v2 =	vadd.s32 v11, v3;
	v3 =	vshll.u32 v12, $0x9  }
0x91: {  	v42 =	vld [tilespmem:$0x350];
	[tilespmem:$0x440] =	vst v2;
	v2 =	vadd.s32 v13, v3;
	v3 =	vshll.u32 v14, $0x9  }
0x92: {  	v43 =	vld [tilespmem:$0x150];
	[tilespmem:$0x450] =	vst v2;
	v2 =	vadd.s32 v15, v3;
	v3 =	vshll.u32 v16, $0x9  }
0x93: {  	v44 =	vld [tilespmem:$0x360];
	[tilespmem:$0x460] =	vst v2;
	v2 =	vadd.s32 v17, v3;
	v3 =	vshll.u32 v18, $0x9  }
0x94: {  	v45 =	vld [tilespmem:$0x160];
	[tilespmem:$0x470] =	vst v2;
	v2 =	vadd.s32 v19, v3;
	v3 =	vshll.u32 v20, $0x9  }
0x95: {  	v46 =	vld [tilespmem:$0x370];
	[tilespmem:$0x480] =	vst v2;
	v2 =	vadd.s32 v21, v3;
	v3 =	vshll.u32 v22, $0x9  }
0x96: {  	v47 =	vld [tilespmem:$0x170];
	[tilespmem:$0x490] =	vst v2;
	v2 =	vadd.s32 v23, v3;
	v3 =	vshll.u32 v24, $0x9  }
0x97: {  	v48 =	vld [tilespmem:$0x380];
	[tilespmem:$0x4A0] =	vst v2;
	v2 =	vadd.s32 v25, v3;
	v3 =	vshll.u32 v26, $0x9  }
0x98: {  	v49 =	vld [tilespmem:$0x180];
	[tilespmem:$0x4B0] =	vst v2;
	v2 =	vadd.s32 v27, v3;
	v3 =	vshll.u32 v28, $0x9  }
0x99: {  	v50 =	vld [tilespmem:$0x390];
	[tilespmem:$0x4C0] =	vst v2;
	v2 =	vadd.s32 v29, v3;
	v3 =	vshll.u32 v30, $0x9  }
0x9a: {  	v51 =	vld [tilespmem:$0x190];
	[tilespmem:$0x4D0] =	vst v2;
	v2 =	vadd.s32 v31, v3;
	v3 =	vshll.u32 v32, $0x9  }
0x9b: {  	v52 =	vld [tilespmem:$0x3A0];
	[tilespmem:$0x4E0] =	vst v2;
	v2 =	vadd.s32 v33, v3;
	v3 =	vshll.u32 v34, $0x9  }
0x9c: {  	v53 =	vld [tilespmem:$0x1A0];
	[tilespmem:$0x4F0] =	vst v2;
	v2 =	vadd.s32 v35, v3;
	v3 =	vshll.u32 v36, $0x9  }
0x9d: {  	v54 =	vld [tilespmem:$0x3B0];
	[tilespmem:$0x500] =	vst v2;
	v2 =	vadd.s32 v37, v3;
	v3 =	vshll.u32 v38, $0x9  }
0x9e: {  	v55 =	vld [tilespmem:$0x1B0];
	[tilespmem:$0x510] =	vst v2;
	v2 =	vadd.s32 v62, v3;
	v3 =	vshll.u32 v63, $0x9  }
0x9f: {  	v56 =	vld [tilespmem:$0x3C0];
	[tilespmem:$0x520] =	vst v2;
	v2 =	vadd.s32 v39, v3;
	v3 =	vshll.u32 v40, $0x9  }
0xa0: {  	v57 =	vld [tilespmem:$0x1C0];
	[tilespmem:$0x530] =	vst v2;
	v2 =	vadd.s32 v41, v3;
	v3 =	vshll.u32 v42, $0x9  }
0xa1: {  	v58 =	vld [tilespmem:$0x3D0];
	[tilespmem:$0x540] =	vst v2;
	v2 =	vadd.s32 v43, v3;
	v3 =	vshll.u32 v44, $0x9  }
0xa2: {  	v59 =	vld [tilespmem:$0x1D0];
	[tilespmem:$0x550] =	vst v2;
	v2 =	vadd.s32 v45, v3;
	v3 =	vshll.u32 v46, $0x9  }
0xa3: {  	v60 =	vld [tilespmem:$0x3E0];
	[tilespmem:$0x560] =	vst v2;
	v2 =	vadd.s32 v47, v3;
	v3 =	vshll.u32 v48, $0x9  }
0xa4: {  	v61 =	vld [tilespmem:$0x1E0];
	[tilespmem:$0x570] =	vst v2;
	v2 =	vadd.s32 v49, v3;
	v3 =	vshll.u32 v50, $0x9  }
0xa5: {  	v62 =	vld [tilespmem:$0x3F0];
	[tilespmem:$0x580] =	vst v2;
	v2 =	vadd.s32 v51, v3;
	v3 =	vshll.u32 v52, $0x9  }
0xa6: {  	v63 =	vld [tilespmem:$0x1F0];
	[tilespmem:$0x590] =	vst v2;
	v2 =	vadd.s32 v53, v3;
	v3 =	vshll.u32 v54, $0x9  }
0xa7: {  	[tilespmem:$0x5A0] =	vst v2;
	v2 =	vadd.s32 v55, v3;
	v3 =	vshll.u32 v56, $0x9  }
0xa8: {  	[tilespmem:$0x5B0] =	vst v2;
	v2 =	vadd.s32 v57, v3;
	v3 =	vshll.u32 v58, $0x9  }
0xa9: {  	[tilespmem:$0x5C0] =	vst v2;
	v2 =	vadd.s32 v59, v3;
	v3 =	vshll.u32 v60, $0x9  }
0xaa: {  	[tilespmem:$0x5D0] =	vst v2;
	v2 =	vadd.s32 v61, v3;
	v3 =	vshll.u32 v62, $0x9  }
0xab: {  	[tilespmem:$0x5E0] =	vst v2;
	v2 =	vadd.s32 v63, v3  }
0xac: {  	[tilespmem:$0x5F0] =	vst v2  }
0xad: {  	_ =	swait.ge [sflag:s15], $0x800  }
0xae: {  	[sflag:s15] =	ssyncset.done $0x0  }
0xaf: {  	[sflag:s15] =	ssyncadd.s32 $0xFFFFF800  }
0xb0: {  	_ =	swait.ge [sflag:s15], $0x800  }
0xb1: {  	[sflag:s15] =	ssyncset.done $0x0  }
0xb2: {  	[sflag:s15] =	ssyncadd.s32 $0xFFFFF800  }
0xb3: {  	_ =	swait.ge [sflag:s15], $0x800  }
0xb4: {  	[sflag:s15] =	ssyncset.done $0x0  }
0xb5: {  	[sflag:s15] =	ssyncadd.s32 $0xFFFFF800  }
0xb6: {  	_ =	swait.ge [sflag:s15], $0x800  }
0xb7: {  	[sflag:s15] =	ssyncset.done $0x0  }
0xb8: {  	[sflag:s15] =	ssyncadd.s32 $0xFFFFF800  }
0xb9: {  	_ =	swait.ge [sflag:s15], $0x800  }
0xba: {  	[sflag:s15] =	ssyncset.done $0x0  }
0xbb: {  	[sflag:s15] =	ssyncadd.s32 $0xFFFFF800  }
0xbc: {  	_ =	swait.ge [sflag:s15], $0x800  }
0xbd: {  	[sflag:s15] =	ssyncset.done $0x0  }
0xbe: {  	[sflag:s15] =	ssyncadd.s32 $0xFFFFF800  }
0xbf: {  	_ =	swait.ge [sflag:s15], $0x800  }
0xc0: {  	[sflag:s15] =	ssyncset.done $0x0  }
0xc1: {  	[sflag:s15] =	ssyncadd.s32 $0xFFFFF800  }
0xc2: {  	_ =	swait.ge [sflag:s15], $0x800  }
0xc3: {  	[sflag:s15] =	ssyncset.done $0x0  }
0xc4: {  	[sflag:s15] =	ssyncadd.s32 $0xFFFFF800  }
0xc5: {  	s20 =	simm.s32 $0x400;
	[bflag:$0x0] =	sbarrier.arrive $0xFFFF  }
0xc6: {  	[spmem:s2] =	stream.indirect.scatter.add.f32 [tilespmem:s17], [sflag:$0x1], $0x1, s20, s16, $0xb8;
	[tilespmem:$0x4E80] =	vst v63  }
0xc7: {  	s22 =	simm.s32 $0x480  }
0xc8: {  	[spmem:s2] =	stream.indirect.scatter.add.f32 [tilespmem:s17], [sflag:$0x1], $0x1, s22, s16, $0xb8;
	[tilespmem:$0x4E80] =	vst v63  }
0xc9: {  	s21 =	simm.s32 $0x500  }
0xca: {  	[spmem:s2] =	stream.indirect.scatter.add.f32 [tilespmem:s17], [sflag:$0x1], $0x1, s21, s16, $0xb8;
	[tilespmem:$0x4E80] =	vst v63  }
0xcb: {  	s22 =	simm.s32 $0x580  }
0xcc: {  	[spmem:s2] =	stream.indirect.scatter.add.f32 [tilespmem:s17], [sflag:$0x1], $0x1, s22, s16, $0xb8;
	[tilespmem:$0x4E80] =	vst v63  }
0xcd: {  	_ =	swait.ge [sflag:s15], $0x80  }
0xce: {  	[sflag:s15] =	ssyncset.done $0x0  }
0xcf: {  	[sflag:s15] =	ssyncadd.s32 $0xFFFFFF80  }
0xd0: {  	_ =	swait.ge [sflag:s15], $0x80  }
0xd1: {  	[sflag:s15] =	ssyncset.done $0x0  }
0xd2: {  	[sflag:s15] =	ssyncadd.s32 $0xFFFFFF80  }
0xd3: {  	_ =	swait.ge [sflag:s15], $0x80  }
0xd4: {  	[sflag:s15] =	ssyncset.done $0x0  }
0xd5: {  	[sflag:s15] =	ssyncadd.s32 $0xFFFFFF80  }
0xd6: {  	_ =	swait.ge [sflag:s15], $0x80  }
0xd7: {  	[sflag:s15] =	ssyncset.done $0x0  }
0xd8: {  	[sflag:s15] =	ssyncadd.s32 $0xFFFFFF80  }
0xd9: {  	[bflag:$0x0] =	sbarrier.arrive $0xFFFF  }
0xda: {  	s21 =	rddreg [dreg:$0x4]  }
0xdb: {  	s22 =	rddreg [dreg:$0x7];
	s20 =	sor.u32 $0x1C01, s21;
	s21 =	sshrl.u32 s7, $0x3  }
0xdc: {  	[hbm:s22@s16], [sflag:s20] =	dma.strided [spmem:s21@s18], $0x40, s15, $0x10   }
0xdd: {  	s22 =	sld [smem:$0x7F3];
	_ =	sdelay $0x1  }
0xde: {  	s21 =	rddreg [dreg:$0x8]  }
0xdf: {  	[hbm:s21@s16], [sflag:s20] =	dma.strided [spmem:s22@s18], $0x40, s15, $0x10   }
0xe0: {  	s22 =	sld [smem:$0x7F4];
	_ =	sdelay $0x1  }
0xe1: {  	s21 =	rddreg [dreg:$0x9]  }
0xe2: {  	[hbm:s21@s16], [sflag:s20] =	dma.strided [spmem:s22@s18], $0x40, s15, $0x10   }
0xe3: {  	s22 =	sld [smem:$0x7F5];
	_ =	sdelay $0x1  }
0xe4: {  	s21 =	rddreg [dreg:$0xa]  }
0xe5: {  	[hbm:s21@s16], [sflag:s20] =	dma.strided [spmem:s22@s18], $0x40, s15, $0x10   }
0xe6: {  	s21 =	sshrl.u32 s8, $0x3;
	s22 =	rddreg [dreg:$0xb]  }
0xe7: {  	[hbm:s22@s16], [sflag:s20] =	dma.strided [spmem:s21@s18], $0x40, s15, $0x10   }
0xe8: {  	s22 =	sld [smem:$0x7F6];
	_ =	sdelay $0x1  }
0xe9: {  	s21 =	rddreg [dreg:$0xc]  }
0xea: {  	[hbm:s21@s16], [sflag:s20] =	dma.strided [spmem:s22@s18], $0x40, s15, $0x10   }
0xeb: {  	s22 =	sld [smem:$0x7F7];
	_ =	sdelay $0x1  }
0xec: {  	s21 =	rddreg [dreg:$0xd]  }
0xed: {  	[hbm:s21@s16], [sflag:s20] =	dma.strided [spmem:s22@s18], $0x40, s15, $0x10   }
0xee: {  	s22 =	sld [smem:$0x7F8];
	_ =	sdelay $0x1  }
0xef: {  	s21 =	rddreg [dreg:$0xe]  }
0xf0: {  	[hbm:s21@s16], [sflag:s20] =	dma.strided [spmem:s22@s18], $0x40, s15, $0x10   }
0xf1: {  	s21 =	sshrl.u32 s4, $0x3;
	s22 =	rddreg [dreg:$0xf]  }
0xf2: {  	[hbm:s22@s16], [sflag:s20] =	dma.strided [spmem:s21@s18], $0x40, s15, $0x10   }
0xf3: {  	s22 =	sld [smem:$0x7F9];
	_ =	sdelay $0x1  }
0xf4: {  	s21 =	rddreg [dreg:$0x10]  }
0xf5: {  	[hbm:s21@s16], [sflag:s20] =	dma.strided [spmem:s22@s18], $0x40, s15, $0x10   }
0xf6: {  	s22 =	sld [smem:$0x7FA];
	_ =	sdelay $0x1  }
0xf7: {  	s21 =	rddreg [dreg:$0x11]  }
0xf8: {  	[hbm:s21@s16], [sflag:s20] =	dma.strided [spmem:s22@s18], $0x40, s15, $0x10   }
0xf9: {  	s22 =	sld [smem:$0x7FB];
	_ =	sdelay $0x1  }
0xfa: {  	s21 =	rddreg [dreg:$0x12]  }
0xfb: {  	[hbm:s21@s16], [sflag:s20] =	dma.strided [spmem:s22@s18], $0x40, s15, $0x10   }
0xfc: {  	s21 =	sshrl.u32 s9, $0x3;
	s22 =	rddreg [dreg:$0x13]  }
0xfd: {  	[hbm:s22@s16], [sflag:s20] =	dma.strided [spmem:s21@s18], $0x40, s15, $0x10   }
0xfe: {  	s22 =	sld [smem:$0x7FC];
	_ =	sdelay $0x1  }
0xff: {  	s21 =	rddreg [dreg:$0x14]  }
0x100: {  	[hbm:s21@s16], [sflag:s20] =	dma.strided [spmem:s22@s18], $0x40, s15, $0x10   }
0x101: {  	s22 =	sld [smem:$0x7FD];
	_ =	sdelay $0x1  }
0x102: {  	s21 =	rddreg [dreg:$0x15]  }
0x103: {  	[hbm:s21@s16], [sflag:s20] =	dma.strided [spmem:s22@s18], $0x40, s15, $0x10   }
0x104: {  	s21 =	rddreg [dreg:$0x16]  }
0x105: {  	[hbm:s21@s16], [sflag:s20] =	dma.strided [spmem:s23@s18], $0x40, s15, $0x10   }
0x106: {  	s21 =	sshrl.u32 s10, $0x3;
	s22 =	rddreg [dreg:$0x17]  }
0x107: {  	[hbm:s22@s16], [sflag:s20] =	dma.strided [spmem:s21@s18], $0x40, s15, $0x10   }
0x108: {  	s21 =	rddreg [dreg:$0x18]  }
0x109: {  	[hbm:s21@s16], [sflag:s20] =	dma.strided [spmem:s24@s18], $0x40, s15, $0x10   }
0x10a: {  	s21 =	rddreg [dreg:$0x19]  }
0x10b: {  	[hbm:s21@s16], [sflag:s20] =	dma.strided [spmem:s25@s18], $0x40, s15, $0x10   }
0x10c: {  	s21 =	rddreg [dreg:$0x1a]  }
0x10d: {  	[hbm:s21@s16], [sflag:s20] =	dma.strided [spmem:s26@s18], $0x40, s15, $0x10   }
0x10e: {  	s21 =	sshrl.u32 s11, $0x3;
	s22 =	rddreg [dreg:$0x1b]  }
0x10f: {  	[hbm:s22@s16], [sflag:s20] =	dma.strided [spmem:s21@s18], $0x40, s15, $0x10   }
0x110: {  	s21 =	rddreg [dreg:$0x1c]  }
0x111: {  	[hbm:s21@s16], [sflag:s20] =	dma.strided [spmem:s28@s18], $0x40, s15, $0x10   }
0x112: {  	s21 =	rddreg [dreg:$0x1d]  }
0x113: {  	[hbm:s21@s16], [sflag:s20] =	dma.strided [spmem:s29@s18], $0x40, s15, $0x10   }
0x114: {  	s21 =	rddreg [dreg:$0x1e]  }
0x115: {  	[hbm:s21@s16], [sflag:s20] =	dma.strided [spmem:s30@s18], $0x40, s15, $0x10   }
0x116: {  	s21 =	sshrl.u32 s12, $0x3;
	s22 =	rddreg [dreg:$0x1f]  }
0x117: {  	[hbm:s22@s16], [sflag:s20] =	dma.strided [spmem:s21@s18], $0x40, s15, $0x10   }
0x118: {  	s21 =	sld [smem:$0x7EB];
	_ =	sdelay $0x2  }
0x119: {  	[hbm:s21@s16], [sflag:s20] =	dma.strided [spmem:s31@s18], $0x40, s15, $0x10   }
0x11a: {  	s21 =	sld [smem:$0x7EC];
	_ =	sdelay $0x2  }
0x11b: {  	[hbm:s21@s16], [sflag:s20] =	dma.strided [spmem:s0@s18], $0x40, s15, $0x10   }
0x11c: {  	s21 =	sld [smem:$0x7ED];
	_ =	sdelay $0x2  }
0x11d: {  	[hbm:s21@s16], [sflag:s20] =	dma.strided [spmem:s1@s18], $0x40, s15, $0x10   }
0x11e: {  	s22 =	sld [smem:$0x7EE];
	_ =	sdelay $0x1  }
0x11f: {  	s21 =	sshrl.u32 s13, $0x3  }
0x120: {  	[hbm:s22@s16], [sflag:s20] =	dma.strided [spmem:s21@s18], $0x40, s15, $0x10   }
0x121: {  	s21 =	sld [smem:$0x7EF];
	_ =	sdelay $0x2  }
0x122: {  	[hbm:s21@s16], [sflag:s20] =	dma.strided [spmem:s3@s18], $0x40, s15, $0x10   }
0x123: {  	s21 =	sld [smem:$0x7F0];
	_ =	sdelay $0x2  }
0x124: {  	[hbm:s21@s16], [sflag:s20] =	dma.strided [spmem:s5@s18], $0x40, s15, $0x10   }
0x125: {  	s21 =	sld [smem:$0x7F1];
	_ =	sdelay $0x2  }
0x126: {  	[hbm:s21@s16], [sflag:s20] =	dma.strided [spmem:s6@s18], $0x40, s15, $0x10   }
0x127: {  	_ =	swait.ge [sflag:s15], $0x40  }
0x128: {  	[sflag:s15] =	ssyncset.done $0x0  }
0x129: {  	[sflag:s15] =	ssyncadd.s32 $0xFFFFFFC0  }
0x12a: {  	_ =	swait.ge [sflag:s15], $0x40  }
0x12b: {  	[sflag:s15] =	ssyncset.done $0x0  }
0x12c: {  	[sflag:s15] =	ssyncadd.s32 $0xFFFFFFC0  }
0x12d: {  	_ =	swait.ge [sflag:s15], $0x40  }
0x12e: {  	[sflag:s15] =	ssyncset.done $0x0  }
0x12f: {  	[sflag:s15] =	ssyncadd.s32 $0xFFFFFFC0  }
0x130: {  	_ =	swait.ge [sflag:s15], $0x40  }
0x131: {  	[sflag:s15] =	ssyncset.done $0x0  }
0x132: {  	[sflag:s15] =	ssyncadd.s32 $0xFFFFFFC0  }
0x133: {  	_ =	swait.ge [sflag:s15], $0x40  }
0x134: {  	[sflag:s15] =	ssyncset.done $0x0  }
0x135: {  	[sflag:s15] =	ssyncadd.s32 $0xFFFFFFC0  }
0x136: {  	_ =	swait.ge [sflag:s15], $0x40  }
0x137: {  	[sflag:s15] =	ssyncset.done $0x0  }
0x138: {  	[sflag:s15] =	ssyncadd.s32 $0xFFFFFFC0  }
0x139: {  	_ =	swait.ge [sflag:s15], $0x40  }
0x13a: {  	[sflag:s15] =	ssyncset.done $0x0  }
0x13b: {  	[sflag:s15] =	ssyncadd.s32 $0xFFFFFFC0  }
0x13c: {  	_ =	swait.ge [sflag:s15], $0x40  }
0x13d: {  	[sflag:s15] =	ssyncset.done $0x0  }
0x13e: {  	[sflag:s15] =	ssyncadd.s32 $0xFFFFFFC0  }
0x13f: {  	_ =	swait.ge [sflag:s15], $0x40  }
0x140: {  	[sflag:s15] =	ssyncset.done $0x0  }
0x141: {  	[sflag:s15] =	ssyncadd.s32 $0xFFFFFFC0  }
0x142: {  	_ =	swait.ge [sflag:s15], $0x40  }
0x143: {  	[sflag:s15] =	ssyncset.done $0x0  }
0x144: {  	[sflag:s15] =	ssyncadd.s32 $0xFFFFFFC0  }
0x145: {  	_ =	swait.ge [sflag:s15], $0x40  }
0x146: {  	[sflag:s15] =	ssyncset.done $0x0  }
0x147: {  	[sflag:s15] =	ssyncadd.s32 $0xFFFFFFC0  }
0x148: {  	_ =	swait.ge [sflag:s15], $0x40  }
0x149: {  	[sflag:s15] =	ssyncset.done $0x0  }
0x14a: {  	[sflag:s15] =	ssyncadd.s32 $0xFFFFFFC0  }
0x14b: {  	_ =	swait.ge [sflag:s15], $0x40  }
0x14c: {  	[sflag:s15] =	ssyncset.done $0x0  }
0x14d: {  	[sflag:s15] =	ssyncadd.s32 $0xFFFFFFC0  }
0x14e: {  	_ =	swait.ge [sflag:s15], $0x40  }
0x14f: {  	[sflag:s15] =	ssyncset.done $0x0  }
0x150: {  	[sflag:s15] =	ssyncadd.s32 $0xFFFFFFC0  }
0x151: {  	_ =	swait.ge [sflag:s15], $0x40  }
0x152: {  	[sflag:s15] =	ssyncset.done $0x0  }
0x153: {  	[sflag:s15] =	ssyncadd.s32 $0xFFFFFFC0  }
0x154: {  	_ =	swait.ge [sflag:s15], $0x40  }
0x155: {  	[sflag:s15] =	ssyncset.done $0x0  }
0x156: {  	[sflag:s15] =	ssyncadd.s32 $0xFFFFFFC0  }
0x157: {  	_ =	swait.ge [sflag:s15], $0x40  }
0x158: {  	[sflag:s15] =	ssyncset.done $0x0  }
0x159: {  	[sflag:s15] =	ssyncadd.s32 $0xFFFFFFC0  }
0x15a: {  	_ =	swait.ge [sflag:s15], $0x40  }
0x15b: {  	[sflag:s15] =	ssyncset.done $0x0  }
0x15c: {  	[sflag:s15] =	ssyncadd.s32 $0xFFFFFFC0  }
0x15d: {  	_ =	swait.ge [sflag:s15], $0x40  }
0x15e: {  	[sflag:s15] =	ssyncset.done $0x0  }
0x15f: {  	[sflag:s15] =	ssyncadd.s32 $0xFFFFFFC0  }
0x160: {  	_ =	swait.ge [sflag:s15], $0x40  }
0x161: {  	[sflag:s15] =	ssyncset.done $0x0  }
0x162: {  	[sflag:s15] =	ssyncadd.s32 $0xFFFFFFC0  }
0x163: {  	_ =	swait.ge [sflag:s15], $0x40  }
0x164: {  	[sflag:s15] =	ssyncset.done $0x0  }
0x165: {  	[sflag:s15] =	ssyncadd.s32 $0xFFFFFFC0  }
0x166: {  	_ =	swait.ge [sflag:s15], $0x40  }
0x167: {  	[sflag:s15] =	ssyncset.done $0x0  }
0x168: {  	[sflag:s15] =	ssyncadd.s32 $0xFFFFFFC0  }
0x169: {  	_ =	swait.ge [sflag:s15], $0x40  }
0x16a: {  	[sflag:s15] =	ssyncset.done $0x0  }
0x16b: {  	[sflag:s15] =	ssyncadd.s32 $0xFFFFFFC0  }
0x16c: {  	_ =	swait.ge [sflag:s15], $0x40  }
0x16d: {  	[sflag:s15] =	ssyncset.done $0x0  }
0x16e: {  	[sflag:s15] =	ssyncadd.s32 $0xFFFFFFC0  }
0x16f: {  	_ =	swait.ge [sflag:s15], $0x40  }
0x170: {  	[sflag:s15] =	ssyncset.done $0x0  }
0x171: {  	[sflag:s15] =	ssyncadd.s32 $0xFFFFFFC0  }
0x172: {  	_ =	swait.ge [sflag:s15], $0x40  }
0x173: {  	[sflag:s15] =	ssyncset.done $0x0  }
0x174: {  	[sflag:s15] =	ssyncadd.s32 $0xFFFFFFC0  }
0x175: {  	_ =	swait.ge [sflag:s15], $0x40  }
0x176: {  	[sflag:s15] =	ssyncset.done $0x0  }
0x177: {  	[sflag:s15] =	ssyncadd.s32 $0xFFFFFFC0  }
0x178: {  	_ =	swait.ge [sflag:s15], $0x40  }
0x179: {  	[sflag:s15] =	ssyncset.done $0x0  }
0x17a: {  	[sflag:s15] =	ssyncadd.s32 $0xFFFFFFC0  }
0x17b: {  	_ =	swait.ge [sflag:s15], $0x40  }
0x17c: {  	[sflag:s15] =	ssyncset.done $0x0  }
0x17d: {  	[sflag:s15] =	ssyncadd.s32 $0xFFFFFFC0  }
0x17e: {  	_ =	swait.ge [sflag:s15], $0x40  }
0x17f: {  	[sflag:s15] =	ssyncset.done $0x0  }
0x180: {  	[sflag:s15] =	ssyncadd.s32 $0xFFFFFFC0  }
0x181: {  	_ =	swait.ge [sflag:s15], $0x40  }
0x182: {  	[sflag:s15] =	ssyncset.done $0x0  }
0x183: {  	[sflag:s15] =	ssyncadd.s32 $0xFFFFFFC0  }
0x184: {  	_ =	swait.ge [sflag:s15], $0x40  }
0x185: {  	s22 =	sld [smem:$0x7F2];
	_ =	sdelay $0x1  }
0x186: {  	s19 =	sadd.s32 $0x1, s19  }
0x187: {  	p0 =	sne.s32 s19, s22  }
.Ltmp1:
0x188: {  	_ = 	snop;
	(pc) =	sbr.rel @p0 .LBB2_1-.Ltmp1, $3  }
0x189: {  	_ =	sdelay $0x1  }
0x18a: {  	[sflag:s15] =	ssyncset.done $0x0  }
0x18b: {  	[sflag:s15] =	ssyncadd.s32 $0xFFFFFFC0  }
0x18c: {  	_ =	sfence.sel $0x180000  }
0x18d: {  	[bflag:$0x0] =	sbarrier.arrive $0xFFFF  }
0x18e: {  	_ =	strace $0x90000047  }
0x18f: {  	s0 =	stileid.u32;
	[bflag:$0x2] =	sbarrier.arrive $0xFFFF  }
0x190: {  	p0 =	sne.s32 s0, $0x0;
	s0 =	rddreg [dreg:$0x3]  }
0x191: {  	s0 =	sadd.s32 @!p0 $0x100000, s0  }
0x192: {  	[sflag:s0] =	ssyncadd.tile.s32 @!p0 $0x1;
	_ =	shalt  }
.Lfunc_end2:
_tile_overlayer_lowered:
.L_overlay_start_2:
0x193: {  	(tag) =	ssettag $0x2  }
0x194: {  	s0 =	rddreg [dreg:$0x0];
	s2 =	stileid.u32  }
0x195: {  	s1 =	rddreg [dreg:$0x1];
	p0 =	sne.s32 s2, $0x0  }
0x196: {  	s3 =	rddreg [dreg:$0x2];
	[bflag:$0x3] =	sbarrier.arrive $0xFFFF;
	s2 =	simm.s32 @!p0 $0x1C02  }
0x197: {  	[timem:s3], [sflag:s2] =	dma.local @!p0 [hbm:s0], s1  }
0x198: {  	s0 =	simm.s32 @!p0 $0x2  }
0x199: {  	_ =	swait.ge @!p0 [sflag:s0], s1  }
0x19a: {  	s1 =	ssub.s32 @!p0 $0x0, s1;
	[sflag:s0] =	ssyncset.done @!p0 $0x0  }
0x19b: {  	[sflag:s0] =	ssyncadd.s32 @!p0 s1  }
0x19c: {  	[bflag:$0x3] =	sbarrier.arrive $0xFFFF  }
0x19d: {  	_ =	shalt  }

</sc_bundles>
